<compile_context>
chip_gen: v7x
topology: tpu7x:2x2x1
jax: 0.10.2.dev20260603
libtpu: 0.0.44.dev20260713+nightly
codegen_flags: <defaults>
</compile_context>

<pallas_src>
import functools

import jax
import jax.numpy as jnp
import ml_dtypes
import numpy as np
from jax import lax
from jax.experimental import pallas as pl
from jax.experimental.pallas import tpu as pltpu
from jax.experimental.pallas import tpu_sc as plsc

_D = 128
_NUM_SCALES = _D // 6
_LAMBDA_MIN = 0.01
_LAMBDA_MAX = 10.0
_CH = 128
_G = 5
_T = 2048


def _sc_gather(table, ids_flat):
    info = plsc.get_sparse_core_info()
    nc, ns = info.num_cores, info.num_subcores
    nw = nc * ns
    n = ids_flat.shape[0]
    per_w = n // nw
    k = per_w // _CH
    steps = k // _G
    mesh = plsc.VectorSubcoreMesh(core_axis_name="c", subcore_axis_name="s")

    @functools.partial(
        pl.kernel, mesh=mesh,
        out_type=jax.ShapeDtypeStruct((n, _D), jnp.float32),
        scratch_types=[
            pltpu.VMEM((_G * _CH,), jnp.int32),
            pltpu.VMEM((_G, _CH, _D), jnp.float32),
            pltpu.SemaphoreType.DMA,
        ],
    )
    def gk(ids_hbm, table_hbm, out_hbm, idx_v, rows_v, sem):
        wid = lax.axis_index("s") * nc + lax.axis_index("c")
        tbase = wid * per_w

        def body(i, carry):
            pltpu.sync_copy(
                ids_hbm.at[pl.ds(tbase + i * (_G * _CH), _G * _CH)], idx_v)
            cps = [
                pltpu.async_copy(
                    table_hbm.at[idx_v.at[pl.ds(b * _CH, _CH)]],
                    rows_v.at[b], sem)
                for b in range(_G)
            ]
            for b in range(_G):
                cps[b].wait()
                pltpu.sync_copy(
                    rows_v.at[b],
                    out_hbm.at[pl.ds(tbase + (i * _G + b) * _CH, _CH)])
            return carry

        lax.fori_loop(0, steps, body, 0)

    return gk(ids_flat, table)


_RB = 8
_TW = 512

_MAGIC = 12582912.0
_INV_HPI = 0.6366197723675814
_HPI_HI = 1.5703125
_HPI_LO = 4.8382679489659615e-4


def _sincos_core(z):
    t = z * _INV_HPI + _MAGIC
    q = lax.bitcast_convert_type(t, jnp.int32)
    kf = t - _MAGIC
    r = z - kf * _HPI_HI
    r = r - kf * _HPI_LO
    r2 = r * r
    s = r * (1.0 + r2 * (-1.6666667e-1 + r2 * (8.3333333e-3
                                               + r2 * (-1.9841270e-4))))
    c = 1.0 + r2 * (-0.5 + r2 * (4.1666667e-2 + r2 * (-1.3888889e-3
                                                      + r2 * 2.4801587e-5)))
    return s, c, q


def _flip_sign(v, sign_bits):
    return lax.bitcast_convert_type(
        lax.bitcast_convert_type(v, jnp.int32) ^ sign_bits, jnp.float32)


def _fast_sin(z):
    s, c, q = _sincos_core(z)
    return _flip_sign(jnp.where((q & 1) == 0, s, c), (q & 2) << 30)


def _fast_sincos(z):
    s, c, q = _sincos_core(z)
    even = (q & 1) == 0
    sin_z = _flip_sign(jnp.where(even, s, c), (q & 2) << 30)
    cos_z = _flip_sign(jnp.where(even, c, s), ((q + 1) & 2) << 30)
    return sin_z, cos_z


def _tc_body(x_ref, y_ref, a_ref, d_ref, k_ref, wsin_ref, wcos_ref, bs_ref,
             wall_ref, ball_ref, reg_ref, out_ref):
    colmask = lax.broadcasted_iota(jnp.int32, (1, _D), 1) == 0
    dn0 = (((0,), (0,)), ((), ()))
    for r in range(_RB):
        sl = pl.ds(r * _TW, _TW)
        xv = x_ref[r:r + 1, :].astype(jnp.bfloat16).astype(jnp.float32)
        yv = y_ref[r:r + 1, :].astype(jnp.bfloat16).astype(jnp.float32)
        z = k_ref[:, 0:1] * xv + k_ref[:, 1:2] * yv
        sin_z, cos_z = _fast_sincos(z)
        loc = lax.dot_general(sin_z.astype(jnp.bfloat16), wsin_ref[...],
                              dn0, preferred_element_type=jnp.float32)
        loc += lax.dot_general(cos_z.astype(jnp.bfloat16), wcos_ref[...],
                               dn0, preferred_element_type=jnp.float32)
        out_ref[sl, 0:_D] = loc + bs_ref[...]
        aa = lax.dot_general(a_ref[r:r + 1, :], wall_ref[...], dn0,
                             precision=lax.Precision.HIGHEST,
                             preferred_element_type=jnp.float32) + ball_ref[...]
        out_ref[sl, _D:2 * _D] = jnp.where(colmask, aa, _fast_sin(aa))
        dd = lax.dot_general(d_ref[r:r + 1, :], wall_ref[...], dn0,
                             precision=lax.Precision.HIGHEST,
                             preferred_element_type=jnp.float32) + ball_ref[...]
        out_ref[sl, 2 * _D:3 * _D] = jnp.where(colmask, dd, _fast_sin(dd))
    out_ref[:, 3 * _D:4 * _D] = reg_ref[...]


def kernel(region_id, x, y, arrival_time, departure_time, region_table,
           Ws, bs, w0, b0, Wt, Bt):
    b_dim, s_dim = x.shape
    n = b_dim * s_dim

    reg = _sc_gather(region_table, region_id.reshape(n))

    scales = _LAMBDA_MIN * (_LAMBDA_MAX / _LAMBDA_MIN) ** (
        np.arange(_NUM_SCALES, dtype=np.float32) / max(_NUM_SCALES - 1, 1))
    angles = np.array([0.0, 2.0 * np.pi / 3.0, 4.0 * np.pi / 3.0],
                      dtype=np.float32)
    dirs = np.stack([np.cos(angles), np.sin(angles)], axis=-1)
    dirs_b = dirs.astype(ml_dtypes.bfloat16).astype(np.float32)
    kmat = (dirs_b[None, :, :].astype(np.float64)
            / scales[:, None, None].astype(np.float64)).reshape(
        3 * _NUM_SCALES, 2).astype(np.float32)
    kmat = jnp.asarray(kmat)

    ws3 = Ws.reshape(_NUM_SCALES, 6, _D)
    ws_sin = ws3[:, :3, :].reshape(3 * _NUM_SCALES, _D).astype(jnp.bfloat16)
    ws_cos = ws3[:, 3:, :].reshape(3 * _NUM_SCALES, _D).astype(jnp.bfloat16)
    w_all = jnp.concatenate([w0[None], Wt]).reshape(1, _D)
    b_all = jnp.concatenate([b0[None], Bt]).reshape(1, _D)

    t_blk = _RB * _TW
    grid = n // t_blk
    rows = lambda v: v.reshape(n // _TW, _TW)
    tok_spec = pl.BlockSpec((_RB, _TW), lambda i: (i, 0))
    full = lambda r, c: pl.BlockSpec((r, c), lambda i: (0, 0))

    out = pl.pallas_call(
        _tc_body,
        grid=(grid,),
        in_specs=[
            tok_spec, tok_spec, tok_spec, tok_spec,
            full(3 * _NUM_SCALES, 2),
            full(3 * _NUM_SCALES, _D),
            full(3 * _NUM_SCALES, _D),
            full(1, _D), full(1, _D), full(1, _D),
            pl.BlockSpec((t_blk, _D), lambda i: (i, 0)),
        ],
        out_specs=pl.BlockSpec((t_blk, 4 * _D), lambda i: (i, 0)),
        out_shape=jax.ShapeDtypeStruct((n, 4 * _D), jnp.float32),
    )(rows(x), rows(y), rows(arrival_time), rows(departure_time),
      kmat, ws_sin, ws_cos, bs.reshape(1, _D), w_all, b_all, reg)

    return out.reshape(b_dim, s_dim, 4 * _D)

# --- scband reference (transcript-rebuilt; emitter-appended) ---
"""Pipeline reference for scband-source-input-3135326126301 (READ-ONLY COPY).

The authoritative reference and input builder live on the scoring server;
editing this copy changes nothing except your own understanding.
"""

import jax, jax.numpy as jnp
import numpy as np

N_SPECIAL_TOKENS = 4
PAD = 0
NUM_REGIONS = 100000
D_EMBED = 128
LAMBDA_MIN = 0.01
LAMBDA_MAX = 10.0
NUM_SCALES = D_EMBED // 6
FEAT_DIM = NUM_SCALES * 6
B, S = 1024, 200


def setup_inputs(seed: int = 0):
    key = jax.random.key(seed)
    ks = jax.random.split(key, 12)
    vocab = N_SPECIAL_TOKENS + NUM_REGIONS
    region_id = jax.random.randint(ks[0], (B, S), 0, vocab)
    x = jax.random.normal(ks[1], (B, S), dtype=jnp.float32)
    y = jax.random.normal(ks[2], (B, S), dtype=jnp.float32)
    arrival_time = jax.random.uniform(ks[3], (B, S), dtype=jnp.float32)
    departure_time = jax.random.uniform(ks[4], (B, S), dtype=jnp.float32)
    region_table = jax.random.normal(ks[5], (vocab, D_EMBED), dtype=jnp.float32) * 0.02
    region_table = region_table.at[PAD].set(0.0)
    Ws = jax.random.normal(ks[6], (FEAT_DIM, D_EMBED), dtype=jnp.float32) * 0.02
    bs = jnp.zeros((D_EMBED,), dtype=jnp.float32)
    w0 = jax.random.normal(ks[7], (), dtype=jnp.float32)
    b0 = jax.random.normal(ks[8], (), dtype=jnp.float32)
    Wt = jax.random.normal(ks[9], (D_EMBED - 1,), dtype=jnp.float32)
    Bt = jax.random.normal(ks[10], (D_EMBED - 1,), dtype=jnp.float32)
    return dict(region_id=region_id, x=x, y=y, arrival_time=arrival_time,
                departure_time=departure_time, region_table=region_table,
                Ws=Ws, bs=bs, w0=w0, b0=b0, Wt=Wt, Bt=Bt)


def _space2vec(loc, Ws, bs):
    # Multi-scale grid-cell sinusoidal encoding (Space2Vec, Mai et al. 2020)
    scales = LAMBDA_MIN * (LAMBDA_MAX / LAMBDA_MIN) ** (
        jnp.arange(NUM_SCALES, dtype=jnp.float32) / max(NUM_SCALES - 1, 1))
    angles = jnp.array([0.0, 2.0 * np.pi / 3.0, 4.0 * np.pi / 3.0], dtype=jnp.float32)
    dirs = jnp.stack([jnp.cos(angles), jnp.sin(angles)], axis=-1)  # [3, 2]
    proj = jnp.einsum('...d,kd->...k', loc, dirs)                  # [..., 3]
    scaled = proj[..., None, :] / scales[:, None]                  # [..., NUM_SCALES, 3]
    feats = jnp.concatenate([jnp.sin(scaled), jnp.cos(scaled)], axis=-1)  # [..., NUM_SCALES, 6]
    feats = feats.reshape(feats.shape[:-2] + (FEAT_DIM,))
    return feats @ Ws + bs


def _time2vec(t, w0, b0, Wt, Bt):
    # Time2Vec (Kazemi et al. 2019): one linear component + (d-1) periodic components
    lin = (w0 * t + b0)[..., None]
    per = jnp.sin(t[..., None] * Wt + Bt)
    return jnp.concatenate([lin, per], axis=-1)


def reference(region_id, x, y, arrival_time, departure_time, region_table, Ws, bs, w0, b0, Wt, Bt):
    locations = jnp.stack([x, y], axis=-1)                 # [B, S, 2]
    location_encoding = _space2vec(locations, Ws, bs)      # [B, S, D_EMBED]
    arrival_encoding = _time2vec(arrival_time, w0, b0, Wt, Bt)
    departure_encoding = _time2vec(departure_time, w0, b0, Wt, Bt)
    region_embedding = jnp.take(region_table, region_id, axis=0)  # [B, S, D_EMBED]
    visit_embedding = jnp.concatenate(
        [location_encoding, arrival_encoding, departure_encoding, region_embedding], axis=-1)
    return visit_embedding

if __name__ == "__main__":
    import jax
    _d = setup_inputs()
    print(jax.jit(kernel)(*tuple(_d.values())))

</pallas_src>

<mosaic_0001>
#map = affine_map<(d0, d1) -> (0)>
#map1 = affine_map<(d0, d1) -> (0, 0)>
module attributes {stable_mosaic.version = 14 : i64} {
  func.func @gk(%arg0: i32, %arg1: i32, %arg2: memref<204800xi32, #tpu.memory_space<hbm>>, %arg3: memref<100004x128xf32, #tpu.memory_space<hbm>>, %arg4: memref<204800x128xf32, #tpu.memory_space<hbm>>, %arg5: memref<640xi32, #tpu.memory_space<vmem>>, %arg6: memref<5x128x128xf32, #tpu.memory_space<vmem>>, %arg7: memref<!tpu.dma_semaphore, #tpu.memory_space<semaphore_mem>>) attributes {dimension_semantics = [#tpu.dimension_semantics<core_parallel>, #tpu.dimension_semantics<subcore_parallel>], iteration_bounds = array<i64: 2, 16>, scalar_prefetch = 0 : i64, scratch_operands = 3 : i64, tpu.core_type = #tpu.core_type<sc_vector_subcore>, window_params = [{transform_indices = #map}, {transform_indices = #map1}, {transform_indices = #map1}]} {
    %mul3A = arith.constant 2 : i32
    %mul3A_0 = arith.muli %arg1, %mul3A : i32
    %add3A = arith.addi %mul3A_0, %arg0 : i32
    %mul3A_1 = arith.constant 6400 : i32
    %mul3A_2 = arith.muli %add3A, %mul3A_1 : i32
    %scan3A = arith.constant 0 : i32
    %scan3A_3 = arith.constant 0 : i32
    %scan3A_4 = arith.constant 10 : i32
    %scan3A_5 = arith.addi %scan3A_3, %scan3A_4 : i32
    %scan3A_6 = arith.constant 1 : i32
    scf.for %scan3A_8 = %scan3A_3 to %scan3A_5 step %scan3A_6  : i32 {
      %mul3A_9 = arith.constant 640 : i32
      %mul3A_10 = arith.muli %scan3A_8, %mul3A_9 : i32
      %add3A_11 = arith.addi %mul3A_2, %mul3A_10 : i32
      "tpu.region"() ({
        %run_scoped3A_149 = tpu.sem_alloc : memref<!tpu.dma_semaphore, #tpu.memory_space<semaphore_mem>>
        %dma_start3A_150 = tpu.memref_slice %arg2[%add3A_11] : memref<204800xi32, #tpu.memory_space<hbm>> -> memref<640xi32, #tpu.memory_space<hbm>>
        %dma_start3A_151 = tpu.memref_slice %arg2[%add3A_11] : memref<204800xi32, #tpu.memory_space<hbm>> -> memref<640xi32, #tpu.memory_space<hbm>>
        tpu.enqueue_dma source(%dma_start3A_151 : memref<640xi32, #tpu.memory_space<hbm>>) target(%arg5 : memref<640xi32, #tpu.memory_space<vmem>>) target_semaphore(%run_scoped3A_149 : memref<!tpu.dma_semaphore, #tpu.memory_space<semaphore_mem>>)
        %dma_wait3A_152 = tpu.memref_slice %arg2[%add3A_11] : memref<204800xi32, #tpu.memory_space<hbm>> -> memref<640xi32, #tpu.memory_space<hbm>>
        %dma_wait3A_153 = tpu.memref_slice %arg2[%add3A_11] : memref<204800xi32, #tpu.memory_space<hbm>> -> memref<640xi32, #tpu.memory_space<hbm>>
        tpu.wait_dma2 semaphore(%run_scoped3A_149 : memref<!tpu.dma_semaphore, #tpu.memory_space<semaphore_mem>>) src(%dma_wait3A_153 : memref<640xi32, #tpu.memory_space<hbm>>) dst(%arg5 : memref<640xi32, #tpu.memory_space<vmem>>)
        tpu.yield
      }) : () -> ()
      %dma_start3A = arith.constant 0 : i32
      %dma_start3A_12 = arith.constant 0 : i32
      %dma_start3A_13 = arith.constant 0 : i32
      %dma_start3A_14 = tpu.memref_slice %arg6[%dma_start3A, %dma_start3A_12, %dma_start3A_13] : memref<5x128x128xf32, #tpu.memory_space<vmem>> -> memref<1x128x128xf32, #tpu.memory_space<vmem>>
      %dma_start3A_15 = tpu.memref_squeeze %dma_start3A_14 : memref<1x128x128xf32, #tpu.memory_space<vmem>> -> memref<128x128xf32, #tpu.memory_space<vmem>>
      %dma_start3A_16 = arith.constant 0 : i32
      %dma_start3A_17 = tpu.memref_slice %arg5[%dma_start3A_16] : memref<640xi32, #tpu.memory_space<vmem>> -> memref<128xi32, #tpu.memory_space<vmem>>
      %dma_start3A_18 = arith.constant 0 : i32
      %dma_start3A_19 = arith.constant 0 : i32
      %dma_start3A_20 = tpu.memref_slice %arg3[%dma_start3A_18, %dma_start3A_19] : memref<100004x128xf32, #tpu.memory_space<hbm>> -> memref<100004x128xf32, #tpu.memory_space<hbm>>
      tpu.enqueue_indirect_dma source(%dma_start3A_20 : memref<100004x128xf32, #tpu.memory_space<hbm>>) target(%dma_start3A_15 : memref<128x128xf32, #tpu.memory_space<vmem>>) offsets(%dma_start3A_17 : memref<128xi32, #tpu.memory_space<vmem>>) semaphore(%arg7 : memref<!tpu.dma_semaphore, #tpu.memory_space<semaphore_mem>>)
      %dma_start3A_21 = arith.constant 1 : i32
      %dma_start3A_22 = arith.constant 0 : i32
      %dma_start3A_23 = arith.constant 0 : i32
      %dma_start3A_24 = tpu.memref_slice %arg6[%dma_start3A_21, %dma_start3A_22, %dma_start3A_23] : memref<5x128x128xf32, #tpu.memory_space<vmem>> -> memref<1x128x128xf32, #tpu.memory_space<vmem>>
      %dma_start3A_25 = tpu.memref_squeeze %dma_start3A_24 : memref<1x128x128xf32, #tpu.memory_space<vmem>> -> memref<128x128xf32, #tpu.memory_space<vmem>>
      %dma_start3A_26 = arith.constant 128 : i32
      %dma_start3A_27 = tpu.memref_slice %arg5[%dma_start3A_26] : memref<640xi32, #tpu.memory_space<vmem>> -> memref<128xi32, #tpu.memory_space<vmem>>
      %dma_start3A_28 = arith.constant 0 : i32
      %dma_start3A_29 = arith.constant 0 : i32
      %dma_start3A_30 = tpu.memref_slice %arg3[%dma_start3A_28, %dma_start3A_29] : memref<100004x128xf32, #tpu.memory_space<hbm>> -> memref<100004x128xf32, #tpu.memory_space<hbm>>
      tpu.enqueue_indirect_dma source(%dma_start3A_30 : memref<100004x128xf32, #tpu.memory_space<hbm>>) target(%dma_start3A_25 : memref<128x128xf32, #tpu.memory_space<vmem>>) offsets(%dma_start3A_27 : memref<128xi32, #tpu.memory_space<vmem>>) semaphore(%arg7 : memref<!tpu.dma_semaphore, #tpu.memory_space<semaphore_mem>>)
      %dma_start3A_31 = arith.constant 2 : i32
      %dma_start3A_32 = arith.constant 0 : i32
      %dma_start3A_33 = arith.constant 0 : i32
      %dma_start3A_34 = tpu.memref_slice %arg6[%dma_start3A_31, %dma_start3A_32, %dma_start3A_33] : memref<5x128x128xf32, #tpu.memory_space<vmem>> -> memref<1x128x128xf32, #tpu.memory_space<vmem>>
      %dma_start3A_35 = tpu.memref_squeeze %dma_start3A_34 : memref<1x128x128xf32, #tpu.memory_space<vmem>> -> memref<128x128xf32, #tpu.memory_space<vmem>>
      %dma_start3A_36 = arith.constant 256 : i32
      %dma_start3A_37 = tpu.memref_slice %arg5[%dma_start3A_36] : memref<640xi32, #tpu.memory_space<vmem>> -> memref<128xi32, #tpu.memory_space<vmem>>
      %dma_start3A_38 = arith.constant 0 : i32
      %dma_start3A_39 = arith.constant 0 : i32
      %dma_start3A_40 = tpu.memref_slice %arg3[%dma_start3A_38, %dma_start3A_39] : memref<100004x128xf32, #tpu.memory_space<hbm>> -> memref<100004x128xf32, #tpu.memory_space<hbm>>
      tpu.enqueue_indirect_dma source(%dma_start3A_40 : memref<100004x128xf32, #tpu.memory_space<hbm>>) target(%dma_start3A_35 : memref<128x128xf32, #tpu.memory_space<vmem>>) offsets(%dma_start3A_37 : memref<128xi32, #tpu.memory_space<vmem>>) semaphore(%arg7 : memref<!tpu.dma_semaphore, #tpu.memory_space<semaphore_mem>>)
      %dma_start3A_41 = arith.constant 3 : i32
      %dma_start3A_42 = arith.constant 0 : i32
      %dma_start3A_43 = arith.constant 0 : i32
      %dma_start3A_44 = tpu.memref_slice %arg6[%dma_start3A_41, %dma_start3A_42, %dma_start3A_43] : memref<5x128x128xf32, #tpu.memory_space<vmem>> -> memref<1x128x128xf32, #tpu.memory_space<vmem>>
      %dma_start3A_45 = tpu.memref_squeeze %dma_start3A_44 : memref<1x128x128xf32, #tpu.memory_space<vmem>> -> memref<128x128xf32, #tpu.memory_space<vmem>>
      %dma_start3A_46 = arith.constant 384 : i32
      %dma_start3A_47 = tpu.memref_slice %arg5[%dma_start3A_46] : memref<640xi32, #tpu.memory_space<vmem>> -> memref<128xi32, #tpu.memory_space<vmem>>
      %dma_start3A_48 = arith.constant 0 : i32
      %dma_start3A_49 = arith.constant 0 : i32
      %dma_start3A_50 = tpu.memref_slice %arg3[%dma_start3A_48, %dma_start3A_49] : memref<100004x128xf32, #tpu.memory_space<hbm>> -> memref<100004x128xf32, #tpu.memory_space<hbm>>
      tpu.enqueue_indirect_dma source(%dma_start3A_50 : memref<100004x128xf32, #tpu.memory_space<hbm>>) target(%dma_start3A_45 : memref<128x128xf32, #tpu.memory_space<vmem>>) offsets(%dma_start3A_47 : memref<128xi32, #tpu.memory_space<vmem>>) semaphore(%arg7 : memref<!tpu.dma_semaphore, #tpu.memory_space<semaphore_mem>>)
      %dma_start3A_51 = arith.constant 4 : i32
      %dma_start3A_52 = arith.constant 0 : i32
      %dma_start3A_53 = arith.constant 0 : i32
      %dma_start3A_54 = tpu.memref_slice %arg6[%dma_start3A_51, %dma_start3A_52, %dma_start3A_53] : memref<5x128x128xf32, #tpu.memory_space<vmem>> -> memref<1x128x128xf32, #tpu.memory_space<vmem>>
      %dma_start3A_55 = tpu.memref_squeeze %dma_start3A_54 : memref<1x128x128xf32, #tpu.memory_space<vmem>> -> memref<128x128xf32, #tpu.memory_space<vmem>>
      %dma_start3A_56 = arith.constant 512 : i32
      %dma_start3A_57 = tpu.memref_slice %arg5[%dma_start3A_56] : memref<640xi32, #tpu.memory_space<vmem>> -> memref<128xi32, #tpu.memory_space<vmem>>
      %dma_start3A_58 = arith.constant 0 : i32
      %dma_start3A_59 = arith.constant 0 : i32
      %dma_start3A_60 = tpu.memref_slice %arg3[%dma_start3A_58, %dma_start3A_59] : memref<100004x128xf32, #tpu.memory_space<hbm>> -> memref<100004x128xf32, #tpu.memory_space<hbm>>
      tpu.enqueue_indirect_dma source(%dma_start3A_60 : memref<100004x128xf32, #tpu.memory_space<hbm>>) target(%dma_start3A_55 : memref<128x128xf32, #tpu.memory_space<vmem>>) offsets(%dma_start3A_57 : memref<128xi32, #tpu.memory_space<vmem>>) semaphore(%arg7 : memref<!tpu.dma_semaphore, #tpu.memory_space<semaphore_mem>>)
      %dma_wait3A = arith.constant 0 : i32
      %dma_wait3A_61 = arith.constant 0 : i32
      %dma_wait3A_62 = arith.constant 0 : i32
      %dma_wait3A_63 = tpu.memref_slice %arg6[%dma_wait3A, %dma_wait3A_61, %dma_wait3A_62] : memref<5x128x128xf32, #tpu.memory_space<vmem>> -> memref<1x128x128xf32, #tpu.memory_space<vmem>>
      %dma_wait3A_64 = tpu.memref_squeeze %dma_wait3A_63 : memref<1x128x128xf32, #tpu.memory_space<vmem>> -> memref<128x128xf32, #tpu.memory_space<vmem>>
      %dma_wait3A_65 = arith.constant 0 : i32
      %dma_wait3A_66 = tpu.memref_slice %arg5[%dma_wait3A_65] : memref<640xi32, #tpu.memory_space<vmem>> -> memref<128xi32, #tpu.memory_space<vmem>>
      %dma_wait3A_67 = arith.constant 0 : i32
      %dma_wait3A_68 = arith.constant 0 : i32
      %dma_wait3A_69 = tpu.memref_slice %arg3[%dma_wait3A_67, %dma_wait3A_68] : memref<100004x128xf32, #tpu.memory_space<hbm>> -> memref<100004x128xf32, #tpu.memory_space<hbm>>
      tpu.wait_indirect_dma semaphore(%arg7 : memref<!tpu.dma_semaphore, #tpu.memory_space<semaphore_mem>>) src(%dma_wait3A_69 : memref<100004x128xf32, #tpu.memory_space<hbm>>) dst(%dma_wait3A_64 : memref<128x128xf32, #tpu.memory_space<vmem>>)
      %mul3A_70 = arith.constant 5 : i32
      %mul3A_71 = arith.muli %scan3A_8, %mul3A_70 : i32
      %add3A_72 = arith.constant 0 : i32
      %add3A_73 = arith.addi %mul3A_71, %add3A_72 : i32
      %mul3A_74 = arith.constant 128 : i32
      %mul3A_75 = arith.muli %add3A_73, %mul3A_74 : i32
      %add3A_76 = arith.addi %mul3A_2, %mul3A_75 : i32
      %run_scoped3A = arith.constant 0 : i32
      "tpu.region"() ({
        %run_scoped3A_149 = tpu.sem_alloc : memref<!tpu.dma_semaphore, #tpu.memory_space<semaphore_mem>>
        %dma_start3A_150 = arith.constant 0 : i32
        %dma_start3A_151 = arith.constant 0 : i32
        %dma_start3A_152 = tpu.memref_slice %arg6[%run_scoped3A, %dma_start3A_150, %dma_start3A_151] : memref<5x128x128xf32, #tpu.memory_space<vmem>> -> memref<1x128x128xf32, #tpu.memory_space<vmem>>
        %dma_start3A_153 = tpu.memref_squeeze %dma_start3A_152 : memref<1x128x128xf32, #tpu.memory_space<vmem>> -> memref<128x128xf32, #tpu.memory_space<vmem>>
        %dma_start3A_154 = arith.constant 0 : i32
        %dma_start3A_155 = tpu.memref_slice %arg4[%add3A_76, %dma_start3A_154] : memref<204800x128xf32, #tpu.memory_space<hbm>> -> memref<128x128xf32, #tpu.memory_space<hbm>>
        %dma_start3A_156 = arith.constant 0 : i32
        %dma_start3A_157 = tpu.memref_slice %arg4[%add3A_76, %dma_start3A_156] : memref<204800x128xf32, #tpu.memory_space<hbm>> -> memref<128x128xf32, #tpu.memory_space<hbm>>
        %dma_start3A_158 = arith.constant 0 : i32
        %dma_start3A_159 = arith.constant 0 : i32
        %dma_start3A_160 = tpu.memref_slice %arg6[%run_scoped3A, %dma_start3A_158, %dma_start3A_159] : memref<5x128x128xf32, #tpu.memory_space<vmem>> -> memref<1x128x128xf32, #tpu.memory_space<vmem>>
        %dma_start3A_161 = tpu.memref_squeeze %dma_start3A_160 : memref<1x128x128xf32, #tpu.memory_space<vmem>> -> memref<128x128xf32, #tpu.memory_space<vmem>>
        tpu.enqueue_dma source(%dma_start3A_161 : memref<128x128xf32, #tpu.memory_space<vmem>>) target(%dma_start3A_157 : memref<128x128xf32, #tpu.memory_space<hbm>>) target_semaphore(%run_scoped3A_149 : memref<!tpu.dma_semaphore, #tpu.memory_space<semaphore_mem>>)
        %dma_wait3A_162 = arith.constant 0 : i32
        %dma_wait3A_163 = arith.constant 0 : i32
        %dma_wait3A_164 = tpu.memref_slice %arg6[%run_scoped3A, %dma_wait3A_162, %dma_wait3A_163] : memref<5x128x128xf32, #tpu.memory_space<vmem>> -> memref<1x128x128xf32, #tpu.memory_space<vmem>>
        %dma_wait3A_165 = tpu.memref_squeeze %dma_wait3A_164 : memref<1x128x128xf32, #tpu.memory_space<vmem>> -> memref<128x128xf32, #tpu.memory_space<vmem>>
        %dma_wait3A_166 = arith.constant 0 : i32
        %dma_wait3A_167 = tpu.memref_slice %arg4[%add3A_76, %dma_wait3A_166] : memref<204800x128xf32, #tpu.memory_space<hbm>> -> memref<128x128xf32, #tpu.memory_space<hbm>>
        %dma_wait3A_168 = arith.constant 0 : i32
        %dma_wait3A_169 = tpu.memref_slice %arg4[%add3A_76, %dma_wait3A_168] : memref<204800x128xf32, #tpu.memory_space<hbm>> -> memref<128x128xf32, #tpu.memory_space<hbm>>
        %dma_wait3A_170 = arith.constant 0 : i32
        %dma_wait3A_171 = arith.constant 0 : i32
        %dma_wait3A_172 = tpu.memref_slice %arg6[%run_scoped3A, %dma_wait3A_170, %dma_wait3A_171] : memref<5x128x128xf32, #tpu.memory_space<vmem>> -> memref<1x128x128xf32, #tpu.memory_space<vmem>>
        %dma_wait3A_173 = tpu.memref_squeeze %dma_wait3A_172 : memref<1x128x128xf32, #tpu.memory_space<vmem>> -> memref<128x128xf32, #tpu.memory_space<vmem>>
        tpu.wait_dma2 semaphore(%run_scoped3A_149 : memref<!tpu.dma_semaphore, #tpu.memory_space<semaphore_mem>>) src(%dma_wait3A_173 : memref<128x128xf32, #tpu.memory_space<vmem>>) dst(%dma_wait3A_169 : memref<128x128xf32, #tpu.memory_space<hbm>>)
        tpu.yield
      }) : () -> ()
      %dma_wait3A_77 = arith.constant 1 : i32
      %dma_wait3A_78 = arith.constant 0 : i32
      %dma_wait3A_79 = arith.constant 0 : i32
      %dma_wait3A_80 = tpu.memref_slice %arg6[%dma_wait3A_77, %dma_wait3A_78, %dma_wait3A_79] : memref<5x128x128xf32, #tpu.memory_space<vmem>> -> memref<1x128x128xf32, #tpu.memory_space<vmem>>
      %dma_wait3A_81 = tpu.memref_squeeze %dma_wait3A_80 : memref<1x128x128xf32, #tpu.memory_space<vmem>> -> memref<128x128xf32, #tpu.memory_space<vmem>>
      %dma_wait3A_82 = arith.constant 128 : i32
      %dma_wait3A_83 = tpu.memref_slice %arg5[%dma_wait3A_82] : memref<640xi32, #tpu.memory_space<vmem>> -> memref<128xi32, #tpu.memory_space<vmem>>
      %dma_wait3A_84 = arith.constant 0 : i32
      %dma_wait3A_85 = arith.constant 0 : i32
      %dma_wait3A_86 = tpu.memref_slice %arg3[%dma_wait3A_84, %dma_wait3A_85] : memref<100004x128xf32, #tpu.memory_space<hbm>> -> memref<100004x128xf32, #tpu.memory_space<hbm>>
      tpu.wait_indirect_dma semaphore(%arg7 : memref<!tpu.dma_semaphore, #tpu.memory_space<semaphore_mem>>) src(%dma_wait3A_86 : memref<100004x128xf32, #tpu.memory_space<hbm>>) dst(%dma_wait3A_81 : memref<128x128xf32, #tpu.memory_space<vmem>>)
      %mul3A_87 = arith.constant 5 : i32
      %mul3A_88 = arith.muli %scan3A_8, %mul3A_87 : i32
      %add3A_89 = arith.constant 1 : i32
      %add3A_90 = arith.addi %mul3A_88, %add3A_89 : i32
      %mul3A_91 = arith.constant 128 : i32
      %mul3A_92 = arith.muli %add3A_90, %mul3A_91 : i32
      %add3A_93 = arith.addi %mul3A_2, %mul3A_92 : i32
      %run_scoped3A_94 = arith.constant 1 : i32
      "tpu.region"() ({
        %run_scoped3A_149 = tpu.sem_alloc : memref<!tpu.dma_semaphore, #tpu.memory_space<semaphore_mem>>
        %dma_start3A_150 = arith.constant 0 : i32
        %dma_start3A_151 = arith.constant 0 : i32
        %dma_start3A_152 = tpu.memref_slice %arg6[%run_scoped3A_94, %dma_start3A_150, %dma_start3A_151] : memref<5x128x128xf32, #tpu.memory_space<vmem>> -> memref<1x128x128xf32, #tpu.memory_space<vmem>>
        %dma_start3A_153 = tpu.memref_squeeze %dma_start3A_152 : memref<1x128x128xf32, #tpu.memory_space<vmem>> -> memref<128x128xf32, #tpu.memory_space<vmem>>
        %dma_start3A_154 = arith.constant 0 : i32
        %dma_start3A_155 = tpu.memref_slice %arg4[%add3A_93, %dma_start3A_154] : memref<204800x128xf32, #tpu.memory_space<hbm>> -> memref<128x128xf32, #tpu.memory_space<hbm>>
        %dma_start3A_156 = arith.constant 0 : i32
        %dma_start3A_157 = tpu.memref_slice %arg4[%add3A_93, %dma_start3A_156] : memref<204800x128xf32, #tpu.memory_space<hbm>> -> memref<128x128xf32, #tpu.memory_space<hbm>>
        %dma_start3A_158 = arith.constant 0 : i32
        %dma_start3A_159 = arith.constant 0 : i32
        %dma_start3A_160 = tpu.memref_slice %arg6[%run_scoped3A_94, %dma_start3A_158, %dma_start3A_159] : memref<5x128x128xf32, #tpu.memory_space<vmem>> -> memref<1x128x128xf32, #tpu.memory_space<vmem>>
        %dma_start3A_161 = tpu.memref_squeeze %dma_start3A_160 : memref<1x128x128xf32, #tpu.memory_space<vmem>> -> memref<128x128xf32, #tpu.memory_space<vmem>>
        tpu.enqueue_dma source(%dma_start3A_161 : memref<128x128xf32, #tpu.memory_space<vmem>>) target(%dma_start3A_157 : memref<128x128xf32, #tpu.memory_space<hbm>>) target_semaphore(%run_scoped3A_149 : memref<!tpu.dma_semaphore, #tpu.memory_space<semaphore_mem>>)
        %dma_wait3A_162 = arith.constant 0 : i32
        %dma_wait3A_163 = arith.constant 0 : i32
        %dma_wait3A_164 = tpu.memref_slice %arg6[%run_scoped3A_94, %dma_wait3A_162, %dma_wait3A_163] : memref<5x128x128xf32, #tpu.memory_space<vmem>> -> memref<1x128x128xf32, #tpu.memory_space<vmem>>
        %dma_wait3A_165 = tpu.memref_squeeze %dma_wait3A_164 : memref<1x128x128xf32, #tpu.memory_space<vmem>> -> memref<128x128xf32, #tpu.memory_space<vmem>>
        %dma_wait3A_166 = arith.constant 0 : i32
        %dma_wait3A_167 = tpu.memref_slice %arg4[%add3A_93, %dma_wait3A_166] : memref<204800x128xf32, #tpu.memory_space<hbm>> -> memref<128x128xf32, #tpu.memory_space<hbm>>
        %dma_wait3A_168 = arith.constant 0 : i32
        %dma_wait3A_169 = tpu.memref_slice %arg4[%add3A_93, %dma_wait3A_168] : memref<204800x128xf32, #tpu.memory_space<hbm>> -> memref<128x128xf32, #tpu.memory_space<hbm>>
        %dma_wait3A_170 = arith.constant 0 : i32
        %dma_wait3A_171 = arith.constant 0 : i32
        %dma_wait3A_172 = tpu.memref_slice %arg6[%run_scoped3A_94, %dma_wait3A_170, %dma_wait3A_171] : memref<5x128x128xf32, #tpu.memory_space<vmem>> -> memref<1x128x128xf32, #tpu.memory_space<vmem>>
        %dma_wait3A_173 = tpu.memref_squeeze %dma_wait3A_172 : memref<1x128x128xf32, #tpu.memory_space<vmem>> -> memref<128x128xf32, #tpu.memory_space<vmem>>
        tpu.wait_dma2 semaphore(%run_scoped3A_149 : memref<!tpu.dma_semaphore, #tpu.memory_space<semaphore_mem>>) src(%dma_wait3A_173 : memref<128x128xf32, #tpu.memory_space<vmem>>) dst(%dma_wait3A_169 : memref<128x128xf32, #tpu.memory_space<hbm>>)
        tpu.yield
      }) : () -> ()
      %dma_wait3A_95 = arith.constant 2 : i32
      %dma_wait3A_96 = arith.constant 0 : i32
      %dma_wait3A_97 = arith.constant 0 : i32
      %dma_wait3A_98 = tpu.memref_slice %arg6[%dma_wait3A_95, %dma_wait3A_96, %dma_wait3A_97] : memref<5x128x128xf32, #tpu.memory_space<vmem>> -> memref<1x128x128xf32, #tpu.memory_space<vmem>>
      %dma_wait3A_99 = tpu.memref_squeeze %dma_wait3A_98 : memref<1x128x128xf32, #tpu.memory_space<vmem>> -> memref<128x128xf32, #tpu.memory_space<vmem>>
      %dma_wait3A_100 = arith.constant 256 : i32
      %dma_wait3A_101 = tpu.memref_slice %arg5[%dma_wait3A_100] : memref<640xi32, #tpu.memory_space<vmem>> -> memref<128xi32, #tpu.memory_space<vmem>>
      %dma_wait3A_102 = arith.constant 0 : i32
      %dma_wait3A_103 = arith.constant 0 : i32
      %dma_wait3A_104 = tpu.memref_slice %arg3[%dma_wait3A_102, %dma_wait3A_103] : memref<100004x128xf32, #tpu.memory_space<hbm>> -> memref<100004x128xf32, #tpu.memory_space<hbm>>
      tpu.wait_indirect_dma semaphore(%arg7 : memref<!tpu.dma_semaphore, #tpu.memory_space<semaphore_mem>>) src(%dma_wait3A_104 : memref<100004x128xf32, #tpu.memory_space<hbm>>) dst(%dma_wait3A_99 : memref<128x128xf32, #tpu.memory_space<vmem>>)
      %mul3A_105 = arith.constant 5 : i32
      %mul3A_106 = arith.muli %scan3A_8, %mul3A_105 : i32
      %add3A_107 = arith.constant 2 : i32
      %add3A_108 = arith.addi %mul3A_106, %add3A_107 : i32
      %mul3A_109 = arith.constant 128 : i32
      %mul3A_110 = arith.muli %add3A_108, %mul3A_109 : i32
      %add3A_111 = arith.addi %mul3A_2, %mul3A_110 : i32
      %run_scoped3A_112 = arith.constant 2 : i32
      "tpu.region"() ({
        %run_scoped3A_149 = tpu.sem_alloc : memref<!tpu.dma_semaphore, #tpu.memory_space<semaphore_mem>>
        %dma_start3A_150 = arith.constant 0 : i32
        %dma_start3A_151 = arith.constant 0 : i32
        %dma_start3A_152 = tpu.memref_slice %arg6[%run_scoped3A_112, %dma_start3A_150, %dma_start3A_151] : memref<5x128x128xf32, #tpu.memory_space<vmem>> -> memref<1x128x128xf32, #tpu.memory_space<vmem>>
        %dma_start3A_153 = tpu.memref_squeeze %dma_start3A_152 : memref<1x128x128xf32, #tpu.memory_space<vmem>> -> memref<128x128xf32, #tpu.memory_space<vmem>>
        %dma_start3A_154 = arith.constant 0 : i32
        %dma_start3A_155 = tpu.memref_slice %arg4[%add3A_111, %dma_start3A_154] : memref<204800x128xf32, #tpu.memory_space<hbm>> -> memref<128x128xf32, #tpu.memory_space<hbm>>
        %dma_start3A_156 = arith.constant 0 : i32
        %dma_start3A_157 = tpu.memref_slice %arg4[%add3A_111, %dma_start3A_156] : memref<204800x128xf32, #tpu.memory_space<hbm>> -> memref<128x128xf32, #tpu.memory_space<hbm>>
        %dma_start3A_158 = arith.constant 0 : i32
        %dma_start3A_159 = arith.constant 0 : i32
        %dma_start3A_160 = tpu.memref_slice %arg6[%run_scoped3A_112, %dma_start3A_158, %dma_start3A_159] : memref<5x128x128xf32, #tpu.memory_space<vmem>> -> memref<1x128x128xf32, #tpu.memory_space<vmem>>
        %dma_start3A_161 = tpu.memref_squeeze %dma_start3A_160 : memref<1x128x128xf32, #tpu.memory_space<vmem>> -> memref<128x128xf32, #tpu.memory_space<vmem>>
        tpu.enqueue_dma source(%dma_start3A_161 : memref<128x128xf32, #tpu.memory_space<vmem>>) target(%dma_start3A_157 : memref<128x128xf32, #tpu.memory_space<hbm>>) target_semaphore(%run_scoped3A_149 : memref<!tpu.dma_semaphore, #tpu.memory_space<semaphore_mem>>)
        %dma_wait3A_162 = arith.constant 0 : i32
        %dma_wait3A_163 = arith.constant 0 : i32
        %dma_wait3A_164 = tpu.memref_slice %arg6[%run_scoped3A_112, %dma_wait3A_162, %dma_wait3A_163] : memref<5x128x128xf32, #tpu.memory_space<vmem>> -> memref<1x128x128xf32, #tpu.memory_space<vmem>>
        %dma_wait3A_165 = tpu.memref_squeeze %dma_wait3A_164 : memref<1x128x128xf32, #tpu.memory_space<vmem>> -> memref<128x128xf32, #tpu.memory_space<vmem>>
        %dma_wait3A_166 = arith.constant 0 : i32
        %dma_wait3A_167 = tpu.memref_slice %arg4[%add3A_111, %dma_wait3A_166] : memref<204800x128xf32, #tpu.memory_space<hbm>> -> memref<128x128xf32, #tpu.memory_space<hbm>>
        %dma_wait3A_168 = arith.constant 0 : i32
        %dma_wait3A_169 = tpu.memref_slice %arg4[%add3A_111, %dma_wait3A_168] : memref<204800x128xf32, #tpu.memory_space<hbm>> -> memref<128x128xf32, #tpu.memory_space<hbm>>
        %dma_wait3A_170 = arith.constant 0 : i32
        %dma_wait3A_171 = arith.constant 0 : i32
        %dma_wait3A_172 = tpu.memref_slice %arg6[%run_scoped3A_112, %dma_wait3A_170, %dma_wait3A_171] : memref<5x128x128xf32, #tpu.memory_space<vmem>> -> memref<1x128x128xf32, #tpu.memory_space<vmem>>
        %dma_wait3A_173 = tpu.memref_squeeze %dma_wait3A_172 : memref<1x128x128xf32, #tpu.memory_space<vmem>> -> memref<128x128xf32, #tpu.memory_space<vmem>>
        tpu.wait_dma2 semaphore(%run_scoped3A_149 : memref<!tpu.dma_semaphore, #tpu.memory_space<semaphore_mem>>) src(%dma_wait3A_173 : memref<128x128xf32, #tpu.memory_space<vmem>>) dst(%dma_wait3A_169 : memref<128x128xf32, #tpu.memory_space<hbm>>)
        tpu.yield
      }) : () -> ()
      %dma_wait3A_113 = arith.constant 3 : i32
      %dma_wait3A_114 = arith.constant 0 : i32
      %dma_wait3A_115 = arith.constant 0 : i32
      %dma_wait3A_116 = tpu.memref_slice %arg6[%dma_wait3A_113, %dma_wait3A_114, %dma_wait3A_115] : memref<5x128x128xf32, #tpu.memory_space<vmem>> -> memref<1x128x128xf32, #tpu.memory_space<vmem>>
      %dma_wait3A_117 = tpu.memref_squeeze %dma_wait3A_116 : memref<1x128x128xf32, #tpu.memory_space<vmem>> -> memref<128x128xf32, #tpu.memory_space<vmem>>
      %dma_wait3A_118 = arith.constant 384 : i32
      %dma_wait3A_119 = tpu.memref_slice %arg5[%dma_wait3A_118] : memref<640xi32, #tpu.memory_space<vmem>> -> memref<128xi32, #tpu.memory_space<vmem>>
      %dma_wait3A_120 = arith.constant 0 : i32
      %dma_wait3A_121 = arith.constant 0 : i32
      %dma_wait3A_122 = tpu.memref_slice %arg3[%dma_wait3A_120, %dma_wait3A_121] : memref<100004x128xf32, #tpu.memory_space<hbm>> -> memref<100004x128xf32, #tpu.memory_space<hbm>>
      tpu.wait_indirect_dma semaphore(%arg7 : memref<!tpu.dma_semaphore, #tpu.memory_space<semaphore_mem>>) src(%dma_wait3A_122 : memref<100004x128xf32, #tpu.memory_space<hbm>>) dst(%dma_wait3A_117 : memref<128x128xf32, #tpu.memory_space<vmem>>)
      %mul3A_123 = arith.constant 5 : i32
      %mul3A_124 = arith.muli %scan3A_8, %mul3A_123 : i32
      %add3A_125 = arith.constant 3 : i32
      %add3A_126 = arith.addi %mul3A_124, %add3A_125 : i32
      %mul3A_127 = arith.constant 128 : i32
      %mul3A_128 = arith.muli %add3A_126, %mul3A_127 : i32
      %add3A_129 = arith.addi %mul3A_2, %mul3A_128 : i32
      %run_scoped3A_130 = arith.constant 3 : i32
      "tpu.region"() ({
        %run_scoped3A_149 = tpu.sem_alloc : memref<!tpu.dma_semaphore, #tpu.memory_space<semaphore_mem>>
        %dma_start3A_150 = arith.constant 0 : i32
        %dma_start3A_151 = arith.constant 0 : i32
        %dma_start3A_152 = tpu.memref_slice %arg6[%run_scoped3A_130, %dma_start3A_150, %dma_start3A_151] : memref<5x128x128xf32, #tpu.memory_space<vmem>> -> memref<1x128x128xf32, #tpu.memory_space<vmem>>
        %dma_start3A_153 = tpu.memref_squeeze %dma_start3A_152 : memref<1x128x128xf32, #tpu.memory_space<vmem>> -> memref<128x128xf32, #tpu.memory_space<vmem>>
        %dma_start3A_154 = arith.constant 0 : i32
        %dma_start3A_155 = tpu.memref_slice %arg4[%add3A_129, %dma_start3A_154] : memref<204800x128xf32, #tpu.memory_space<hbm>> -> memref<128x128xf32, #tpu.memory_space<hbm>>
        %dma_start3A_156 = arith.constant 0 : i32
        %dma_start3A_157 = tpu.memref_slice %arg4[%add3A_129, %dma_start3A_156] : memref<204800x128xf32, #tpu.memory_space<hbm>> -> memref<128x128xf32, #tpu.memory_space<hbm>>
        %dma_start3A_158 = arith.constant 0 : i32
        %dma_start3A_159 = arith.constant 0 : i32
        %dma_start3A_160 = tpu.memref_slice %arg6[%run_scoped3A_130, %dma_start3A_158, %dma_start3A_159] : memref<5x128x128xf32, #tpu.memory_space<vmem>> -> memref<1x128x128xf32, #tpu.memory_space<vmem>>
        %dma_start3A_161 = tpu.memref_squeeze %dma_start3A_160 : memref<1x128x128xf32, #tpu.memory_space<vmem>> -> memref<128x128xf32, #tpu.memory_space<vmem>>
        tpu.enqueue_dma source(%dma_start3A_161 : memref<128x128xf32, #tpu.memory_space<vmem>>) target(%dma_start3A_157 : memref<128x128xf32, #tpu.memory_space<hbm>>) target_semaphore(%run_scoped3A_149 : memref<!tpu.dma_semaphore, #tpu.memory_space<semaphore_mem>>)
        %dma_wait3A_162 = arith.constant 0 : i32
        %dma_wait3A_163 = arith.constant 0 : i32
        %dma_wait3A_164 = tpu.memref_slice %arg6[%run_scoped3A_130, %dma_wait3A_162, %dma_wait3A_163] : memref<5x128x128xf32, #tpu.memory_space<vmem>> -> memref<1x128x128xf32, #tpu.memory_space<vmem>>
        %dma_wait3A_165 = tpu.memref_squeeze %dma_wait3A_164 : memref<1x128x128xf32, #tpu.memory_space<vmem>> -> memref<128x128xf32, #tpu.memory_space<vmem>>
        %dma_wait3A_166 = arith.constant 0 : i32
        %dma_wait3A_167 = tpu.memref_slice %arg4[%add3A_129, %dma_wait3A_166] : memref<204800x128xf32, #tpu.memory_space<hbm>> -> memref<128x128xf32, #tpu.memory_space<hbm>>
        %dma_wait3A_168 = arith.constant 0 : i32
        %dma_wait3A_169 = tpu.memref_slice %arg4[%add3A_129, %dma_wait3A_168] : memref<204800x128xf32, #tpu.memory_space<hbm>> -> memref<128x128xf32, #tpu.memory_space<hbm>>
        %dma_wait3A_170 = arith.constant 0 : i32
        %dma_wait3A_171 = arith.constant 0 : i32
        %dma_wait3A_172 = tpu.memref_slice %arg6[%run_scoped3A_130, %dma_wait3A_170, %dma_wait3A_171] : memref<5x128x128xf32, #tpu.memory_space<vmem>> -> memref<1x128x128xf32, #tpu.memory_space<vmem>>
        %dma_wait3A_173 = tpu.memref_squeeze %dma_wait3A_172 : memref<1x128x128xf32, #tpu.memory_space<vmem>> -> memref<128x128xf32, #tpu.memory_space<vmem>>
        tpu.wait_dma2 semaphore(%run_scoped3A_149 : memref<!tpu.dma_semaphore, #tpu.memory_space<semaphore_mem>>) src(%dma_wait3A_173 : memref<128x128xf32, #tpu.memory_space<vmem>>) dst(%dma_wait3A_169 : memref<128x128xf32, #tpu.memory_space<hbm>>)
        tpu.yield
      }) : () -> ()
      %dma_wait3A_131 = arith.constant 4 : i32
      %dma_wait3A_132 = arith.constant 0 : i32
      %dma_wait3A_133 = arith.constant 0 : i32
      %dma_wait3A_134 = tpu.memref_slice %arg6[%dma_wait3A_131, %dma_wait3A_132, %dma_wait3A_133] : memref<5x128x128xf32, #tpu.memory_space<vmem>> -> memref<1x128x128xf32, #tpu.memory_space<vmem>>
      %dma_wait3A_135 = tpu.memref_squeeze %dma_wait3A_134 : memref<1x128x128xf32, #tpu.memory_space<vmem>> -> memref<128x128xf32, #tpu.memory_space<vmem>>
      %dma_wait3A_136 = arith.constant 512 : i32
      %dma_wait3A_137 = tpu.memref_slice %arg5[%dma_wait3A_136] : memref<640xi32, #tpu.memory_space<vmem>> -> memref<128xi32, #tpu.memory_space<vmem>>
      %dma_wait3A_138 = arith.constant 0 : i32
      %dma_wait3A_139 = arith.constant 0 : i32
      %dma_wait3A_140 = tpu.memref_slice %arg3[%dma_wait3A_138, %dma_wait3A_139] : memref<100004x128xf32, #tpu.memory_space<hbm>> -> memref<100004x128xf32, #tpu.memory_space<hbm>>
      tpu.wait_indirect_dma semaphore(%arg7 : memref<!tpu.dma_semaphore, #tpu.memory_space<semaphore_mem>>) src(%dma_wait3A_140 : memref<100004x128xf32, #tpu.memory_space<hbm>>) dst(%dma_wait3A_135 : memref<128x128xf32, #tpu.memory_space<vmem>>)
      %mul3A_141 = arith.constant 5 : i32
      %mul3A_142 = arith.muli %scan3A_8, %mul3A_141 : i32
      %add3A_143 = arith.constant 4 : i32
      %add3A_144 = arith.addi %mul3A_142, %add3A_143 : i32
      %mul3A_145 = arith.constant 128 : i32
      %mul3A_146 = arith.muli %add3A_144, %mul3A_145 : i32
      %add3A_147 = arith.addi %mul3A_2, %mul3A_146 : i32
      %run_scoped3A_148 = arith.constant 4 : i32
      "tpu.region"() ({
        %run_scoped3A_149 = tpu.sem_alloc : memref<!tpu.dma_semaphore, #tpu.memory_space<semaphore_mem>>
        %dma_start3A_150 = arith.constant 0 : i32
        %dma_start3A_151 = arith.constant 0 : i32
        %dma_start3A_152 = tpu.memref_slice %arg6[%run_scoped3A_148, %dma_start3A_150, %dma_start3A_151] : memref<5x128x128xf32, #tpu.memory_space<vmem>> -> memref<1x128x128xf32, #tpu.memory_space<vmem>>
        %dma_start3A_153 = tpu.memref_squeeze %dma_start3A_152 : memref<1x128x128xf32, #tpu.memory_space<vmem>> -> memref<128x128xf32, #tpu.memory_space<vmem>>
        %dma_start3A_154 = arith.constant 0 : i32
        %dma_start3A_155 = tpu.memref_slice %arg4[%add3A_147, %dma_start3A_154] : memref<204800x128xf32, #tpu.memory_space<hbm>> -> memref<128x128xf32, #tpu.memory_space<hbm>>
        %dma_start3A_156 = arith.constant 0 : i32
        %dma_start3A_157 = tpu.memref_slice %arg4[%add3A_147, %dma_start3A_156] : memref<204800x128xf32, #tpu.memory_space<hbm>> -> memref<128x128xf32, #tpu.memory_space<hbm>>
        %dma_start3A_158 = arith.constant 0 : i32
        %dma_start3A_159 = arith.constant 0 : i32
        %dma_start3A_160 = tpu.memref_slice %arg6[%run_scoped3A_148, %dma_start3A_158, %dma_start3A_159] : memref<5x128x128xf32, #tpu.memory_space<vmem>> -> memref<1x128x128xf32, #tpu.memory_space<vmem>>
        %dma_start3A_161 = tpu.memref_squeeze %dma_start3A_160 : memref<1x128x128xf32, #tpu.memory_space<vmem>> -> memref<128x128xf32, #tpu.memory_space<vmem>>
        tpu.enqueue_dma source(%dma_start3A_161 : memref<128x128xf32, #tpu.memory_space<vmem>>) target(%dma_start3A_157 : memref<128x128xf32, #tpu.memory_space<hbm>>) target_semaphore(%run_scoped3A_149 : memref<!tpu.dma_semaphore, #tpu.memory_space<semaphore_mem>>)
        %dma_wait3A_162 = arith.constant 0 : i32
        %dma_wait3A_163 = arith.constant 0 : i32
        %dma_wait3A_164 = tpu.memref_slice %arg6[%run_scoped3A_148, %dma_wait3A_162, %dma_wait3A_163] : memref<5x128x128xf32, #tpu.memory_space<vmem>> -> memref<1x128x128xf32, #tpu.memory_space<vmem>>
        %dma_wait3A_165 = tpu.memref_squeeze %dma_wait3A_164 : memref<1x128x128xf32, #tpu.memory_space<vmem>> -> memref<128x128xf32, #tpu.memory_space<vmem>>
        %dma_wait3A_166 = arith.constant 0 : i32
        %dma_wait3A_167 = tpu.memref_slice %arg4[%add3A_147, %dma_wait3A_166] : memref<204800x128xf32, #tpu.memory_space<hbm>> -> memref<128x128xf32, #tpu.memory_space<hbm>>
        %dma_wait3A_168 = arith.constant 0 : i32
        %dma_wait3A_169 = tpu.memref_slice %arg4[%add3A_147, %dma_wait3A_168] : memref<204800x128xf32, #tpu.memory_space<hbm>> -> memref<128x128xf32, #tpu.memory_space<hbm>>
        %dma_wait3A_170 = arith.constant 0 : i32
        %dma_wait3A_171 = arith.constant 0 : i32
        %dma_wait3A_172 = tpu.memref_slice %arg6[%run_scoped3A_148, %dma_wait3A_170, %dma_wait3A_171] : memref<5x128x128xf32, #tpu.memory_space<vmem>> -> memref<1x128x128xf32, #tpu.memory_space<vmem>>
        %dma_wait3A_173 = tpu.memref_squeeze %dma_wait3A_172 : memref<1x128x128xf32, #tpu.memory_space<vmem>> -> memref<128x128xf32, #tpu.memory_space<vmem>>
        tpu.wait_dma2 semaphore(%run_scoped3A_149 : memref<!tpu.dma_semaphore, #tpu.memory_space<semaphore_mem>>) src(%dma_wait3A_173 : memref<128x128xf32, #tpu.memory_space<vmem>>) dst(%dma_wait3A_169 : memref<128x128xf32, #tpu.memory_space<hbm>>)
        tpu.yield
      }) : () -> ()
    }
    %scan3A_7 = arith.constant 10 : i32
    return
  }
}

module attributes {stable_mosaic.version = 14 : i64} {
  func.func @_tc_body(%arg0: i32, %arg1: memref<8x512xf32, #tpu.memory_space<vmem>>, %arg2: memref<8x512xf32, #tpu.memory_space<vmem>>, %arg3: memref<8x512xf32, #tpu.memory_space<vmem>>, %arg4: memref<8x512xf32, #tpu.memory_space<vmem>>, %arg5: memref<63x2xf32, #tpu.memory_space<vmem>>, %arg6: memref<63x128xbf16, #tpu.memory_space<vmem>>, %arg7: memref<63x128xbf16, #tpu.memory_space<vmem>>, %arg8: memref<1x128xf32, #tpu.memory_space<vmem>>, %arg9: memref<1x128xf32, #tpu.memory_space<vmem>>, %arg10: memref<1x128xf32, #tpu.memory_space<vmem>>, %arg11: memref<4096x128xf32, #tpu.memory_space<vmem>>, %arg12: memref<4096x512xf32, #tpu.memory_space<vmem>>) attributes {dimension_semantics = [#tpu.dimension_semantics<arbitrary>], iteration_bounds = array<i64: 50>, scalar_prefetch = 0 : i64, scratch_operands = 0 : i64, tpu.core_type = #tpu.core_type<tc>, window_params = [{transform_indices = @transform_0, window_bounds = array<i64: 8, 512>}, {transform_indices = @transform_1, window_bounds = array<i64: 8, 512>}, {transform_indices = @transform_2, window_bounds = array<i64: 8, 512>}, {transform_indices = @transform_3, window_bounds = array<i64: 8, 512>}, {pipeline_mode = #tpu.pipeline_mode<synchronous>, transform_indices = @transform_4, window_bounds = array<i64: 63, 2>}, {pipeline_mode = #tpu.pipeline_mode<synchronous>, transform_indices = @transform_5, window_bounds = array<i64: 63, 128>}, {pipeline_mode = #tpu.pipeline_mode<synchronous>, transform_indices = @transform_6, window_bounds = array<i64: 63, 128>}, {pipeline_mode = #tpu.pipeline_mode<synchronous>, transform_indices = @transform_7, window_bounds = array<i64: 1, 128>}, {pipeline_mode = #tpu.pipeline_mode<synchronous>, transform_indices = @transform_8, window_bounds = array<i64: 1, 128>}, {pipeline_mode = #tpu.pipeline_mode<synchronous>, transform_indices = @transform_9, window_bounds = array<i64: 1, 128>}, {transform_indices = @transform_10, window_bounds = array<i64: 4096, 128>}, {transform_indices = @transform_11, window_bounds = array<i64: 4096, 512>}]} {
    %iota3A = tpu.iota {dimensions = array<i32: 1>} : vector<1x128xi32>
    %eq3A = arith.constant 0 : i32
    %eq3A_0 = vector.broadcast %eq3A : i32 to vector<1x128xi32>
    %eq3A_1 = arith.cmpi eq, %iota3A, %eq3A_0 : vector<1x128xi32>
    %get3A = arith.constant 0 : index
    %get3A_2 = arith.constant 0 : index
    %get3A_3 = vector.load %arg1[%get3A, %get3A_2] : memref<8x512xf32, #tpu.memory_space<vmem>>, vector<1x512xf32>
    %convert_element_type3A = arith.truncf %get3A_3 : vector<1x512xf32> to vector<1x512xbf16>
    %convert_element_type3A_4 = arith.extf %convert_element_type3A : vector<1x512xbf16> to vector<1x512xf32>
    %get3A_5 = arith.constant 0 : index
    %get3A_6 = arith.constant 0 : index
    %get3A_7 = vector.load %arg2[%get3A_5, %get3A_6] : memref<8x512xf32, #tpu.memory_space<vmem>>, vector<1x512xf32>
    %convert_element_type3A_8 = arith.truncf %get3A_7 : vector<1x512xf32> to vector<1x512xbf16>
    %convert_element_type3A_9 = arith.extf %convert_element_type3A_8 : vector<1x512xbf16> to vector<1x512xf32>
    %get3A_10 = arith.constant 0 : index
    %get3A_11 = arith.constant 0 : index
    %get3A_12 = vector.load %arg5[%get3A_10, %get3A_11] : memref<63x2xf32, #tpu.memory_space<vmem>>, vector<63x1xf32>
    %mul3A = vector.broadcast %get3A_12 : vector<63x1xf32> to vector<63x512xf32>
    %mul3A_13 = vector.broadcast %convert_element_type3A_4 : vector<1x512xf32> to vector<63x512xf32>
    %mul3A_14 = arith.mulf %mul3A, %mul3A_13 : vector<63x512xf32>
    %get3A_15 = arith.constant 0 : index
    %get3A_16 = arith.constant 1 : index
    %get3A_17 = vector.load %arg5[%get3A_15, %get3A_16] : memref<63x2xf32, #tpu.memory_space<vmem>>, vector<63x1xf32>
    %mul3A_18 = vector.broadcast %get3A_17 : vector<63x1xf32> to vector<63x512xf32>
    %mul3A_19 = vector.broadcast %convert_element_type3A_9 : vector<1x512xf32> to vector<63x512xf32>
    %mul3A_20 = arith.mulf %mul3A_18, %mul3A_19 : vector<63x512xf32>
    %add3A = arith.addf %mul3A_14, %mul3A_20 : vector<63x512xf32>
    %mul3A_21 = arith.constant 0.636619746 : f32
    %mul3A_22 = vector.broadcast %mul3A_21 : f32 to vector<63x512xf32>
    %mul3A_23 = arith.mulf %add3A, %mul3A_22 : vector<63x512xf32>
    %add3A_24 = arith.constant 0x4B400000 : f32
    %add3A_25 = vector.broadcast %add3A_24 : f32 to vector<63x512xf32>
    %add3A_26 = arith.addf %mul3A_23, %add3A_25 : vector<63x512xf32>
    %bitcast_convert_type3A = tpu.bitcast %add3A_26 : vector<63x512xf32> -> vector<63x512xi32>
    %sub3A = arith.constant 0x4B400000 : f32
    %sub3A_27 = vector.broadcast %sub3A : f32 to vector<63x512xf32>
    %sub3A_28 = arith.subf %add3A_26, %sub3A_27 : vector<63x512xf32>
    %mul3A_29 = arith.constant 1.5703125 : f32
    %mul3A_30 = vector.broadcast %mul3A_29 : f32 to vector<63x512xf32>
    %mul3A_31 = arith.mulf %sub3A_28, %mul3A_30 : vector<63x512xf32>
    %sub3A_32 = arith.subf %add3A, %mul3A_31 : vector<63x512xf32>
    %mul3A_33 = arith.constant 4.83826792E-4 : f32
    %mul3A_34 = vector.broadcast %mul3A_33 : f32 to vector<63x512xf32>
    %mul3A_35 = arith.mulf %sub3A_28, %mul3A_34 : vector<63x512xf32>
    %sub3A_36 = arith.subf %sub3A_32, %mul3A_35 : vector<63x512xf32>
    %mul3A_37 = arith.mulf %sub3A_36, %sub3A_36 : vector<63x512xf32>
    %mul3A_38 = arith.constant -1.98412701E-4 : f32
    %mul3A_39 = vector.broadcast %mul3A_38 : f32 to vector<63x512xf32>
    %mul3A_40 = arith.mulf %mul3A_37, %mul3A_39 : vector<63x512xf32>
    %add3A_41 = arith.constant 0.00833333284 : f32
    %add3A_42 = vector.broadcast %add3A_41 : f32 to vector<63x512xf32>
    %add3A_43 = arith.addf %add3A_42, %mul3A_40 : vector<63x512xf32>
    %mul3A_44 = arith.mulf %mul3A_37, %add3A_43 : vector<63x512xf32>
    %add3A_45 = arith.constant -0.166666672 : f32
    %add3A_46 = vector.broadcast %add3A_45 : f32 to vector<63x512xf32>
    %add3A_47 = arith.addf %add3A_46, %mul3A_44 : vector<63x512xf32>
    %mul3A_48 = arith.mulf %mul3A_37, %add3A_47 : vector<63x512xf32>
    %add3A_49 = arith.constant 1.000000e+00 : f32
    %add3A_50 = vector.broadcast %add3A_49 : f32 to vector<63x512xf32>
    %add3A_51 = arith.addf %add3A_50, %mul3A_48 : vector<63x512xf32>
    %mul3A_52 = arith.mulf %sub3A_36, %add3A_51 : vector<63x512xf32>
    %mul3A_53 = arith.constant 2.48015876E-5 : f32
    %mul3A_54 = vector.broadcast %mul3A_53 : f32 to vector<63x512xf32>
    %mul3A_55 = arith.mulf %mul3A_37, %mul3A_54 : vector<63x512xf32>
    %add3A_56 = arith.constant -0.00138888892 : f32
    %add3A_57 = vector.broadcast %add3A_56 : f32 to vector<63x512xf32>
    %add3A_58 = arith.addf %add3A_57, %mul3A_55 : vector<63x512xf32>
    %mul3A_59 = arith.mulf %mul3A_37, %add3A_58 : vector<63x512xf32>
    %add3A_60 = arith.constant 0.0416666679 : f32
    %add3A_61 = vector.broadcast %add3A_60 : f32 to vector<63x512xf32>
    %add3A_62 = arith.addf %add3A_61, %mul3A_59 : vector<63x512xf32>
    %mul3A_63 = arith.mulf %mul3A_37, %add3A_62 : vector<63x512xf32>
    %add3A_64 = arith.constant -5.000000e-01 : f32
    %add3A_65 = vector.broadcast %add3A_64 : f32 to vector<63x512xf32>
    %add3A_66 = arith.addf %add3A_65, %mul3A_63 : vector<63x512xf32>
    %mul3A_67 = arith.mulf %mul3A_37, %add3A_66 : vector<63x512xf32>
    %add3A_68 = arith.constant 1.000000e+00 : f32
    %add3A_69 = vector.broadcast %add3A_68 : f32 to vector<63x512xf32>
    %add3A_70 = arith.addf %add3A_69, %mul3A_67 : vector<63x512xf32>
    %and3A = arith.constant 1 : i32
    %and3A_71 = vector.broadcast %and3A : i32 to vector<63x512xi32>
    %and3A_72 = arith.andi %bitcast_convert_type3A, %and3A_71 : vector<63x512xi32>
    %eq3A_73 = arith.constant 0 : i32
    %eq3A_74 = vector.broadcast %eq3A_73 : i32 to vector<63x512xi32>
    %eq3A_75 = arith.cmpi eq, %and3A_72, %eq3A_74 : vector<63x512xi32>
    %select_n3A = arith.select %eq3A_75, %mul3A_52, %add3A_70 : vector<63x512xi1>, vector<63x512xf32>
    %and3A_76 = arith.constant 2 : i32
    %and3A_77 = vector.broadcast %and3A_76 : i32 to vector<63x512xi32>
    %and3A_78 = arith.andi %bitcast_convert_type3A, %and3A_77 : vector<63x512xi32>
    %shift_left3A = arith.constant 30 : i32
    %shift_left3A_79 = vector.broadcast %shift_left3A : i32 to vector<63x512xi32>
    %shift_left3A_80 = arith.shli %and3A_78, %shift_left3A_79 : vector<63x512xi32>
    %bitcast_convert_type3A_81 = tpu.bitcast %select_n3A : vector<63x512xf32> -> vector<63x512xi32>
    %xor3A = arith.xori %bitcast_convert_type3A_81, %shift_left3A_80 : vector<63x512xi32>
    %bitcast_convert_type3A_82 = tpu.bitcast %xor3A : vector<63x512xi32> -> vector<63x512xf32>
    %select_n3A_83 = arith.select %eq3A_75, %add3A_70, %mul3A_52 : vector<63x512xi1>, vector<63x512xf32>
    %add3A_84 = arith.constant 1 : i32
    %add3A_85 = vector.broadcast %add3A_84 : i32 to vector<63x512xi32>
    %add3A_86 = arith.addi %bitcast_convert_type3A, %add3A_85 : vector<63x512xi32>
    %and3A_87 = arith.constant 2 : i32
    %and3A_88 = vector.broadcast %and3A_87 : i32 to vector<63x512xi32>
    %and3A_89 = arith.andi %add3A_86, %and3A_88 : vector<63x512xi32>
    %shift_left3A_90 = arith.constant 30 : i32
    %shift_left3A_91 = vector.broadcast %shift_left3A_90 : i32 to vector<63x512xi32>
    %shift_left3A_92 = arith.shli %and3A_89, %shift_left3A_91 : vector<63x512xi32>
    %bitcast_convert_type3A_93 = tpu.bitcast %select_n3A_83 : vector<63x512xf32> -> vector<63x512xi32>
    %xor3A_94 = arith.xori %bitcast_convert_type3A_93, %shift_left3A_92 : vector<63x512xi32>
    %bitcast_convert_type3A_95 = tpu.bitcast %xor3A_94 : vector<63x512xi32> -> vector<63x512xf32>
    %convert_element_type3A_96 = arith.truncf %bitcast_convert_type3A_82 : vector<63x512xf32> to vector<63x512xbf16>
    %get3A_97 = arith.constant 0 : index
    %get3A_98 = arith.constant 0 : index
    %get3A_99 = vector.load %arg6[%get3A_97, %get3A_98] : memref<63x128xbf16, #tpu.memory_space<vmem>>, vector<63x128xbf16>
    %dot_general3A = arith.constant dense<0.000000e+00> : vector<512x128xf32>
    %dot_general3A_100 = tpu.matmul %convert_element_type3A_96, %get3A_99, %dot_general3A {dimension_numbers = #tpu.dot_dimension_numbers<[0], [0], [1], [1], [0, 1, 1, 1], [], []>, transpose_lhs_hint = false} : vector<63x512xbf16>, vector<63x128xbf16>, vector<512x128xf32> -> vector<512x128xf32>
    %convert_element_type3A_101 = arith.truncf %bitcast_convert_type3A_95 : vector<63x512xf32> to vector<63x512xbf16>
    %get3A_102 = arith.constant 0 : index
    %get3A_103 = arith.constant 0 : index
    %get3A_104 = vector.load %arg7[%get3A_102, %get3A_103] : memref<63x128xbf16, #tpu.memory_space<vmem>>, vector<63x128xbf16>
    %dot_general3A_105 = arith.constant dense<0.000000e+00> : vector<512x128xf32>
    %dot_general3A_106 = tpu.matmul %convert_element_type3A_101, %get3A_104, %dot_general3A_105 {dimension_numbers = #tpu.dot_dimension_numbers<[0], [0], [1], [1], [0, 1, 1, 1], [], []>, transpose_lhs_hint = false} : vector<63x512xbf16>, vector<63x128xbf16>, vector<512x128xf32> -> vector<512x128xf32>
    %add3A_107 = arith.addf %dot_general3A_100, %dot_general3A_106 : vector<512x128xf32>
    %get3A_108 = arith.constant 0 : index
    %get3A_109 = arith.constant 0 : index
    %get3A_110 = vector.load %arg8[%get3A_108, %get3A_109] : memref<1x128xf32, #tpu.memory_space<vmem>>, vector<1x128xf32>
    %add3A_111 = vector.broadcast %get3A_110 : vector<1x128xf32> to vector<512x128xf32>
    %add3A_112 = arith.addf %add3A_107, %add3A_111 : vector<512x128xf32>
    %swap3A = arith.constant 0 : index
    %swap3A_113 = arith.constant 0 : index
    %swap3A_114 = vector.load %arg12[%swap3A, %swap3A_113] : memref<4096x512xf32, #tpu.memory_space<vmem>>, vector<512x128xf32>
    tpu.vector_store %arg12[%swap3A, %swap3A_113], %add3A_112 {strides = array<i32>} : memref<4096x512xf32, #tpu.memory_space<vmem>>, vector<512x128xf32>,
    %get3A_115 = arith.constant 0 : index
    %get3A_116 = arith.constant 0 : index
    %get3A_117 = vector.load %arg3[%get3A_115, %get3A_116] : memref<8x512xf32, #tpu.memory_space<vmem>>, vector<1x512xf32>
    %get3A_118 = arith.constant 0 : index
    %get3A_119 = arith.constant 0 : index
    %get3A_120 = vector.load %arg9[%get3A_118, %get3A_119] : memref<1x128xf32, #tpu.memory_space<vmem>>, vector<1x128xf32>
    %dot_general3A_121 = arith.constant dense<0.000000e+00> : vector<512x128xf32>
    %dot_general3A_122 = tpu.matmul %get3A_117, %get3A_120, %dot_general3A_121 {dimension_numbers = #tpu.dot_dimension_numbers<[0], [0], [1], [1], [0, 1, 1, 1], [], []>, precision = #tpu.contract_precision<fp32>, transpose_lhs_hint = false} : vector<1x512xf32>, vector<1x128xf32>, vector<512x128xf32> -> vector<512x128xf32>
    %get3A_123 = arith.constant 0 : index
    %get3A_124 = arith.constant 0 : index
    %get3A_125 = vector.load %arg10[%get3A_123, %get3A_124] : memref<1x128xf32, #tpu.memory_space<vmem>>, vector<1x128xf32>
    %add3A_126 = vector.broadcast %get3A_125 : vector<1x128xf32> to vector<512x128xf32>
    %add3A_127 = arith.addf %dot_general3A_122, %add3A_126 : vector<512x128xf32>
    %mul3A_128 = arith.constant 0.636619746 : f32
    %mul3A_129 = vector.broadcast %mul3A_128 : f32 to vector<512x128xf32>
    %mul3A_130 = arith.mulf %add3A_127, %mul3A_129 : vector<512x128xf32>
    %add3A_131 = arith.constant 0x4B400000 : f32
    %add3A_132 = vector.broadcast %add3A_131 : f32 to vector<512x128xf32>
    %add3A_133 = arith.addf %mul3A_130, %add3A_132 : vector<512x128xf32>
    %bitcast_convert_type3A_134 = tpu.bitcast %add3A_133 : vector<512x128xf32> -> vector<512x128xi32>
    %sub3A_135 = arith.constant 0x4B400000 : f32
    %sub3A_136 = vector.broadcast %sub3A_135 : f32 to vector<512x128xf32>
    %sub3A_137 = arith.subf %add3A_133, %sub3A_136 : vector<512x128xf32>
    %mul3A_138 = arith.constant 1.5703125 : f32
    %mul3A_139 = vector.broadcast %mul3A_138 : f32 to vector<512x128xf32>
    %mul3A_140 = arith.mulf %sub3A_137, %mul3A_139 : vector<512x128xf32>
    %sub3A_141 = arith.subf %add3A_127, %mul3A_140 : vector<512x128xf32>
    %mul3A_142 = arith.constant 4.83826792E-4 : f32
    %mul3A_143 = vector.broadcast %mul3A_142 : f32 to vector<512x128xf32>
    %mul3A_144 = arith.mulf %sub3A_137, %mul3A_143 : vector<512x128xf32>
    %sub3A_145 = arith.subf %sub3A_141, %mul3A_144 : vector<512x128xf32>
    %mul3A_146 = arith.mulf %sub3A_145, %sub3A_145 : vector<512x128xf32>
    %mul3A_147 = arith.constant -1.98412701E-4 : f32
    %mul3A_148 = vector.broadcast %mul3A_147 : f32 to vector<512x128xf32>
    %mul3A_149 = arith.mulf %mul3A_146, %mul3A_148 : vector<512x128xf32>
    %add3A_150 = arith.constant 0.00833333284 : f32
    %add3A_151 = vector.broadcast %add3A_150 : f32 to vector<512x128xf32>
    %add3A_152 = arith.addf %add3A_151, %mul3A_149 : vector<512x128xf32>
    %mul3A_153 = arith.mulf %mul3A_146, %add3A_152 : vector<512x128xf32>
    %add3A_154 = arith.constant -0.166666672 : f32
    %add3A_155 = vector.broadcast %add3A_154 : f32 to vector<512x128xf32>
    %add3A_156 = arith.addf %add3A_155, %mul3A_153 : vector<512x128xf32>
    %mul3A_157 = arith.mulf %mul3A_146, %add3A_156 : vector<512x128xf32>
    %add3A_158 = arith.constant 1.000000e+00 : f32
    %add3A_159 = vector.broadcast %add3A_158 : f32 to vector<512x128xf32>
    %add3A_160 = arith.addf %add3A_159, %mul3A_157 : vector<512x128xf32>
    %mul3A_161 = arith.mulf %sub3A_145, %add3A_160 : vector<512x128xf32>
    %mul3A_162 = arith.constant 2.48015876E-5 : f32
    %mul3A_163 = vector.broadcast %mul3A_162 : f32 to vector<512x128xf32>
    %mul3A_164 = arith.mulf %mul3A_146, %mul3A_163 : vector<512x128xf32>
    %add3A_165 = arith.constant -0.00138888892 : f32
    %add3A_166 = vector.broadcast %add3A_165 : f32 to vector<512x128xf32>
    %add3A_167 = arith.addf %add3A_166, %mul3A_164 : vector<512x128xf32>
    %mul3A_168 = arith.mulf %mul3A_146, %add3A_167 : vector<512x128xf32>
    %add3A_169 = arith.constant 0.0416666679 : f32
    %add3A_170 = vector.broadcast %add3A_169 : f32 to vector<512x128xf32>
    %add3A_171 = arith.addf %add3A_170, %mul3A_168 : vector<512x128xf32>
    %mul3A_172 = arith.mulf %mul3A_146, %add3A_171 : vector<512x128xf32>
    %add3A_173 = arith.constant -5.000000e-01 : f32
    %add3A_174 = vector.broadcast %add3A_173 : f32 to vector<512x128xf32>
    %add3A_175 = arith.addf %add3A_174, %mul3A_172 : vector<512x128xf32>
    %mul3A_176 = arith.mulf %mul3A_146, %add3A_175 : vector<512x128xf32>
    %add3A_177 = arith.constant 1.000000e+00 : f32
    %add3A_178 = vector.broadcast %add3A_177 : f32 to vector<512x128xf32>
    %add3A_179 = arith.addf %add3A_178, %mul3A_176 : vector<512x128xf32>
    %and3A_180 = arith.constant 1 : i32
    %and3A_181 = vector.broadcast %and3A_180 : i32 to vector<512x128xi32>
    %and3A_182 = arith.andi %bitcast_convert_type3A_134, %and3A_181 : vector<512x128xi32>
    %eq3A_183 = arith.constant 0 : i32
    %eq3A_184 = vector.broadcast %eq3A_183 : i32 to vector<512x128xi32>
    %eq3A_185 = arith.cmpi eq, %and3A_182, %eq3A_184 : vector<512x128xi32>
    %select_n3A_186 = arith.select %eq3A_185, %mul3A_161, %add3A_179 : vector<512x128xi1>, vector<512x128xf32>
    %and3A_187 = arith.constant 2 : i32
    %and3A_188 = vector.broadcast %and3A_187 : i32 to vector<512x128xi32>
    %and3A_189 = arith.andi %bitcast_convert_type3A_134, %and3A_188 : vector<512x128xi32>
    %shift_left3A_190 = arith.constant 30 : i32
    %shift_left3A_191 = vector.broadcast %shift_left3A_190 : i32 to vector<512x128xi32>
    %shift_left3A_192 = arith.shli %and3A_189, %shift_left3A_191 : vector<512x128xi32>
    %bitcast_convert_type3A_193 = tpu.bitcast %select_n3A_186 : vector<512x128xf32> -> vector<512x128xi32>
    %xor3A_194 = arith.xori %bitcast_convert_type3A_193, %shift_left3A_192 : vector<512x128xi32>
    %bitcast_convert_type3A_195 = tpu.bitcast %xor3A_194 : vector<512x128xi32> -> vector<512x128xf32>
    %broadcast_in_dim3A = vector.shape_cast %eq3A_1 : vector<1x128xi1> to vector<1x128xi1>
    %broadcast_in_dim3A_196 = vector.broadcast %broadcast_in_dim3A : vector<1x128xi1> to vector<512x128xi1>
    %select_n3A_197 = arith.select %broadcast_in_dim3A_196, %add3A_127, %bitcast_convert_type3A_195 : vector<512x128xi1>, vector<512x128xf32>
    %swap3A_198 = arith.constant 0 : index
    %swap3A_199 = arith.constant 128 : index
    %swap3A_200 = vector.load %arg12[%swap3A_198, %swap3A_199] : memref<4096x512xf32, #tpu.memory_space<vmem>>, vector<512x128xf32>
    tpu.vector_store %arg12[%swap3A_198, %swap3A_199], %select_n3A_197 {strides = array<i32>} : memref<4096x512xf32, #tpu.memory_space<vmem>>, vector<512x128xf32>,
    %get3A_201 = arith.constant 0 : index
    %get3A_202 = arith.constant 0 : index
    %get3A_203 = vector.load %arg4[%get3A_201, %get3A_202] : memref<8x512xf32, #tpu.memory_space<vmem>>, vector<1x512xf32>
    %get3A_204 = arith.constant 0 : index
    %get3A_205 = arith.constant 0 : index
    %get3A_206 = vector.load %arg9[%get3A_204, %get3A_205] : memref<1x128xf32, #tpu.memory_space<vmem>>, vector<1x128xf32>
    %dot_general3A_207 = arith.constant dense<0.000000e+00> : vector<512x128xf32>
    %dot_general3A_208 = tpu.matmul %get3A_203, %get3A_206, %dot_general3A_207 {dimension_numbers = #tpu.dot_dimension_numbers<[0], [0], [1], [1], [0, 1, 1, 1], [], []>, precision = #tpu.contract_precision<fp32>, transpose_lhs_hint = false} : vector<1x512xf32>, vector<1x128xf32>, vector<512x128xf32> -> vector<512x128xf32>
    %get3A_209 = arith.constant 0 : index
    %get3A_210 = arith.constant 0 : index
    %get3A_211 = vector.load %arg10[%get3A_209, %get3A_210] : memref<1x128xf32, #tpu.memory_space<vmem>>, vector<1x128xf32>
    %add3A_212 = vector.broadcast %get3A_211 : vector<1x128xf32> to vector<512x128xf32>
    %add3A_213 = arith.addf %dot_general3A_208, %add3A_212 : vector<512x128xf32>
    %mul3A_214 = arith.constant 0.636619746 : f32
    %mul3A_215 = vector.broadcast %mul3A_214 : f32 to vector<512x128xf32>
    %mul3A_216 = arith.mulf %add3A_213, %mul3A_215 : vector<512x128xf32>
    %add3A_217 = arith.constant 0x4B400000 : f32
    %add3A_218 = vector.broadcast %add3A_217 : f32 to vector<512x128xf32>
    %add3A_219 = arith.addf %mul3A_216, %add3A_218 : vector<512x128xf32>
    %bitcast_convert_type3A_220 = tpu.bitcast %add3A_219 : vector<512x128xf32> -> vector<512x128xi32>
    %sub3A_221 = arith.constant 0x4B400000 : f32
    %sub3A_222 = vector.broadcast %sub3A_221 : f32 to vector<512x128xf32>
    %sub3A_223 = arith.subf %add3A_219, %sub3A_222 : vector<512x128xf32>
    %mul3A_224 = arith.constant 1.5703125 : f32
    %mul3A_225 = vector.broadcast %mul3A_224 : f32 to vector<512x128xf32>
    %mul3A_226 = arith.mulf %sub3A_223, %mul3A_225 : vector<512x128xf32>
    %sub3A_227 = arith.subf %add3A_213, %mul3A_226 : vector<512x128xf32>
    %mul3A_228 = arith.constant 4.83826792E-4 : f32
    %mul3A_229 = vector.broadcast %mul3A_228 : f32 to vector<512x128xf32>
    %mul3A_230 = arith.mulf %sub3A_223, %mul3A_229 : vector<512x128xf32>
    %sub3A_231 = arith.subf %sub3A_227, %mul3A_230 : vector<512x128xf32>
    %mul3A_232 = arith.mulf %sub3A_231, %sub3A_231 : vector<512x128xf32>
    %mul3A_233 = arith.constant -1.98412701E-4 : f32
    %mul3A_234 = vector.broadcast %mul3A_233 : f32 to vector<512x128xf32>
    %mul3A_235 = arith.mulf %mul3A_232, %mul3A_234 : vector<512x128xf32>
    %add3A_236 = arith.constant 0.00833333284 : f32
    %add3A_237 = vector.broadcast %add3A_236 : f32 to vector<512x128xf32>
    %add3A_238 = arith.addf %add3A_237, %mul3A_235 : vector<512x128xf32>
    %mul3A_239 = arith.mulf %mul3A_232, %add3A_238 : vector<512x128xf32>
    %add3A_240 = arith.constant -0.166666672 : f32
    %add3A_241 = vector.broadcast %add3A_240 : f32 to vector<512x128xf32>
    %add3A_242 = arith.addf %add3A_241, %mul3A_239 : vector<512x128xf32>
    %mul3A_243 = arith.mulf %mul3A_232, %add3A_242 : vector<512x128xf32>
    %add3A_244 = arith.constant 1.000000e+00 : f32
    %add3A_245 = vector.broadcast %add3A_244 : f32 to vector<512x128xf32>
    %add3A_246 = arith.addf %add3A_245, %mul3A_243 : vector<512x128xf32>
    %mul3A_247 = arith.mulf %sub3A_231, %add3A_246 : vector<512x128xf32>
    %mul3A_248 = arith.constant 2.48015876E-5 : f32
    %mul3A_249 = vector.broadcast %mul3A_248 : f32 to vector<512x128xf32>
    %mul3A_250 = arith.mulf %mul3A_232, %mul3A_249 : vector<512x128xf32>
    %add3A_251 = arith.constant -0.00138888892 : f32
    %add3A_252 = vector.broadcast %add3A_251 : f32 to vector<512x128xf32>
    %add3A_253 = arith.addf %add3A_252, %mul3A_250 : vector<512x128xf32>
    %mul3A_254 = arith.mulf %mul3A_232, %add3A_253 : vector<512x128xf32>
    %add3A_255 = arith.constant 0.0416666679 : f32
    %add3A_256 = vector.broadcast %add3A_255 : f32 to vector<512x128xf32>
    %add3A_257 = arith.addf %add3A_256, %mul3A_254 : vector<512x128xf32>
    %mul3A_258 = arith.mulf %mul3A_232, %add3A_257 : vector<512x128xf32>
    %add3A_259 = arith.constant -5.000000e-01 : f32
    %add3A_260 = vector.broadcast %add3A_259 : f32 to vector<512x128xf32>
    %add3A_261 = arith.addf %add3A_260, %mul3A_258 : vector<512x128xf32>
    %mul3A_262 = arith.mulf %mul3A_232, %add3A_261 : vector<512x128xf32>
    %add3A_263 = arith.constant 1.000000e+00 : f32
    %add3A_264 = vector.broadcast %add3A_263 : f32 to vector<512x128xf32>
    %add3A_265 = arith.addf %add3A_264, %mul3A_262 : vector<512x128xf32>
    %and3A_266 = arith.constant 1 : i32
    %and3A_267 = vector.broadcast %and3A_266 : i32 to vector<512x128xi32>
    %and3A_268 = arith.andi %bitcast_convert_type3A_220, %and3A_267 : vector<512x128xi32>
    %eq3A_269 = arith.constant 0 : i32
    %eq3A_270 = vector.broadcast %eq3A_269 : i32 to vector<512x128xi32>
    %eq3A_271 = arith.cmpi eq, %and3A_268, %eq3A_270 : vector<512x128xi32>
    %select_n3A_272 = arith.select %eq3A_271, %mul3A_247, %add3A_265 : vector<512x128xi1>, vector<512x128xf32>
    %and3A_273 = arith.constant 2 : i32
    %and3A_274 = vector.broadcast %and3A_273 : i32 to vector<512x128xi32>
    %and3A_275 = arith.andi %bitcast_convert_type3A_220, %and3A_274 : vector<512x128xi32>
    %shift_left3A_276 = arith.constant 30 : i32
    %shift_left3A_277 = vector.broadcast %shift_left3A_276 : i32 to vector<512x128xi32>
    %shift_left3A_278 = arith.shli %and3A_275, %shift_left3A_277 : vector<512x128xi32>
    %bitcast_convert_type3A_279 = tpu.bitcast %select_n3A_272 : vector<512x128xf32> -> vector<512x128xi32>
    %xor3A_280 = arith.xori %bitcast_convert_type3A_279, %shift_left3A_278 : vector<512x128xi32>
    %bitcast_convert_type3A_281 = tpu.bitcast %xor3A_280 : vector<512x128xi32> -> vector<512x128xf32>
    %broadcast_in_dim3A_282 = vector.shape_cast %eq3A_1 : vector<1x128xi1> to vector<1x128xi1>
    %broadcast_in_dim3A_283 = vector.broadcast %broadcast_in_dim3A_282 : vector<1x128xi1> to vector<512x128xi1>
    %select_n3A_284 = arith.select %broadcast_in_dim3A_283, %add3A_213, %bitcast_convert_type3A_281 : vector<512x128xi1>, vector<512x128xf32>
    %swap3A_285 = arith.constant 0 : index
    %swap3A_286 = arith.constant 256 : index
    %swap3A_287 = vector.load %arg12[%swap3A_285, %swap3A_286] : memref<4096x512xf32, #tpu.memory_space<vmem>>, vector<512x128xf32>
    tpu.vector_store %arg12[%swap3A_285, %swap3A_286], %select_n3A_284 {strides = array<i32>} : memref<4096x512xf32, #tpu.memory_space<vmem>>, vector<512x128xf32>,
    %get3A_288 = arith.constant 1 : index
    %get3A_289 = arith.constant 0 : index
    %get3A_290 = vector.load %arg1[%get3A_288, %get3A_289] : memref<8x512xf32, #tpu.memory_space<vmem>>, vector<1x512xf32>
    %convert_element_type3A_291 = arith.truncf %get3A_290 : vector<1x512xf32> to vector<1x512xbf16>
    %convert_element_type3A_292 = arith.extf %convert_element_type3A_291 : vector<1x512xbf16> to vector<1x512xf32>
    %get3A_293 = arith.constant 1 : index
    %get3A_294 = arith.constant 0 : index
    %get3A_295 = vector.load %arg2[%get3A_293, %get3A_294] : memref<8x512xf32, #tpu.memory_space<vmem>>, vector<1x512xf32>
    %convert_element_type3A_296 = arith.truncf %get3A_295 : vector<1x512xf32> to vector<1x512xbf16>
    %convert_element_type3A_297 = arith.extf %convert_element_type3A_296 : vector<1x512xbf16> to vector<1x512xf32>
    %get3A_298 = arith.constant 0 : index
    %get3A_299 = arith.constant 0 : index
    %get3A_300 = vector.load %arg5[%get3A_298, %get3A_299] : memref<63x2xf32, #tpu.memory_space<vmem>>, vector<63x1xf32>
    %mul3A_301 = vector.broadcast %get3A_300 : vector<63x1xf32> to vector<63x512xf32>
    %mul3A_302 = vector.broadcast %convert_element_type3A_292 : vector<1x512xf32> to vector<63x512xf32>
    %mul3A_303 = arith.mulf %mul3A_301, %mul3A_302 : vector<63x512xf32>
    %get3A_304 = arith.constant 0 : index
    %get3A_305 = arith.constant 1 : index
    %get3A_306 = vector.load %arg5[%get3A_304, %get3A_305] : memref<63x2xf32, #tpu.memory_space<vmem>>, vector<63x1xf32>
    %mul3A_307 = vector.broadcast %get3A_306 : vector<63x1xf32> to vector<63x512xf32>
    %mul3A_308 = vector.broadcast %convert_element_type3A_297 : vector<1x512xf32> to vector<63x512xf32>
    %mul3A_309 = arith.mulf %mul3A_307, %mul3A_308 : vector<63x512xf32>
    %add3A_310 = arith.addf %mul3A_303, %mul3A_309 : vector<63x512xf32>
    %mul3A_311 = arith.constant 0.636619746 : f32
    %mul3A_312 = vector.broadcast %mul3A_311 : f32 to vector<63x512xf32>
    %mul3A_313 = arith.mulf %add3A_310, %mul3A_312 : vector<63x512xf32>
    %add3A_314 = arith.constant 0x4B400000 : f32
    %add3A_315 = vector.broadcast %add3A_314 : f32 to vector<63x512xf32>
    %add3A_316 = arith.addf %mul3A_313, %add3A_315 : vector<63x512xf32>
    %bitcast_convert_type3A_317 = tpu.bitcast %add3A_316 : vector<63x512xf32> -> vector<63x512xi32>
    %sub3A_318 = arith.constant 0x4B400000 : f32
    %sub3A_319 = vector.broadcast %sub3A_318 : f32 to vector<63x512xf32>
    %sub3A_320 = arith.subf %add3A_316, %sub3A_319 : vector<63x512xf32>
    %mul3A_321 = arith.constant 1.5703125 : f32
    %mul3A_322 = vector.broadcast %mul3A_321 : f32 to vector<63x512xf32>
    %mul3A_323 = arith.mulf %sub3A_320, %mul3A_322 : vector<63x512xf32>
    %sub3A_324 = arith.subf %add3A_310, %mul3A_323 : vector<63x512xf32>
    %mul3A_325 = arith.constant 4.83826792E-4 : f32
    %mul3A_326 = vector.broadcast %mul3A_325 : f32 to vector<63x512xf32>
    %mul3A_327 = arith.mulf %sub3A_320, %mul3A_326 : vector<63x512xf32>
    %sub3A_328 = arith.subf %sub3A_324, %mul3A_327 : vector<63x512xf32>
    %mul3A_329 = arith.mulf %sub3A_328, %sub3A_328 : vector<63x512xf32>
    %mul3A_330 = arith.constant -1.98412701E-4 : f32
    %mul3A_331 = vector.broadcast %mul3A_330 : f32 to vector<63x512xf32>
    %mul3A_332 = arith.mulf %mul3A_329, %mul3A_331 : vector<63x512xf32>
    %add3A_333 = arith.constant 0.00833333284 : f32
    %add3A_334 = vector.broadcast %add3A_333 : f32 to vector<63x512xf32>
    %add3A_335 = arith.addf %add3A_334, %mul3A_332 : vector<63x512xf32>
    %mul3A_336 = arith.mulf %mul3A_329, %add3A_335 : vector<63x512xf32>
    %add3A_337 = arith.constant -0.166666672 : f32
    %add3A_338 = vector.broadcast %add3A_337 : f32 to vector<63x512xf32>
    %add3A_339 = arith.addf %add3A_338, %mul3A_336 : vector<63x512xf32>
    %mul3A_340 = arith.mulf %mul3A_329, %add3A_339 : vector<63x512xf32>
    %add3A_341 = arith.constant 1.000000e+00 : f32
    %add3A_342 = vector.broadcast %add3A_341 : f32 to vector<63x512xf32>
    %add3A_343 = arith.addf %add3A_342, %mul3A_340 : vector<63x512xf32>
    %mul3A_344 = arith.mulf %sub3A_328, %add3A_343 : vector<63x512xf32>
    %mul3A_345 = arith.constant 2.48015876E-5 : f32
    %mul3A_346 = vector.broadcast %mul3A_345 : f32 to vector<63x512xf32>
    %mul3A_347 = arith.mulf %mul3A_329, %mul3A_346 : vector<63x512xf32>
    %add3A_348 = arith.constant -0.00138888892 : f32
    %add3A_349 = vector.broadcast %add3A_348 : f32 to vector<63x512xf32>
    %add3A_350 = arith.addf %add3A_349, %mul3A_347 : vector<63x512xf32>
    %mul3A_351 = arith.mulf %mul3A_329, %add3A_350 : vector<63x512xf32>
    %add3A_352 = arith.constant 0.0416666679 : f32
    %add3A_353 = vector.broadcast %add3A_352 : f32 to vector<63x512xf32>
    %add3A_354 = arith.addf %add3A_353, %mul3A_351 : vector<63x512xf32>
    %mul3A_355 = arith.mulf %mul3A_329, %add3A_354 : vector<63x512xf32>
    %add3A_356 = arith.constant -5.000000e-01 : f32
    %add3A_357 = vector.broadcast %add3A_356 : f32 to vector<63x512xf32>
    %add3A_358 = arith.addf %add3A_357, %mul3A_355 : vector<63x512xf32>
    %mul3A_359 = arith.mulf %mul3A_329, %add3A_358 : vector<63x512xf32>
    %add3A_360 = arith.constant 1.000000e+00 : f32
    %add3A_361 = vector.broadcast %add3A_360 : f32 to vector<63x512xf32>
    %add3A_362 = arith.addf %add3A_361, %mul3A_359 : vector<63x512xf32>
    %and3A_363 = arith.constant 1 : i32
    %and3A_364 = vector.broadcast %and3A_363 : i32 to vector<63x512xi32>
    %and3A_365 = arith.andi %bitcast_convert_type3A_317, %and3A_364 : vector<63x512xi32>
    %eq3A_366 = arith.constant 0 : i32
    %eq3A_367 = vector.broadcast %eq3A_366 : i32 to vector<63x512xi32>
    %eq3A_368 = arith.cmpi eq, %and3A_365, %eq3A_367 : vector<63x512xi32>
    %select_n3A_369 = arith.select %eq3A_368, %mul3A_344, %add3A_362 : vector<63x512xi1>, vector<63x512xf32>
    %and3A_370 = arith.constant 2 : i32
    %and3A_371 = vector.broadcast %and3A_370 : i32 to vector<63x512xi32>
    %and3A_372 = arith.andi %bitcast_convert_type3A_317, %and3A_371 : vector<63x512xi32>
    %shift_left3A_373 = arith.constant 30 : i32
    %shift_left3A_374 = vector.broadcast %shift_left3A_373 : i32 to vector<63x512xi32>
    %shift_left3A_375 = arith.shli %and3A_372, %shift_left3A_374 : vector<63x512xi32>
    %bitcast_convert_type3A_376 = tpu.bitcast %select_n3A_369 : vector<63x512xf32> -> vector<63x512xi32>
    %xor3A_377 = arith.xori %bitcast_convert_type3A_376, %shift_left3A_375 : vector<63x512xi32>
    %bitcast_convert_type3A_378 = tpu.bitcast %xor3A_377 : vector<63x512xi32> -> vector<63x512xf32>
    %select_n3A_379 = arith.select %eq3A_368, %add3A_362, %mul3A_344 : vector<63x512xi1>, vector<63x512xf32>
    %add3A_380 = arith.constant 1 : i32
    %add3A_381 = vector.broadcast %add3A_380 : i32 to vector<63x512xi32>
    %add3A_382 = arith.addi %bitcast_convert_type3A_317, %add3A_381 : vector<63x512xi32>
    %and3A_383 = arith.constant 2 : i32
    %and3A_384 = vector.broadcast %and3A_383 : i32 to vector<63x512xi32>
    %and3A_385 = arith.andi %add3A_382, %and3A_384 : vector<63x512xi32>
    %shift_left3A_386 = arith.constant 30 : i32
    %shift_left3A_387 = vector.broadcast %shift_left3A_386 : i32 to vector<63x512xi32>
    %shift_left3A_388 = arith.shli %and3A_385, %shift_left3A_387 : vector<63x512xi32>
    %bitcast_convert_type3A_389 = tpu.bitcast %select_n3A_379 : vector<63x512xf32> -> vector<63x512xi32>
    %xor3A_390 = arith.xori %bitcast_convert_type3A_389, %shift_left3A_388 : vector<63x512xi32>
    %bitcast_convert_type3A_391 = tpu.bitcast %xor3A_390 : vector<63x512xi32> -> vector<63x512xf32>
    %convert_element_type3A_392 = arith.truncf %bitcast_convert_type3A_378 : vector<63x512xf32> to vector<63x512xbf16>
    %get3A_393 = arith.constant 0 : index
    %get3A_394 = arith.constant 0 : index
    %get3A_395 = vector.load %arg6[%get3A_393, %get3A_394] : memref<63x128xbf16, #tpu.memory_space<vmem>>, vector<63x128xbf16>
    %dot_general3A_396 = arith.constant dense<0.000000e+00> : vector<512x128xf32>
    %dot_general3A_397 = tpu.matmul %convert_element_type3A_392, %get3A_395, %dot_general3A_396 {dimension_numbers = #tpu.dot_dimension_numbers<[0], [0], [1], [1], [0, 1, 1, 1], [], []>, transpose_lhs_hint = false} : vector<63x512xbf16>, vector<63x128xbf16>, vector<512x128xf32> -> vector<512x128xf32>
    %convert_element_type3A_398 = arith.truncf %bitcast_convert_type3A_391 : vector<63x512xf32> to vector<63x512xbf16>
    %get3A_399 = arith.constant 0 : index
    %get3A_400 = arith.constant 0 : index
    %get3A_401 = vector.load %arg7[%get3A_399, %get3A_400] : memref<63x128xbf16, #tpu.memory_space<vmem>>, vector<63x128xbf16>
    %dot_general3A_402 = arith.constant dense<0.000000e+00> : vector<512x128xf32>
    %dot_general3A_403 = tpu.matmul %convert_element_type3A_398, %get3A_401, %dot_general3A_402 {dimension_numbers = #tpu.dot_dimension_numbers<[0], [0], [1], [1], [0, 1, 1, 1], [], []>, transpose_lhs_hint = false} : vector<63x512xbf16>, vector<63x128xbf16>, vector<512x128xf32> -> vector<512x128xf32>
    %add3A_404 = arith.addf %dot_general3A_397, %dot_general3A_403 : vector<512x128xf32>
    %get3A_405 = arith.constant 0 : index
    %get3A_406 = arith.constant 0 : index
    %get3A_407 = vector.load %arg8[%get3A_405, %get3A_406] : memref<1x128xf32, #tpu.memory_space<vmem>>, vector<1x128xf32>
    %add3A_408 = vector.broadcast %get3A_407 : vector<1x128xf32> to vector<512x128xf32>
    %add3A_409 = arith.addf %add3A_404, %add3A_408 : vector<512x128xf32>
    %swap3A_410 = arith.constant 512 : index
    %swap3A_411 = arith.constant 0 : index
    %swap3A_412 = vector.load %arg12[%swap3A_410, %swap3A_411] : memref<4096x512xf32, #tpu.memory_space<vmem>>, vector<512x128xf32>
    tpu.vector_store %arg12[%swap3A_410, %swap3A_411], %add3A_409 {strides = array<i32>} : memref<4096x512xf32, #tpu.memory_space<vmem>>, vector<512x128xf32>,
    %get3A_413 = arith.constant 1 : index
    %get3A_414 = arith.constant 0 : index
    %get3A_415 = vector.load %arg3[%get3A_413, %get3A_414] : memref<8x512xf32, #tpu.memory_space<vmem>>, vector<1x512xf32>
    %get3A_416 = arith.constant 0 : index
    %get3A_417 = arith.constant 0 : index
    %get3A_418 = vector.load %arg9[%get3A_416, %get3A_417] : memref<1x128xf32, #tpu.memory_space<vmem>>, vector<1x128xf32>
    %dot_general3A_419 = arith.constant dense<0.000000e+00> : vector<512x128xf32>
    %dot_general3A_420 = tpu.matmul %get3A_415, %get3A_418, %dot_general3A_419 {dimension_numbers = #tpu.dot_dimension_numbers<[0], [0], [1], [1], [0, 1, 1, 1], [], []>, precision = #tpu.contract_precision<fp32>, transpose_lhs_hint = false} : vector<1x512xf32>, vector<1x128xf32>, vector<512x128xf32> -> vector<512x128xf32>
    %get3A_421 = arith.constant 0 : index
    %get3A_422 = arith.constant 0 : index
    %get3A_423 = vector.load %arg10[%get3A_421, %get3A_422] : memref<1x128xf32, #tpu.memory_space<vmem>>, vector<1x128xf32>
    %add3A_424 = vector.broadcast %get3A_423 : vector<1x128xf32> to vector<512x128xf32>
    %add3A_425 = arith.addf %dot_general3A_420, %add3A_424 : vector<512x128xf32>
    %mul3A_426 = arith.constant 0.636619746 : f32
    %mul3A_427 = vector.broadcast %mul3A_426 : f32 to vector<512x128xf32>
    %mul3A_428 = arith.mulf %add3A_425, %mul3A_427 : vector<512x128xf32>
    %add3A_429 = arith.constant 0x4B400000 : f32
    %add3A_430 = vector.broadcast %add3A_429 : f32 to vector<512x128xf32>
    %add3A_431 = arith.addf %mul3A_428, %add3A_430 : vector<512x128xf32>
    %bitcast_convert_type3A_432 = tpu.bitcast %add3A_431 : vector<512x128xf32> -> vector<512x128xi32>
    %sub3A_433 = arith.constant 0x4B400000 : f32
    %sub3A_434 = vector.broadcast %sub3A_433 : f32 to vector<512x128xf32>
    %sub3A_435 = arith.subf %add3A_431, %sub3A_434 : vector<512x128xf32>
    %mul3A_436 = arith.constant 1.5703125 : f32
    %mul3A_437 = vector.broadcast %mul3A_436 : f32 to vector<512x128xf32>
    %mul3A_438 = arith.mulf %sub3A_435, %mul3A_437 : vector<512x128xf32>
    %sub3A_439 = arith.subf %add3A_425, %mul3A_438 : vector<512x128xf32>
    %mul3A_440 = arith.constant 4.83826792E-4 : f32
    %mul3A_441 = vector.broadcast %mul3A_440 : f32 to vector<512x128xf32>
    %mul3A_442 = arith.mulf %sub3A_435, %mul3A_441 : vector<512x128xf32>
    %sub3A_443 = arith.subf %sub3A_439, %mul3A_442 : vector<512x128xf32>
    %mul3A_444 = arith.mulf %sub3A_443, %sub3A_443 : vector<512x128xf32>
    %mul3A_445 = arith.constant -1.98412701E-4 : f32
    %mul3A_446 = vector.broadcast %mul3A_445 : f32 to vector<512x128xf32>
    %mul3A_447 = arith.mulf %mul3A_444, %mul3A_446 : vector<512x128xf32>
    %add3A_448 = arith.constant 0.00833333284 : f32
    %add3A_449 = vector.broadcast %add3A_448 : f32 to vector<512x128xf32>
    %add3A_450 = arith.addf %add3A_449, %mul3A_447 : vector<512x128xf32>
    %mul3A_451 = arith.mulf %mul3A_444, %add3A_450 : vector<512x128xf32>
    %add3A_452 = arith.constant -0.166666672 : f32
    %add3A_453 = vector.broadcast %add3A_452 : f32 to vector<512x128xf32>
    %add3A_454 = arith.addf %add3A_453, %mul3A_451 : vector<512x128xf32>
    %mul3A_455 = arith.mulf %mul3A_444, %add3A_454 : vector<512x128xf32>
    %add3A_456 = arith.constant 1.000000e+00 : f32
    %add3A_457 = vector.broadcast %add3A_456 : f32 to vector<512x128xf32>
    %add3A_458 = arith.addf %add3A_457, %mul3A_455 : vector<512x128xf32>
    %mul3A_459 = arith.mulf %sub3A_443, %add3A_458 : vector<512x128xf32>
    %mul3A_460 = arith.constant 2.48015876E-5 : f32
    %mul3A_461 = vector.broadcast %mul3A_460 : f32 to vector<512x128xf32>
    %mul3A_462 = arith.mulf %mul3A_444, %mul3A_461 : vector<512x128xf32>
    %add3A_463 = arith.constant -0.00138888892 : f32
    %add3A_464 = vector.broadcast %add3A_463 : f32 to vector<512x128xf32>
    %add3A_465 = arith.addf %add3A_464, %mul3A_462 : vector<512x128xf32>
    %mul3A_466 = arith.mulf %mul3A_444, %add3A_465 : vector<512x128xf32>
    %add3A_467 = arith.constant 0.0416666679 : f32
    %add3A_468 = vector.broadcast %add3A_467 : f32 to vector<512x128xf32>
    %add3A_469 = arith.addf %add3A_468, %mul3A_466 : vector<512x128xf32>
    %mul3A_470 = arith.mulf %mul3A_444, %add3A_469 : vector<512x128xf32>
    %add3A_471 = arith.constant -5.000000e-01 : f32
    %add3A_472 = vector.broadcast %add3A_471 : f32 to vector<512x128xf32>
    %add3A_473 = arith.addf %add3A_472, %mul3A_470 : vector<512x128xf32>
    %mul3A_474 = arith.mulf %mul3A_444, %add3A_473 : vector<512x128xf32>
    %add3A_475 = arith.constant 1.000000e+00 : f32
    %add3A_476 = vector.broadcast %add3A_475 : f32 to vector<512x128xf32>
    %add3A_477 = arith.addf %add3A_476, %mul3A_474 : vector<512x128xf32>
    %and3A_478 = arith.constant 1 : i32
    %and3A_479 = vector.broadcast %and3A_478 : i32 to vector<512x128xi32>
    %and3A_480 = arith.andi %bitcast_convert_type3A_432, %and3A_479 : vector<512x128xi32>
    %eq3A_481 = arith.constant 0 : i32
    %eq3A_482 = vector.broadcast %eq3A_481 : i32 to vector<512x128xi32>
    %eq3A_483 = arith.cmpi eq, %and3A_480, %eq3A_482 : vector<512x128xi32>
    %select_n3A_484 = arith.select %eq3A_483, %mul3A_459, %add3A_477 : vector<512x128xi1>, vector<512x128xf32>
    %and3A_485 = arith.constant 2 : i32
    %and3A_486 = vector.broadcast %and3A_485 : i32 to vector<512x128xi32>
    %and3A_487 = arith.andi %bitcast_convert_type3A_432, %and3A_486 : vector<512x128xi32>
    %shift_left3A_488 = arith.constant 30 : i32
    %shift_left3A_489 = vector.broadcast %shift_left3A_488 : i32 to vector<512x128xi32>
    %shift_left3A_490 = arith.shli %and3A_487, %shift_left3A_489 : vector<512x128xi32>
    %bitcast_convert_type3A_491 = tpu.bitcast %select_n3A_484 : vector<512x128xf32> -> vector<512x128xi32>
    %xor3A_492 = arith.xori %bitcast_convert_type3A_491, %shift_left3A_490 : vector<512x128xi32>
    %bitcast_convert_type3A_493 = tpu.bitcast %xor3A_492 : vector<512x128xi32> -> vector<512x128xf32>
    %broadcast_in_dim3A_494 = vector.shape_cast %eq3A_1 : vector<1x128xi1> to vector<1x128xi1>
    %broadcast_in_dim3A_495 = vector.broadcast %broadcast_in_dim3A_494 : vector<1x128xi1> to vector<512x128xi1>
    %select_n3A_496 = arith.select %broadcast_in_dim3A_495, %add3A_425, %bitcast_convert_type3A_493 : vector<512x128xi1>, vector<512x128xf32>
    %swap3A_497 = arith.constant 512 : index
    %swap3A_498 = arith.constant 128 : index
    %swap3A_499 = vector.load %arg12[%swap3A_497, %swap3A_498] : memref<4096x512xf32, #tpu.memory_space<vmem>>, vector<512x128xf32>
    tpu.vector_store %arg12[%swap3A_497, %swap3A_498], %select_n3A_496 {strides = array<i32>} : memref<4096x512xf32, #tpu.memory_space<vmem>>, vector<512x128xf32>,
    %get3A_500 = arith.constant 1 : index
    %get3A_501 = arith.constant 0 : index
    %get3A_502 = vector.load %arg4[%get3A_500, %get3A_501] : memref<8x512xf32, #tpu.memory_space<vmem>>, vector<1x512xf32>
    %get3A_503 = arith.constant 0 : index
    %get3A_504 = arith.constant 0 : index
    %get3A_505 = vector.load %arg9[%get3A_503, %get3A_504] : memref<1x128xf32, #tpu.memory_space<vmem>>, vector<1x128xf32>
    %dot_general3A_506 = arith.constant dense<0.000000e+00> : vector<512x128xf32>
    %dot_general3A_507 = tpu.matmul %get3A_502, %get3A_505, %dot_general3A_506 {dimension_numbers = #tpu.dot_dimension_numbers<[0], [0], [1], [1], [0, 1, 1, 1], [], []>, precision = #tpu.contract_precision<fp32>, transpose_lhs_hint = false} : vector<1x512xf32>, vector<1x128xf32>, vector<512x128xf32> -> vector<512x128xf32>
    %get3A_508 = arith.constant 0 : index
    %get3A_509 = arith.constant 0 : index
    %get3A_510 = vector.load %arg10[%get3A_508, %get3A_509] : memref<1x128xf32, #tpu.memory_space<vmem>>, vector<1x128xf32>
    %add3A_511 = vector.broadcast %get3A_510 : vector<1x128xf32> to vector<512x128xf32>
    %add3A_512 = arith.addf %dot_general3A_507, %add3A_511 : vector<512x128xf32>
    %mul3A_513 = arith.constant 0.636619746 : f32
    %mul3A_514 = vector.broadcast %mul3A_513 : f32 to vector<512x128xf32>
    %mul3A_515 = arith.mulf %add3A_512, %mul3A_514 : vector<512x128xf32>
    %add3A_516 = arith.constant 0x4B400000 : f32
    %add3A_517 = vector.broadcast %add3A_516 : f32 to vector<512x128xf32>
    %add3A_518 = arith.addf %mul3A_515, %add3A_517 : vector<512x128xf32>
    %bitcast_convert_type3A_519 = tpu.bitcast %add3A_518 : vector<512x128xf32> -> vector<512x128xi32>
    %sub3A_520 = arith.constant 0x4B400000 : f32
    %sub3A_521 = vector.broadcast %sub3A_520 : f32 to vector<512x128xf32>
    %sub3A_522 = arith.subf %add3A_518, %sub3A_521 : vector<512x128xf32>
    %mul3A_523 = arith.constant 1.5703125 : f32
    %mul3A_524 = vector.broadcast %mul3A_523 : f32 to vector<512x128xf32>
    %mul3A_525 = arith.mulf %sub3A_522, %mul3A_524 : vector<512x128xf32>
    %sub3A_526 = arith.subf %add3A_512, %mul3A_525 : vector<512x128xf32>
    %mul3A_527 = arith.constant 4.83826792E-4 : f32
    %mul3A_528 = vector.broadcast %mul3A_527 : f32 to vector<512x128xf32>
    %mul3A_529 = arith.mulf %sub3A_522, %mul3A_528 : vector<512x128xf32>
    %sub3A_530 = arith.subf %sub3A_526, %mul3A_529 : vector<512x128xf32>
    %mul3A_531 = arith.mulf %sub3A_530, %sub3A_530 : vector<512x128xf32>
    %mul3A_532 = arith.constant -1.98412701E-4 : f32
    %mul3A_533 = vector.broadcast %mul3A_532 : f32 to vector<512x128xf32>
    %mul3A_534 = arith.mulf %mul3A_531, %mul3A_533 : vector<512x128xf32>
    %add3A_535 = arith.constant 0.00833333284 : f32
    %add3A_536 = vector.broadcast %add3A_535 : f32 to vector<512x128xf32>
    %add3A_537 = arith.addf %add3A_536, %mul3A_534 : vector<512x128xf32>
    %mul3A_538 = arith.mulf %mul3A_531, %add3A_537 : vector<512x128xf32>
    %add3A_539 = arith.constant -0.166666672 : f32
    %add3A_540 = vector.broadcast %add3A_539 : f32 to vector<512x128xf32>
    %add3A_541 = arith.addf %add3A_540, %mul3A_538 : vector<512x128xf32>
    %mul3A_542 = arith.mulf %mul3A_531, %add3A_541 : vector<512x128xf32>
    %add3A_543 = arith.constant 1.000000e+00 : f32
    %add3A_544 = vector.broadcast %add3A_543 : f32 to vector<512x128xf32>
    %add3A_545 = arith.addf %add3A_544, %mul3A_542 : vector<512x128xf32>
    %mul3A_546 = arith.mulf %sub3A_530, %add3A_545 : vector<512x128xf32>
    %mul3A_547 = arith.constant 2.48015876E-5 : f32
    %mul3A_548 = vector.broadcast %mul3A_547 : f32 to vector<512x128xf32>
    %mul3A_549 = arith.mulf %mul3A_531, %mul3A_548 : vector<512x128xf32>
    %add3A_550 = arith.constant -0.00138888892 : f32
    %add3A_551 = vector.broadcast %add3A_550 : f32 to vector<512x128xf32>
    %add3A_552 = arith.addf %add3A_551, %mul3A_549 : vector<512x128xf32>
    %mul3A_553 = arith.mulf %mul3A_531, %add3A_552 : vector<512x128xf32>
    %add3A_554 = arith.constant 0.0416666679 : f32
    %add3A_555 = vector.broadcast %add3A_554 : f32 to vector<512x128xf32>
    %add3A_556 = arith.addf %add3A_555, %mul3A_553 : vector<512x128xf32>
    %mul3A_557 = arith.mulf %mul3A_531, %add3A_556 : vector<512x128xf32>
    %add3A_558 = arith.constant -5.000000e-01 : f32
    %add3A_559 = vector.broadcast %add3A_558 : f32 to vector<512x128xf32>
    %add3A_560 = arith.addf %add3A_559, %mul3A_557 : vector<512x128xf32>
    %mul3A_561 = arith.mulf %mul3A_531, %add3A_560 : vector<512x128xf32>
    %add3A_562 = arith.constant 1.000000e+00 : f32
    %add3A_563 = vector.broadcast %add3A_562 : f32 to vector<512x128xf32>
    %add3A_564 = arith.addf %add3A_563, %mul3A_561 : vector<512x128xf32>
    %and3A_565 = arith.constant 1 : i32
    %and3A_566 = vector.broadcast %and3A_565 : i32 to vector<512x128xi32>
    %and3A_567 = arith.andi %bitcast_convert_type3A_519, %and3A_566 : vector<512x128xi32>
    %eq3A_568 = arith.constant 0 : i32
    %eq3A_569 = vector.broadcast %eq3A_568 : i32 to vector<512x128xi32>
    %eq3A_570 = arith.cmpi eq, %and3A_567, %eq3A_569 : vector<512x128xi32>
    %select_n3A_571 = arith.select %eq3A_570, %mul3A_546, %add3A_564 : vector<512x128xi1>, vector<512x128xf32>
    %and3A_572 = arith.constant 2 : i32
    %and3A_573 = vector.broadcast %and3A_572 : i32 to vector<512x128xi32>
    %and3A_574 = arith.andi %bitcast_convert_type3A_519, %and3A_573 : vector<512x128xi32>
    %shift_left3A_575 = arith.constant 30 : i32
    %shift_left3A_576 = vector.broadcast %shift_left3A_575 : i32 to vector<512x128xi32>
    %shift_left3A_577 = arith.shli %and3A_574, %shift_left3A_576 : vector<512x128xi32>
    %bitcast_convert_type3A_578 = tpu.bitcast %select_n3A_571 : vector<512x128xf32> -> vector<512x128xi32>
    %xor3A_579 = arith.xori %bitcast_convert_type3A_578, %shift_left3A_577 : vector<512x128xi32>
    %bitcast_convert_type3A_580 = tpu.bitcast %xor3A_579 : vector<512x128xi32> -> vector<512x128xf32>
    %broadcast_in_dim3A_581 = vector.shape_cast %eq3A_1 : vector<1x128xi1> to vector<1x128xi1>
    %broadcast_in_dim3A_582 = vector.broadcast %broadcast_in_dim3A_581 : vector<1x128xi1> to vector<512x128xi1>
    %select_n3A_583 = arith.select %broadcast_in_dim3A_582, %add3A_512, %bitcast_convert_type3A_580 : vector<512x128xi1>, vector<512x128xf32>
    %swap3A_584 = arith.constant 512 : index
    %swap3A_585 = arith.constant 256 : index
    %swap3A_586 = vector.load %arg12[%swap3A_584, %swap3A_585] : memref<4096x512xf32, #tpu.memory_space<vmem>>, vector<512x128xf32>
    tpu.vector_store %arg12[%swap3A_584, %swap3A_585], %select_n3A_583 {strides = array<i32>} : memref<4096x512xf32, #tpu.memory_space<vmem>>, vector<512x128xf32>,
    %get3A_587 = arith.constant 2 : index
    %get3A_588 = arith.constant 0 : index
    %get3A_589 = vector.load %arg1[%get3A_587, %get3A_588] : memref<8x512xf32, #tpu.memory_space<vmem>>, vector<1x512xf32>
    %convert_element_type3A_590 = arith.truncf %get3A_589 : vector<1x512xf32> to vector<1x512xbf16>
    %convert_element_type3A_591 = arith.extf %convert_element_type3A_590 : vector<1x512xbf16> to vector<1x512xf32>
    %get3A_592 = arith.constant 2 : index
    %get3A_593 = arith.constant 0 : index
    %get3A_594 = vector.load %arg2[%get3A_592, %get3A_593] : memref<8x512xf32, #tpu.memory_space<vmem>>, vector<1x512xf32>
    %convert_element_type3A_595 = arith.truncf %get3A_594 : vector<1x512xf32> to vector<1x512xbf16>
    %convert_element_type3A_596 = arith.extf %convert_element_type3A_595 : vector<1x512xbf16> to vector<1x512xf32>
    %get3A_597 = arith.constant 0 : index
    %get3A_598 = arith.constant 0 : index
    %get3A_599 = vector.load %arg5[%get3A_597, %get3A_598] : memref<63x2xf32, #tpu.memory_space<vmem>>, vector<63x1xf32>
    %mul3A_600 = vector.broadcast %get3A_599 : vector<63x1xf32> to vector<63x512xf32>
    %mul3A_601 = vector.broadcast %convert_element_type3A_591 : vector<1x512xf32> to vector<63x512xf32>
    %mul3A_602 = arith.mulf %mul3A_600, %mul3A_601 : vector<63x512xf32>
    %get3A_603 = arith.constant 0 : index
    %get3A_604 = arith.constant 1 : index
    %get3A_605 = vector.load %arg5[%get3A_603, %get3A_604] : memref<63x2xf32, #tpu.memory_space<vmem>>, vector<63x1xf32>
    %mul3A_606 = vector.broadcast %get3A_605 : vector<63x1xf32> to vector<63x512xf32>
    %mul3A_607 = vector.broadcast %convert_element_type3A_596 : vector<1x512xf32> to vector<63x512xf32>
    %mul3A_608 = arith.mulf %mul3A_606, %mul3A_607 : vector<63x512xf32>
    %add3A_609 = arith.addf %mul3A_602, %mul3A_608 : vector<63x512xf32>
    %mul3A_610 = arith.constant 0.636619746 : f32
    %mul3A_611 = vector.broadcast %mul3A_610 : f32 to vector<63x512xf32>
    %mul3A_612 = arith.mulf %add3A_609, %mul3A_611 : vector<63x512xf32>
    %add3A_613 = arith.constant 0x4B400000 : f32
    %add3A_614 = vector.broadcast %add3A_613 : f32 to vector<63x512xf32>
    %add3A_615 = arith.addf %mul3A_612, %add3A_614 : vector<63x512xf32>
    %bitcast_convert_type3A_616 = tpu.bitcast %add3A_615 : vector<63x512xf32> -> vector<63x512xi32>
    %sub3A_617 = arith.constant 0x4B400000 : f32
    %sub3A_618 = vector.broadcast %sub3A_617 : f32 to vector<63x512xf32>
    %sub3A_619 = arith.subf %add3A_615, %sub3A_618 : vector<63x512xf32>
    %mul3A_620 = arith.constant 1.5703125 : f32
    %mul3A_621 = vector.broadcast %mul3A_620 : f32 to vector<63x512xf32>
    %mul3A_622 = arith.mulf %sub3A_619, %mul3A_621 : vector<63x512xf32>
    %sub3A_623 = arith.subf %add3A_609, %mul3A_622 : vector<63x512xf32>
    %mul3A_624 = arith.constant 4.83826792E-4 : f32
    %mul3A_625 = vector.broadcast %mul3A_624 : f32 to vector<63x512xf32>
    %mul3A_626 = arith.mulf %sub3A_619, %mul3A_625 : vector<63x512xf32>
    %sub3A_627 = arith.subf %sub3A_623, %mul3A_626 : vector<63x512xf32>
    %mul3A_628 = arith.mulf %sub3A_627, %sub3A_627 : vector<63x512xf32>
    %mul3A_629 = arith.constant -1.98412701E-4 : f32
    %mul3A_630 = vector.broadcast %mul3A_629 : f32 to vector<63x512xf32>
    %mul3A_631 = arith.mulf %mul3A_628, %mul3A_630 : vector<63x512xf32>
    %add3A_632 = arith.constant 0.00833333284 : f32
    %add3A_633 = vector.broadcast %add3A_632 : f32 to vector<63x512xf32>
    %add3A_634 = arith.addf %add3A_633, %mul3A_631 : vector<63x512xf32>
    %mul3A_635 = arith.mulf %mul3A_628, %add3A_634 : vector<63x512xf32>
    %add3A_636 = arith.constant -0.166666672 : f32
    %add3A_637 = vector.broadcast %add3A_636 : f32 to vector<63x512xf32>
    %add3A_638 = arith.addf %add3A_637, %mul3A_635 : vector<63x512xf32>
    %mul3A_639 = arith.mulf %mul3A_628, %add3A_638 : vector<63x512xf32>
    %add3A_640 = arith.constant 1.000000e+00 : f32
    %add3A_641 = vector.broadcast %add3A_640 : f32 to vector<63x512xf32>
    %add3A_642 = arith.addf %add3A_641, %mul3A_639 : vector<63x512xf32>
    %mul3A_643 = arith.mulf %sub3A_627, %add3A_642 : vector<63x512xf32>
    %mul3A_644 = arith.constant 2.48015876E-5 : f32
    %mul3A_645 = vector.broadcast %mul3A_644 : f32 to vector<63x512xf32>
    %mul3A_646 = arith.mulf %mul3A_628, %mul3A_645 : vector<63x512xf32>
    %add3A_647 = arith.constant -0.00138888892 : f32
    %add3A_648 = vector.broadcast %add3A_647 : f32 to vector<63x512xf32>
    %add3A_649 = arith.addf %add3A_648, %mul3A_646 : vector<63x512xf32>
    %mul3A_650 = arith.mulf %mul3A_628, %add3A_649 : vector<63x512xf32>
    %add3A_651 = arith.constant 0.0416666679 : f32
    %add3A_652 = vector.broadcast %add3A_651 : f32 to vector<63x512xf32>
    %add3A_653 = arith.addf %add3A_652, %mul3A_650 : vector<63x512xf32>
    %mul3A_654 = arith.mulf %mul3A_628, %add3A_653 : vector<63x512xf32>
    %add3A_655 = arith.constant -5.000000e-01 : f32
    %add3A_656 = vector.broadcast %add3A_655 : f32 to vector<63x512xf32>
    %add3A_657 = arith.addf %add3A_656, %mul3A_654 : vector<63x512xf32>
    %mul3A_658 = arith.mulf %mul3A_628, %add3A_657 : vector<63x512xf32>
    %add3A_659 = arith.constant 1.000000e+00 : f32
    %add3A_660 = vector.broadcast %add3A_659 : f32 to vector<63x512xf32>
    %add3A_661 = arith.addf %add3A_660, %mul3A_658 : vector<63x512xf32>
    %and3A_662 = arith.constant 1 : i32
    %and3A_663 = vector.broadcast %and3A_662 : i32 to vector<63x512xi32>
    %and3A_664 = arith.andi %bitcast_convert_type3A_616, %and3A_663 : vector<63x512xi32>
    %eq3A_665 = arith.constant 0 : i32
    %eq3A_666 = vector.broadcast %eq3A_665 : i32 to vector<63x512xi32>
    %eq3A_667 = arith.cmpi eq, %and3A_664, %eq3A_666 : vector<63x512xi32>
    %select_n3A_668 = arith.select %eq3A_667, %mul3A_643, %add3A_661 : vector<63x512xi1>, vector<63x512xf32>
    %and3A_669 = arith.constant 2 : i32
    %and3A_670 = vector.broadcast %and3A_669 : i32 to vector<63x512xi32>
    %and3A_671 = arith.andi %bitcast_convert_type3A_616, %and3A_670 : vector<63x512xi32>
    %shift_left3A_672 = arith.constant 30 : i32
    %shift_left3A_673 = vector.broadcast %shift_left3A_672 : i32 to vector<63x512xi32>
    %shift_left3A_674 = arith.shli %and3A_671, %shift_left3A_673 : vector<63x512xi32>
    %bitcast_convert_type3A_675 = tpu.bitcast %select_n3A_668 : vector<63x512xf32> -> vector<63x512xi32>
    %xor3A_676 = arith.xori %bitcast_convert_type3A_675, %shift_left3A_674 : vector<63x512xi32>
    %bitcast_convert_type3A_677 = tpu.bitcast %xor3A_676 : vector<63x512xi32> -> vector<63x512xf32>
    %select_n3A_678 = arith.select %eq3A_667, %add3A_661, %mul3A_643 : vector<63x512xi1>, vector<63x512xf32>
    %add3A_679 = arith.constant 1 : i32
    %add3A_680 = vector.broadcast %add3A_679 : i32 to vector<63x512xi32>
    %add3A_681 = arith.addi %bitcast_convert_type3A_616, %add3A_680 : vector<63x512xi32>
    %and3A_682 = arith.constant 2 : i32
    %and3A_683 = vector.broadcast %and3A_682 : i32 to vector<63x512xi32>
    %and3A_684 = arith.andi %add3A_681, %and3A_683 : vector<63x512xi32>
    %shift_left3A_685 = arith.constant 30 : i32
    %shift_left3A_686 = vector.broadcast %shift_left3A_685 : i32 to vector<63x512xi32>
    %shift_left3A_687 = arith.shli %and3A_684, %shift_left3A_686 : vector<63x512xi32>
    %bitcast_convert_type3A_688 = tpu.bitcast %select_n3A_678 : vector<63x512xf32> -> vector<63x512xi32>
    %xor3A_689 = arith.xori %bitcast_convert_type3A_688, %shift_left3A_687 : vector<63x512xi32>
    %bitcast_convert_type3A_690 = tpu.bitcast %xor3A_689 : vector<63x512xi32> -> vector<63x512xf32>
    %convert_element_type3A_691 = arith.truncf %bitcast_convert_type3A_677 : vector<63x512xf32> to vector<63x512xbf16>
    %get3A_692 = arith.constant 0 : index
    %get3A_693 = arith.constant 0 : index
    %get3A_694 = vector.load %arg6[%get3A_692, %get3A_693] : memref<63x128xbf16, #tpu.memory_space<vmem>>, vector<63x128xbf16>
    %dot_general3A_695 = arith.constant dense<0.000000e+00> : vector<512x128xf32>
    %dot_general3A_696 = tpu.matmul %convert_element_type3A_691, %get3A_694, %dot_general3A_695 {dimension_numbers = #tpu.dot_dimension_numbers<[0], [0], [1], [1], [0, 1, 1, 1], [], []>, transpose_lhs_hint = false} : vector<63x512xbf16>, vector<63x128xbf16>, vector<512x128xf32> -> vector<512x128xf32>
    %convert_element_type3A_697 = arith.truncf %bitcast_convert_type3A_690 : vector<63x512xf32> to vector<63x512xbf16>
    %get3A_698 = arith.constant 0 : index
    %get3A_699 = arith.constant 0 : index
    %get3A_700 = vector.load %arg7[%get3A_698, %get3A_699] : memref<63x128xbf16, #tpu.memory_space<vmem>>, vector<63x128xbf16>
    %dot_general3A_701 = arith.constant dense<0.000000e+00> : vector<512x128xf32>
    %dot_general3A_702 = tpu.matmul %convert_element_type3A_697, %get3A_700, %dot_general3A_701 {dimension_numbers = #tpu.dot_dimension_numbers<[0], [0], [1], [1], [0, 1, 1, 1], [], []>, transpose_lhs_hint = false} : vector<63x512xbf16>, vector<63x128xbf16>, vector<512x128xf32> -> vector<512x128xf32>
    %add3A_703 = arith.addf %dot_general3A_696, %dot_general3A_702 : vector<512x128xf32>
    %get3A_704 = arith.constant 0 : index
    %get3A_705 = arith.constant 0 : index
    %get3A_706 = vector.load %arg8[%get3A_704, %get3A_705] : memref<1x128xf32, #tpu.memory_space<vmem>>, vector<1x128xf32>
    %add3A_707 = vector.broadcast %get3A_706 : vector<1x128xf32> to vector<512x128xf32>
    %add3A_708 = arith.addf %add3A_703, %add3A_707 : vector<512x128xf32>
    %swap3A_709 = arith.constant 1024 : index
    %swap3A_710 = arith.constant 0 : index
    %swap3A_711 = vector.load %arg12[%swap3A_709, %swap3A_710] : memref<4096x512xf32, #tpu.memory_space<vmem>>, vector<512x128xf32>
    tpu.vector_store %arg12[%swap3A_709, %swap3A_710], %add3A_708 {strides = array<i32>} : memref<4096x512xf32, #tpu.memory_space<vmem>>, vector<512x128xf32>,
    %get3A_712 = arith.constant 2 : index
    %get3A_713 = arith.constant 0 : index
    %get3A_714 = vector.load %arg3[%get3A_712, %get3A_713] : memref<8x512xf32, #tpu.memory_space<vmem>>, vector<1x512xf32>
    %get3A_715 = arith.constant 0 : index
    %get3A_716 = arith.constant 0 : index
    %get3A_717 = vector.load %arg9[%get3A_715, %get3A_716] : memref<1x128xf32, #tpu.memory_space<vmem>>, vector<1x128xf32>
    %dot_general3A_718 = arith.constant dense<0.000000e+00> : vector<512x128xf32>
    %dot_general3A_719 = tpu.matmul %get3A_714, %get3A_717, %dot_general3A_718 {dimension_numbers = #tpu.dot_dimension_numbers<[0], [0], [1], [1], [0, 1, 1, 1], [], []>, precision = #tpu.contract_precision<fp32>, transpose_lhs_hint = false} : vector<1x512xf32>, vector<1x128xf32>, vector<512x128xf32> -> vector<512x128xf32>
    %get3A_720 = arith.constant 0 : index
    %get3A_721 = arith.constant 0 : index
    %get3A_722 = vector.load %arg10[%get3A_720, %get3A_721] : memref<1x128xf32, #tpu.memory_space<vmem>>, vector<1x128xf32>
    %add3A_723 = vector.broadcast %get3A_722 : vector<1x128xf32> to vector<512x128xf32>
    %add3A_724 = arith.addf %dot_general3A_719, %add3A_723 : vector<512x128xf32>
    %mul3A_725 = arith.constant 0.636619746 : f32
    %mul3A_726 = vector.broadcast %mul3A_725 : f32 to vector<512x128xf32>
    %mul3A_727 = arith.mulf %add3A_724, %mul3A_726 : vector<512x128xf32>
    %add3A_728 = arith.constant 0x4B400000 : f32
    %add3A_729 = vector.broadcast %add3A_728 : f32 to vector<512x128xf32>
    %add3A_730 = arith.addf %mul3A_727, %add3A_729 : vector<512x128xf32>
    %bitcast_convert_type3A_731 = tpu.bitcast %add3A_730 : vector<512x128xf32> -> vector<512x128xi32>
    %sub3A_732 = arith.constant 0x4B400000 : f32
    %sub3A_733 = vector.broadcast %sub3A_732 : f32 to vector<512x128xf32>
    %sub3A_734 = arith.subf %add3A_730, %sub3A_733 : vector<512x128xf32>
    %mul3A_735 = arith.constant 1.5703125 : f32
    %mul3A_736 = vector.broadcast %mul3A_735 : f32 to vector<512x128xf32>
    %mul3A_737 = arith.mulf %sub3A_734, %mul3A_736 : vector<512x128xf32>
    %sub3A_738 = arith.subf %add3A_724, %mul3A_737 : vector<512x128xf32>
    %mul3A_739 = arith.constant 4.83826792E-4 : f32
    %mul3A_740 = vector.broadcast %mul3A_739 : f32 to vector<512x128xf32>
    %mul3A_741 = arith.mulf %sub3A_734, %mul3A_740 : vector<512x128xf32>
    %sub3A_742 = arith.subf %sub3A_738, %mul3A_741 : vector<512x128xf32>
    %mul3A_743 = arith.mulf %sub3A_742, %sub3A_742 : vector<512x128xf32>
    %mul3A_744 = arith.constant -1.98412701E-4 : f32
    %mul3A_745 = vector.broadcast %mul3A_744 : f32 to vector<512x128xf32>
    %mul3A_746 = arith.mulf %mul3A_743, %mul3A_745 : vector<512x128xf32>
    %add3A_747 = arith.constant 0.00833333284 : f32
    %add3A_748 = vector.broadcast %add3A_747 : f32 to vector<512x128xf32>
    %add3A_749 = arith.addf %add3A_748, %mul3A_746 : vector<512x128xf32>
    %mul3A_750 = arith.mulf %mul3A_743, %add3A_749 : vector<512x128xf32>
    %add3A_751 = arith.constant -0.166666672 : f32
    %add3A_752 = vector.broadcast %add3A_751 : f32 to vector<512x128xf32>
    %add3A_753 = arith.addf %add3A_752, %mul3A_750 : vector<512x128xf32>
    %mul3A_754 = arith.mulf %mul3A_743, %add3A_753 : vector<512x128xf32>
    %add3A_755 = arith.constant 1.000000e+00 : f32
    %add3A_756 = vector.broadcast %add3A_755 : f32 to vector<512x128xf32>
    %add3A_757 = arith.addf %add3A_756, %mul3A_754 : vector<512x128xf32>
    %mul3A_758 = arith.mulf %sub3A_742, %add3A_757 : vector<512x128xf32>
    %mul3A_759 = arith.constant 2.48015876E-5 : f32
    %mul3A_760 = vector.broadcast %mul3A_759 : f32 to vector<512x128xf32>
    %mul3A_761 = arith.mulf %mul3A_743, %mul3A_760 : vector<512x128xf32>
    %add3A_762 = arith.constant -0.00138888892 : f32
    %add3A_763 = vector.broadcast %add3A_762 : f32 to vector<512x128xf32>
    %add3A_764 = arith.addf %add3A_763, %mul3A_761 : vector<512x128xf32>
    %mul3A_765 = arith.mulf %mul3A_743, %add3A_764 : vector<512x128xf32>
    %add3A_766 = arith.constant 0.0416666679 : f32
    %add3A_767 = vector.broadcast %add3A_766 : f32 to vector<512x128xf32>
    %add3A_768 = arith.addf %add3A_767, %mul3A_765 : vector<512x128xf32>
    %mul3A_769 = arith.mulf %mul3A_743, %add3A_768 : vector<512x128xf32>
    %add3A_770 = arith.constant -5.000000e-01 : f32
    %add3A_771 = vector.broadcast %add3A_770 : f32 to vector<512x128xf32>
    %add3A_772 = arith.addf %add3A_771, %mul3A_769 : vector<512x128xf32>
    %mul3A_773 = arith.mulf %mul3A_743, %add3A_772 : vector<512x128xf32>
    %add3A_774 = arith.constant 1.000000e+00 : f32
    %add3A_775 = vector.broadcast %add3A_774 : f32 to vector<512x128xf32>
    %add3A_776 = arith.addf %add3A_775, %mul3A_773 : vector<512x128xf32>
    %and3A_777 = arith.constant 1 : i32
    %and3A_778 = vector.broadcast %and3A_777 : i32 to vector<512x128xi32>
    %and3A_779 = arith.andi %bitcast_convert_type3A_731, %and3A_778 : vector<512x128xi32>
    %eq3A_780 = arith.constant 0 : i32
    %eq3A_781 = vector.broadcast %eq3A_780 : i32 to vector<512x128xi32>
    %eq3A_782 = arith.cmpi eq, %and3A_779, %eq3A_781 : vector<512x128xi32>
    %select_n3A_783 = arith.select %eq3A_782, %mul3A_758, %add3A_776 : vector<512x128xi1>, vector<512x128xf32>
    %and3A_784 = arith.constant 2 : i32
    %and3A_785 = vector.broadcast %and3A_784 : i32 to vector<512x128xi32>
    %and3A_786 = arith.andi %bitcast_convert_type3A_731, %and3A_785 : vector<512x128xi32>
    %shift_left3A_787 = arith.constant 30 : i32
    %shift_left3A_788 = vector.broadcast %shift_left3A_787 : i32 to vector<512x128xi32>
    %shift_left3A_789 = arith.shli %and3A_786, %shift_left3A_788 : vector<512x128xi32>
    %bitcast_convert_type3A_790 = tpu.bitcast %select_n3A_783 : vector<512x128xf32> -> vector<512x128xi32>
    %xor3A_791 = arith.xori %bitcast_convert_type3A_790, %shift_left3A_789 : vector<512x128xi32>
    %bitcast_convert_type3A_792 = tpu.bitcast %xor3A_791 : vector<512x128xi32> -> vector<512x128xf32>
    %broadcast_in_dim3A_793 = vector.shape_cast %eq3A_1 : vector<1x128xi1> to vector<1x128xi1>
    %broadcast_in_dim3A_794 = vector.broadcast %broadcast_in_dim3A_793 : vector<1x128xi1> to vector<512x128xi1>
    %select_n3A_795 = arith.select %broadcast_in_dim3A_794, %add3A_724, %bitcast_convert_type3A_792 : vector<512x128xi1>, vector<512x128xf32>
    %swap3A_796 = arith.constant 1024 : index
    %swap3A_797 = arith.constant 128 : index
    %swap3A_798 = vector.load %arg12[%swap3A_796, %swap3A_797] : memref<4096x512xf32, #tpu.memory_space<vmem>>, vector<512x128xf32>
    tpu.vector_store %arg12[%swap3A_796, %swap3A_797], %select_n3A_795 {strides = array<i32>} : memref<4096x512xf32, #tpu.memory_space<vmem>>, vector<512x128xf32>,
    %get3A_799 = arith.constant 2 : index
    %get3A_800 = arith.constant 0 : index
    %get3A_801 = vector.load %arg4[%get3A_799, %get3A_800] : memref<8x512xf32, #tpu.memory_space<vmem>>, vector<1x512xf32>
    %get3A_802 = arith.constant 0 : index
    %get3A_803 = arith.constant 0 : index
    %get3A_804 = vector.load %arg9[%get3A_802, %get3A_803] : memref<1x128xf32, #tpu.memory_space<vmem>>, vector<1x128xf32>
    %dot_general3A_805 = arith.constant dense<0.000000e+00> : vector<512x128xf32>
    %dot_general3A_806 = tpu.matmul %get3A_801, %get3A_804, %dot_general3A_805 {dimension_numbers = #tpu.dot_dimension_numbers<[0], [0], [1], [1], [0, 1, 1, 1], [], []>, precision = #tpu.contract_precision<fp32>, transpose_lhs_hint = false} : vector<1x512xf32>, vector<1x128xf32>, vector<512x128xf32> -> vector<512x128xf32>
    %get3A_807 = arith.constant 0 : index
    %get3A_808 = arith.constant 0 : index
    %get3A_809 = vector.load %arg10[%get3A_807, %get3A_808] : memref<1x128xf32, #tpu.memory_space<vmem>>, vector<1x128xf32>
    %add3A_810 = vector.broadcast %get3A_809 : vector<1x128xf32> to vector<512x128xf32>
    %add3A_811 = arith.addf %dot_general3A_806, %add3A_810 : vector<512x128xf32>
    %mul3A_812 = arith.constant 0.636619746 : f32
    %mul3A_813 = vector.broadcast %mul3A_812 : f32 to vector<512x128xf32>
    %mul3A_814 = arith.mulf %add3A_811, %mul3A_813 : vector<512x128xf32>
    %add3A_815 = arith.constant 0x4B400000 : f32
    %add3A_816 = vector.broadcast %add3A_815 : f32 to vector<512x128xf32>
    %add3A_817 = arith.addf %mul3A_814, %add3A_816 : vector<512x128xf32>
    %bitcast_convert_type3A_818 = tpu.bitcast %add3A_817 : vector<512x128xf32> -> vector<512x128xi32>
    %sub3A_819 = arith.constant 0x4B400000 : f32
    %sub3A_820 = vector.broadcast %sub3A_819 : f32 to vector<512x128xf32>
    %sub3A_821 = arith.subf %add3A_817, %sub3A_820 : vector<512x128xf32>
    %mul3A_822 = arith.constant 1.5703125 : f32
    %mul3A_823 = vector.broadcast %mul3A_822 : f32 to vector<512x128xf32>
    %mul3A_824 = arith.mulf %sub3A_821, %mul3A_823 : vector<512x128xf32>
    %sub3A_825 = arith.subf %add3A_811, %mul3A_824 : vector<512x128xf32>
    %mul3A_826 = arith.constant 4.83826792E-4 : f32
    %mul3A_827 = vector.broadcast %mul3A_826 : f32 to vector<512x128xf32>
    %mul3A_828 = arith.mulf %sub3A_821, %mul3A_827 : vector<512x128xf32>
    %sub3A_829 = arith.subf %sub3A_825, %mul3A_828 : vector<512x128xf32>
    %mul3A_830 = arith.mulf %sub3A_829, %sub3A_829 : vector<512x128xf32>
    %mul3A_831 = arith.constant -1.98412701E-4 : f32
    %mul3A_832 = vector.broadcast %mul3A_831 : f32 to vector<512x128xf32>
    %mul3A_833 = arith.mulf %mul3A_830, %mul3A_832 : vector<512x128xf32>
    %add3A_834 = arith.constant 0.00833333284 : f32
    %add3A_835 = vector.broadcast %add3A_834 : f32 to vector<512x128xf32>
    %add3A_836 = arith.addf %add3A_835, %mul3A_833 : vector<512x128xf32>
    %mul3A_837 = arith.mulf %mul3A_830, %add3A_836 : vector<512x128xf32>
    %add3A_838 = arith.constant -0.166666672 : f32
    %add3A_839 = vector.broadcast %add3A_838 : f32 to vector<512x128xf32>
    %add3A_840 = arith.addf %add3A_839, %mul3A_837 : vector<512x128xf32>
    %mul3A_841 = arith.mulf %mul3A_830, %add3A_840 : vector<512x128xf32>
    %add3A_842 = arith.constant 1.000000e+00 : f32
    %add3A_843 = vector.broadcast %add3A_842 : f32 to vector<512x128xf32>
    %add3A_844 = arith.addf %add3A_843, %mul3A_841 : vector<512x128xf32>
    %mul3A_845 = arith.mulf %sub3A_829, %add3A_844 : vector<512x128xf32>
    %mul3A_846 = arith.constant 2.48015876E-5 : f32
    %mul3A_847 = vector.broadcast %mul3A_846 : f32 to vector<512x128xf32>
    %mul3A_848 = arith.mulf %mul3A_830, %mul3A_847 : vector<512x128xf32>
    %add3A_849 = arith.constant -0.00138888892 : f32
    %add3A_850 = vector.broadcast %add3A_849 : f32 to vector<512x128xf32>
    %add3A_851 = arith.addf %add3A_850, %mul3A_848 : vector<512x128xf32>
    %mul3A_852 = arith.mulf %mul3A_830, %add3A_851 : vector<512x128xf32>
    %add3A_853 = arith.constant 0.0416666679 : f32
    %add3A_854 = vector.broadcast %add3A_853 : f32 to vector<512x128xf32>
    %add3A_855 = arith.addf %add3A_854, %mul3A_852 : vector<512x128xf32>
    %mul3A_856 = arith.mulf %mul3A_830, %add3A_855 : vector<512x128xf32>
    %add3A_857 = arith.constant -5.000000e-01 : f32
    %add3A_858 = vector.broadcast %add3A_857 : f32 to vector<512x128xf32>
    %add3A_859 = arith.addf %add3A_858, %mul3A_856 : vector<512x128xf32>
    %mul3A_860 = arith.mulf %mul3A_830, %add3A_859 : vector<512x128xf32>
    %add3A_861 = arith.constant 1.000000e+00 : f32
    %add3A_862 = vector.broadcast %add3A_861 : f32 to vector<512x128xf32>
    %add3A_863 = arith.addf %add3A_862, %mul3A_860 : vector<512x128xf32>
    %and3A_864 = arith.constant 1 : i32
    %and3A_865 = vector.broadcast %and3A_864 : i32 to vector<512x128xi32>
    %and3A_866 = arith.andi %bitcast_convert_type3A_818, %and3A_865 : vector<512x128xi32>
    %eq3A_867 = arith.constant 0 : i32
    %eq3A_868 = vector.broadcast %eq3A_867 : i32 to vector<512x128xi32>
    %eq3A_869 = arith.cmpi eq, %and3A_866, %eq3A_868 : vector<512x128xi32>
    %select_n3A_870 = arith.select %eq3A_869, %mul3A_845, %add3A_863 : vector<512x128xi1>, vector<512x128xf32>
    %and3A_871 = arith.constant 2 : i32
    %and3A_872 = vector.broadcast %and3A_871 : i32 to vector<512x128xi32>
    %and3A_873 = arith.andi %bitcast_convert_type3A_818, %and3A_872 : vector<512x128xi32>
    %shift_left3A_874 = arith.constant 30 : i32
    %shift_left3A_875 = vector.broadcast %shift_left3A_874 : i32 to vector<512x128xi32>
    %shift_left3A_876 = arith.shli %and3A_873, %shift_left3A_875 : vector<512x128xi32>
    %bitcast_convert_type3A_877 = tpu.bitcast %select_n3A_870 : vector<512x128xf32> -> vector<512x128xi32>
    %xor3A_878 = arith.xori %bitcast_convert_type3A_877, %shift_left3A_876 : vector<512x128xi32>
    %bitcast_convert_type3A_879 = tpu.bitcast %xor3A_878 : vector<512x128xi32> -> vector<512x128xf32>
    %broadcast_in_dim3A_880 = vector.shape_cast %eq3A_1 : vector<1x128xi1> to vector<1x128xi1>
    %broadcast_in_dim3A_881 = vector.broadcast %broadcast_in_dim3A_880 : vector<1x128xi1> to vector<512x128xi1>
    %select_n3A_882 = arith.select %broadcast_in_dim3A_881, %add3A_811, %bitcast_convert_type3A_879 : vector<512x128xi1>, vector<512x128xf32>
    %swap3A_883 = arith.constant 1024 : index
    %swap3A_884 = arith.constant 256 : index
    %swap3A_885 = vector.load %arg12[%swap3A_883, %swap3A_884] : memref<4096x512xf32, #tpu.memory_space<vmem>>, vector<512x128xf32>
    tpu.vector_store %arg12[%swap3A_883, %swap3A_884], %select_n3A_882 {strides = array<i32>} : memref<4096x512xf32, #tpu.memory_space<vmem>>, vector<512x128xf32>,
    %get3A_886 = arith.constant 3 : index
    %get3A_887 = arith.constant 0 : index
    %get3A_888 = vector.load %arg1[%get3A_886, %get3A_887] : memref<8x512xf32, #tpu.memory_space<vmem>>, vector<1x512xf32>
    %convert_element_type3A_889 = arith.truncf %get3A_888 : vector<1x512xf32> to vector<1x512xbf16>
    %convert_element_type3A_890 = arith.extf %convert_element_type3A_889 : vector<1x512xbf16> to vector<1x512xf32>
    %get3A_891 = arith.constant 3 : index
    %get3A_892 = arith.constant 0 : index
    %get3A_893 = vector.load %arg2[%get3A_891, %get3A_892] : memref<8x512xf32, #tpu.memory_space<vmem>>, vector<1x512xf32>
    %convert_element_type3A_894 = arith.truncf %get3A_893 : vector<1x512xf32> to vector<1x512xbf16>
    %convert_element_type3A_895 = arith.extf %convert_element_type3A_894 : vector<1x512xbf16> to vector<1x512xf32>
    %get3A_896 = arith.constant 0 : index
    %get3A_897 = arith.constant 0 : index
    %get3A_898 = vector.load %arg5[%get3A_896, %get3A_897] : memref<63x2xf32, #tpu.memory_space<vmem>>, vector<63x1xf32>
    %mul3A_899 = vector.broadcast %get3A_898 : vector<63x1xf32> to vector<63x512xf32>
    %mul3A_900 = vector.broadcast %convert_element_type3A_890 : vector<1x512xf32> to vector<63x512xf32>
    %mul3A_901 = arith.mulf %mul3A_899, %mul3A_900 : vector<63x512xf32>
    %get3A_902 = arith.constant 0 : index
    %get3A_903 = arith.constant 1 : index
    %get3A_904 = vector.load %arg5[%get3A_902, %get3A_903] : memref<63x2xf32, #tpu.memory_space<vmem>>, vector<63x1xf32>
    %mul3A_905 = vector.broadcast %get3A_904 : vector<63x1xf32> to vector<63x512xf32>
    %mul3A_906 = vector.broadcast %convert_element_type3A_895 : vector<1x512xf32> to vector<63x512xf32>
    %mul3A_907 = arith.mulf %mul3A_905, %mul3A_906 : vector<63x512xf32>
    %add3A_908 = arith.addf %mul3A_901, %mul3A_907 : vector<63x512xf32>
    %mul3A_909 = arith.constant 0.636619746 : f32
    %mul3A_910 = vector.broadcast %mul3A_909 : f32 to vector<63x512xf32>
    %mul3A_911 = arith.mulf %add3A_908, %mul3A_910 : vector<63x512xf32>
    %add3A_912 = arith.constant 0x4B400000 : f32
    %add3A_913 = vector.broadcast %add3A_912 : f32 to vector<63x512xf32>
    %add3A_914 = arith.addf %mul3A_911, %add3A_913 : vector<63x512xf32>
    %bitcast_convert_type3A_915 = tpu.bitcast %add3A_914 : vector<63x512xf32> -> vector<63x512xi32>
    %sub3A_916 = arith.constant 0x4B400000 : f32
    %sub3A_917 = vector.broadcast %sub3A_916 : f32 to vector<63x512xf32>
    %sub3A_918 = arith.subf %add3A_914, %sub3A_917 : vector<63x512xf32>
    %mul3A_919 = arith.constant 1.5703125 : f32
    %mul3A_920 = vector.broadcast %mul3A_919 : f32 to vector<63x512xf32>
    %mul3A_921 = arith.mulf %sub3A_918, %mul3A_920 : vector<63x512xf32>
    %sub3A_922 = arith.subf %add3A_908, %mul3A_921 : vector<63x512xf32>
    %mul3A_923 = arith.constant 4.83826792E-4 : f32
    %mul3A_924 = vector.broadcast %mul3A_923 : f32 to vector<63x512xf32>
    %mul3A_925 = arith.mulf %sub3A_918, %mul3A_924 : vector<63x512xf32>
    %sub3A_926 = arith.subf %sub3A_922, %mul3A_925 : vector<63x512xf32>
    %mul3A_927 = arith.mulf %sub3A_926, %sub3A_926 : vector<63x512xf32>
    %mul3A_928 = arith.constant -1.98412701E-4 : f32
    %mul3A_929 = vector.broadcast %mul3A_928 : f32 to vector<63x512xf32>
    %mul3A_930 = arith.mulf %mul3A_927, %mul3A_929 : vector<63x512xf32>
    %add3A_931 = arith.constant 0.00833333284 : f32
    %add3A_932 = vector.broadcast %add3A_931 : f32 to vector<63x512xf32>
    %add3A_933 = arith.addf %add3A_932, %mul3A_930 : vector<63x512xf32>
    %mul3A_934 = arith.mulf %mul3A_927, %add3A_933 : vector<63x512xf32>
    %add3A_935 = arith.constant -0.166666672 : f32
    %add3A_936 = vector.broadcast %add3A_935 : f32 to vector<63x512xf32>
    %add3A_937 = arith.addf %add3A_936, %mul3A_934 : vector<63x512xf32>
    %mul3A_938 = arith.mulf %mul3A_927, %add3A_937 : vector<63x512xf32>
    %add3A_939 = arith.constant 1.000000e+00 : f32
    %add3A_940 = vector.broadcast %add3A_939 : f32 to vector<63x512xf32>
    %add3A_941 = arith.addf %add3A_940, %mul3A_938 : vector<63x512xf32>
    %mul3A_942 = arith.mulf %sub3A_926, %add3A_941 : vector<63x512xf32>
    %mul3A_943 = arith.constant 2.48015876E-5 : f32
    %mul3A_944 = vector.broadcast %mul3A_943 : f32 to vector<63x512xf32>
    %mul3A_945 = arith.mulf %mul3A_927, %mul3A_944 : vector<63x512xf32>
    %add3A_946 = arith.constant -0.00138888892 : f32
    %add3A_947 = vector.broadcast %add3A_946 : f32 to vector<63x512xf32>
    %add3A_948 = arith.addf %add3A_947, %mul3A_945 : vector<63x512xf32>
    %mul3A_949 = arith.mulf %mul3A_927, %add3A_948 : vector<63x512xf32>
    %add3A_950 = arith.constant 0.0416666679 : f32
    %add3A_951 = vector.broadcast %add3A_950 : f32 to vector<63x512xf32>
    %add3A_952 = arith.addf %add3A_951, %mul3A_949 : vector<63x512xf32>
    %mul3A_953 = arith.mulf %mul3A_927, %add3A_952 : vector<63x512xf32>
    %add3A_954 = arith.constant -5.000000e-01 : f32
    %add3A_955 = vector.broadcast %add3A_954 : f32 to vector<63x512xf32>
    %add3A_956 = arith.addf %add3A_955, %mul3A_953 : vector<63x512xf32>
    %mul3A_957 = arith.mulf %mul3A_927, %add3A_956 : vector<63x512xf32>
    %add3A_958 = arith.constant 1.000000e+00 : f32
    %add3A_959 = vector.broadcast %add3A_958 : f32 to vector<63x512xf32>
    %add3A_960 = arith.addf %add3A_959, %mul3A_957 : vector<63x512xf32>
    %and3A_961 = arith.constant 1 : i32
    %and3A_962 = vector.broadcast %and3A_961 : i32 to vector<63x512xi32>
    %and3A_963 = arith.andi %bitcast_convert_type3A_915, %and3A_962 : vector<63x512xi32>
    %eq3A_964 = arith.constant 0 : i32
    %eq3A_965 = vector.broadcast %eq3A_964 : i32 to vector<63x512xi32>
    %eq3A_966 = arith.cmpi eq, %and3A_963, %eq3A_965 : vector<63x512xi32>
    %select_n3A_967 = arith.select %eq3A_966, %mul3A_942, %add3A_960 : vector<63x512xi1>, vector<63x512xf32>
    %and3A_968 = arith.constant 2 : i32
    %and3A_969 = vector.broadcast %and3A_968 : i32 to vector<63x512xi32>
    %and3A_970 = arith.andi %bitcast_convert_type3A_915, %and3A_969 : vector<63x512xi32>
    %shift_left3A_971 = arith.constant 30 : i32
    %shift_left3A_972 = vector.broadcast %shift_left3A_971 : i32 to vector<63x512xi32>
    %shift_left3A_973 = arith.shli %and3A_970, %shift_left3A_972 : vector<63x512xi32>
    %bitcast_convert_type3A_974 = tpu.bitcast %select_n3A_967 : vector<63x512xf32> -> vector<63x512xi32>
    %xor3A_975 = arith.xori %bitcast_convert_type3A_974, %shift_left3A_973 : vector<63x512xi32>
    %bitcast_convert_type3A_976 = tpu.bitcast %xor3A_975 : vector<63x512xi32> -> vector<63x512xf32>
    %select_n3A_977 = arith.select %eq3A_966, %add3A_960, %mul3A_942 : vector<63x512xi1>, vector<63x512xf32>
    %add3A_978 = arith.constant 1 : i32
    %add3A_979 = vector.broadcast %add3A_978 : i32 to vector<63x512xi32>
    %add3A_980 = arith.addi %bitcast_convert_type3A_915, %add3A_979 : vector<63x512xi32>
    %and3A_981 = arith.constant 2 : i32
    %and3A_982 = vector.broadcast %and3A_981 : i32 to vector<63x512xi32>
    %and3A_983 = arith.andi %add3A_980, %and3A_982 : vector<63x512xi32>
    %shift_left3A_984 = arith.constant 30 : i32
    %shift_left3A_985 = vector.broadcast %shift_left3A_984 : i32 to vector<63x512xi32>
    %shift_left3A_986 = arith.shli %and3A_983, %shift_left3A_985 : vector<63x512xi32>
    %bitcast_convert_type3A_987 = tpu.bitcast %select_n3A_977 : vector<63x512xf32> -> vector<63x512xi32>
    %xor3A_988 = arith.xori %bitcast_convert_type3A_987, %shift_left3A_986 : vector<63x512xi32>
    %bitcast_convert_type3A_989 = tpu.bitcast %xor3A_988 : vector<63x512xi32> -> vector<63x512xf32>
    %convert_element_type3A_990 = arith.truncf %bitcast_convert_type3A_976 : vector<63x512xf32> to vector<63x512xbf16>
    %get3A_991 = arith.constant 0 : index
    %get3A_992 = arith.constant 0 : index
    %get3A_993 = vector.load %arg6[%get3A_991, %get3A_992] : memref<63x128xbf16, #tpu.memory_space<vmem>>, vector<63x128xbf16>
    %dot_general3A_994 = arith.constant dense<0.000000e+00> : vector<512x128xf32>
    %dot_general3A_995 = tpu.matmul %convert_element_type3A_990, %get3A_993, %dot_general3A_994 {dimension_numbers = #tpu.dot_dimension_numbers<[0], [0], [1], [1], [0, 1, 1, 1], [], []>, transpose_lhs_hint = false} : vector<63x512xbf16>, vector<63x128xbf16>, vector<512x128xf32> -> vector<512x128xf32>
    %convert_element_type3A_996 = arith.truncf %bitcast_convert_type3A_989 : vector<63x512xf32> to vector<63x512xbf16>
    %get3A_997 = arith.constant 0 : index
    %get3A_998 = arith.constant 0 : index
    %get3A_999 = vector.load %arg7[%get3A_997, %get3A_998] : memref<63x128xbf16, #tpu.memory_space<vmem>>, vector<63x128xbf16>
    %dot_general3A_1000 = arith.constant dense<0.000000e+00> : vector<512x128xf32>
    %dot_general3A_1001 = tpu.matmul %convert_element_type3A_996, %get3A_999, %dot_general3A_1000 {dimension_numbers = #tpu.dot_dimension_numbers<[0], [0], [1], [1], [0, 1, 1, 1], [], []>, transpose_lhs_hint = false} : vector<63x512xbf16>, vector<63x128xbf16>, vector<512x128xf32> -> vector<512x128xf32>
    %add3A_1002 = arith.addf %dot_general3A_995, %dot_general3A_1001 : vector<512x128xf32>
    %get3A_1003 = arith.constant 0 : index
    %get3A_1004 = arith.constant 0 : index
    %get3A_1005 = vector.load %arg8[%get3A_1003, %get3A_1004] : memref<1x128xf32, #tpu.memory_space<vmem>>, vector<1x128xf32>
    %add3A_1006 = vector.broadcast %get3A_1005 : vector<1x128xf32> to vector<512x128xf32>
    %add3A_1007 = arith.addf %add3A_1002, %add3A_1006 : vector<512x128xf32>
    %swap3A_1008 = arith.constant 1536 : index
    %swap3A_1009 = arith.constant 0 : index
    %swap3A_1010 = vector.load %arg12[%swap3A_1008, %swap3A_1009] : memref<4096x512xf32, #tpu.memory_space<vmem>>, vector<512x128xf32>
    tpu.vector_store %arg12[%swap3A_1008, %swap3A_1009], %add3A_1007 {strides = array<i32>} : memref<4096x512xf32, #tpu.memory_space<vmem>>, vector<512x128xf32>,
    %get3A_1011 = arith.constant 3 : index
    %get3A_1012 = arith.constant 0 : index
    %get3A_1013 = vector.load %arg3[%get3A_1011, %get3A_1012] : memref<8x512xf32, #tpu.memory_space<vmem>>, vector<1x512xf32>
    %get3A_1014 = arith.constant 0 : index
    %get3A_1015 = arith.constant 0 : index
    %get3A_1016 = vector.load %arg9[%get3A_1014, %get3A_1015] : memref<1x128xf32, #tpu.memory_space<vmem>>, vector<1x128xf32>
    %dot_general3A_1017 = arith.constant dense<0.000000e+00> : vector<512x128xf32>
    %dot_general3A_1018 = tpu.matmul %get3A_1013, %get3A_1016, %dot_general3A_1017 {dimension_numbers = #tpu.dot_dimension_numbers<[0], [0], [1], [1], [0, 1, 1, 1], [], []>, precision = #tpu.contract_precision<fp32>, transpose_lhs_hint = false} : vector<1x512xf32>, vector<1x128xf32>, vector<512x128xf32> -> vector<512x128xf32>
    %get3A_1019 = arith.constant 0 : index
    %get3A_1020 = arith.constant 0 : index
    %get3A_1021 = vector.load %arg10[%get3A_1019, %get3A_1020] : memref<1x128xf32, #tpu.memory_space<vmem>>, vector<1x128xf32>
    %add3A_1022 = vector.broadcast %get3A_1021 : vector<1x128xf32> to vector<512x128xf32>
    %add3A_1023 = arith.addf %dot_general3A_1018, %add3A_1022 : vector<512x128xf32>
    %mul3A_1024 = arith.constant 0.636619746 : f32
    %mul3A_1025 = vector.broadcast %mul3A_1024 : f32 to vector<512x128xf32>
    %mul3A_1026 = arith.mulf %add3A_1023, %mul3A_1025 : vector<512x128xf32>
    %add3A_1027 = arith.constant 0x4B400000 : f32
    %add3A_1028 = vector.broadcast %add3A_1027 : f32 to vector<512x128xf32>
    %add3A_1029 = arith.addf %mul3A_1026, %add3A_1028 : vector<512x128xf32>
    %bitcast_convert_type3A_1030 = tpu.bitcast %add3A_1029 : vector<512x128xf32> -> vector<512x128xi32>
    %sub3A_1031 = arith.constant 0x4B400000 : f32
    %sub3A_1032 = vector.broadcast %sub3A_1031 : f32 to vector<512x128xf32>
    %sub3A_1033 = arith.subf %add3A_1029, %sub3A_1032 : vector<512x128xf32>
    %mul3A_1034 = arith.constant 1.5703125 : f32
    %mul3A_1035 = vector.broadcast %mul3A_1034 : f32 to vector<512x128xf32>
    %mul3A_1036 = arith.mulf %sub3A_1033, %mul3A_1035 : vector<512x128xf32>
    %sub3A_1037 = arith.subf %add3A_1023, %mul3A_1036 : vector<512x128xf32>
    %mul3A_1038 = arith.constant 4.83826792E-4 : f32
    %mul3A_1039 = vector.broadcast %mul3A_1038 : f32 to vector<512x128xf32>
    %mul3A_1040 = arith.mulf %sub3A_1033, %mul3A_1039 : vector<512x128xf32>
    %sub3A_1041 = arith.subf %sub3A_1037, %mul3A_1040 : vector<512x128xf32>
    %mul3A_1042 = arith.mulf %sub3A_1041, %sub3A_1041 : vector<512x128xf32>
    %mul3A_1043 = arith.constant -1.98412701E-4 : f32
    %mul3A_1044 = vector.broadcast %mul3A_1043 : f32 to vector<512x128xf32>
    %mul3A_1045 = arith.mulf %mul3A_1042, %mul3A_1044 : vector<512x128xf32>
    %add3A_1046 = arith.constant 0.00833333284 : f32
    %add3A_1047 = vector.broadcast %add3A_1046 : f32 to vector<512x128xf32>
    %add3A_1048 = arith.addf %add3A_1047, %mul3A_1045 : vector<512x128xf32>
    %mul3A_1049 = arith.mulf %mul3A_1042, %add3A_1048 : vector<512x128xf32>
    %add3A_1050 = arith.constant -0.166666672 : f32
    %add3A_1051 = vector.broadcast %add3A_1050 : f32 to vector<512x128xf32>
    %add3A_1052 = arith.addf %add3A_1051, %mul3A_1049 : vector<512x128xf32>
    %mul3A_1053 = arith.mulf %mul3A_1042, %add3A_1052 : vector<512x128xf32>
    %add3A_1054 = arith.constant 1.000000e+00 : f32
    %add3A_1055 = vector.broadcast %add3A_1054 : f32 to vector<512x128xf32>
    %add3A_1056 = arith.addf %add3A_1055, %mul3A_1053 : vector<512x128xf32>
    %mul3A_1057 = arith.mulf %sub3A_1041, %add3A_1056 : vector<512x128xf32>
    %mul3A_1058 = arith.constant 2.48015876E-5 : f32
    %mul3A_1059 = vector.broadcast %mul3A_1058 : f32 to vector<512x128xf32>
    %mul3A_1060 = arith.mulf %mul3A_1042, %mul3A_1059 : vector<512x128xf32>
    %add3A_1061 = arith.constant -0.00138888892 : f32
    %add3A_1062 = vector.broadcast %add3A_1061 : f32 to vector<512x128xf32>
    %add3A_1063 = arith.addf %add3A_1062, %mul3A_1060 : vector<512x128xf32>
    %mul3A_1064 = arith.mulf %mul3A_1042, %add3A_1063 : vector<512x128xf32>
    %add3A_1065 = arith.constant 0.0416666679 : f32
    %add3A_1066 = vector.broadcast %add3A_1065 : f32 to vector<512x128xf32>
    %add3A_1067 = arith.addf %add3A_1066, %mul3A_1064 : vector<512x128xf32>
    %mul3A_1068 = arith.mulf %mul3A_1042, %add3A_1067 : vector<512x128xf32>
    %add3A_1069 = arith.constant -5.000000e-01 : f32
    %add3A_1070 = vector.broadcast %add3A_1069 : f32 to vector<512x128xf32>
    %add3A_1071 = arith.addf %add3A_1070, %mul3A_1068 : vector<512x128xf32>
    %mul3A_1072 = arith.mulf %mul3A_1042, %add3A_1071 : vector<512x128xf32>
    %add3A_1073 = arith.constant 1.000000e+00 : f32
    %add3A_1074 = vector.broadcast %add3A_1073 : f32 to vector<512x128xf32>
    %add3A_1075 = arith.addf %add3A_1074, %mul3A_1072 : vector<512x128xf32>
    %and3A_1076 = arith.constant 1 : i32
    %and3A_1077 = vector.broadcast %and3A_1076 : i32 to vector<512x128xi32>
    %and3A_1078 = arith.andi %bitcast_convert_type3A_1030, %and3A_1077 : vector<512x128xi32>
    %eq3A_1079 = arith.constant 0 : i32
    %eq3A_1080 = vector.broadcast %eq3A_1079 : i32 to vector<512x128xi32>
    %eq3A_1081 = arith.cmpi eq, %and3A_1078, %eq3A_1080 : vector<512x128xi32>
    %select_n3A_1082 = arith.select %eq3A_1081, %mul3A_1057, %add3A_1075 : vector<512x128xi1>, vector<512x128xf32>
    %and3A_1083 = arith.constant 2 : i32
    %and3A_1084 = vector.broadcast %and3A_1083 : i32 to vector<512x128xi32>
    %and3A_1085 = arith.andi %bitcast_convert_type3A_1030, %and3A_1084 : vector<512x128xi32>
    %shift_left3A_1086 = arith.constant 30 : i32
    %shift_left3A_1087 = vector.broadcast %shift_left3A_1086 : i32 to vector<512x128xi32>
    %shift_left3A_1088 = arith.shli %and3A_1085, %shift_left3A_1087 : vector<512x128xi32>
    %bitcast_convert_type3A_1089 = tpu.bitcast %select_n3A_1082 : vector<512x128xf32> -> vector<512x128xi32>
    %xor3A_1090 = arith.xori %bitcast_convert_type3A_1089, %shift_left3A_1088 : vector<512x128xi32>
    %bitcast_convert_type3A_1091 = tpu.bitcast %xor3A_1090 : vector<512x128xi32> -> vector<512x128xf32>
    %broadcast_in_dim3A_1092 = vector.shape_cast %eq3A_1 : vector<1x128xi1> to vector<1x128xi1>
    %broadcast_in_dim3A_1093 = vector.broadcast %broadcast_in_dim3A_1092 : vector<1x128xi1> to vector<512x128xi1>
    %select_n3A_1094 = arith.select %broadcast_in_dim3A_1093, %add3A_1023, %bitcast_convert_type3A_1091 : vector<512x128xi1>, vector<512x128xf32>
    %swap3A_1095 = arith.constant 1536 : index
    %swap3A_1096 = arith.constant 128 : index
    %swap3A_1097 = vector.load %arg12[%swap3A_1095, %swap3A_1096] : memref<4096x512xf32, #tpu.memory_space<vmem>>, vector<512x128xf32>
    tpu.vector_store %arg12[%swap3A_1095, %swap3A_1096], %select_n3A_1094 {strides = array<i32>} : memref<4096x512xf32, #tpu.memory_space<vmem>>, vector<512x128xf32>,
    %get3A_1098 = arith.constant 3 : index
    %get3A_1099 = arith.constant 0 : index
    %get3A_1100 = vector.load %arg4[%get3A_1098, %get3A_1099] : memref<8x512xf32, #tpu.memory_space<vmem>>, vector<1x512xf32>
    %get3A_1101 = arith.constant 0 : index
    %get3A_1102 = arith.constant 0 : index
    %get3A_1103 = vector.load %arg9[%get3A_1101, %get3A_1102] : memref<1x128xf32, #tpu.memory_space<vmem>>, vector<1x128xf32>
    %dot_general3A_1104 = arith.constant dense<0.000000e+00> : vector<512x128xf32>
    %dot_general3A_1105 = tpu.matmul %get3A_1100, %get3A_1103, %dot_general3A_1104 {dimension_numbers = #tpu.dot_dimension_numbers<[0], [0], [1], [1], [0, 1, 1, 1], [], []>, precision = #tpu.contract_precision<fp32>, transpose_lhs_hint = false} : vector<1x512xf32>, vector<1x128xf32>, vector<512x128xf32> -> vector<512x128xf32>
    %get3A_1106 = arith.constant 0 : index
    %get3A_1107 = arith.constant 0 : index
    %get3A_1108 = vector.load %arg10[%get3A_1106, %get3A_1107] : memref<1x128xf32, #tpu.memory_space<vmem>>, vector<1x128xf32>
    %add3A_1109 = vector.broadcast %get3A_1108 : vector<1x128xf32> to vector<512x128xf32>
    %add3A_1110 = arith.addf %dot_general3A_1105, %add3A_1109 : vector<512x128xf32>
    %mul3A_1111 = arith.constant 0.636619746 : f32
    %mul3A_1112 = vector.broadcast %mul3A_1111 : f32 to vector<512x128xf32>
    %mul3A_1113 = arith.mulf %add3A_1110, %mul3A_1112 : vector<512x128xf32>
    %add3A_1114 = arith.constant 0x4B400000 : f32
    %add3A_1115 = vector.broadcast %add3A_1114 : f32 to vector<512x128xf32>
    %add3A_1116 = arith.addf %mul3A_1113, %add3A_1115 : vector<512x128xf32>
    %bitcast_convert_type3A_1117 = tpu.bitcast %add3A_1116 : vector<512x128xf32> -> vector<512x128xi32>
    %sub3A_1118 = arith.constant 0x4B400000 : f32
    %sub3A_1119 = vector.broadcast %sub3A_1118 : f32 to vector<512x128xf32>
    %sub3A_1120 = arith.subf %add3A_1116, %sub3A_1119 : vector<512x128xf32>
    %mul3A_1121 = arith.constant 1.5703125 : f32
    %mul3A_1122 = vector.broadcast %mul3A_1121 : f32 to vector<512x128xf32>
    %mul3A_1123 = arith.mulf %sub3A_1120, %mul3A_1122 : vector<512x128xf32>
    %sub3A_1124 = arith.subf %add3A_1110, %mul3A_1123 : vector<512x128xf32>
    %mul3A_1125 = arith.constant 4.83826792E-4 : f32
    %mul3A_1126 = vector.broadcast %mul3A_1125 : f32 to vector<512x128xf32>
    %mul3A_1127 = arith.mulf %sub3A_1120, %mul3A_1126 : vector<512x128xf32>
    %sub3A_1128 = arith.subf %sub3A_1124, %mul3A_1127 : vector<512x128xf32>
    %mul3A_1129 = arith.mulf %sub3A_1128, %sub3A_1128 : vector<512x128xf32>
    %mul3A_1130 = arith.constant -1.98412701E-4 : f32
    %mul3A_1131 = vector.broadcast %mul3A_1130 : f32 to vector<512x128xf32>
    %mul3A_1132 = arith.mulf %mul3A_1129, %mul3A_1131 : vector<512x128xf32>
    %add3A_1133 = arith.constant 0.00833333284 : f32
    %add3A_1134 = vector.broadcast %add3A_1133 : f32 to vector<512x128xf32>
    %add3A_1135 = arith.addf %add3A_1134, %mul3A_1132 : vector<512x128xf32>
    %mul3A_1136 = arith.mulf %mul3A_1129, %add3A_1135 : vector<512x128xf32>
    %add3A_1137 = arith.constant -0.166666672 : f32
    %add3A_1138 = vector.broadcast %add3A_1137 : f32 to vector<512x128xf32>
    %add3A_1139 = arith.addf %add3A_1138, %mul3A_1136 : vector<512x128xf32>
    %mul3A_1140 = arith.mulf %mul3A_1129, %add3A_1139 : vector<512x128xf32>
    %add3A_1141 = arith.constant 1.000000e+00 : f32
    %add3A_1142 = vector.broadcast %add3A_1141 : f32 to vector<512x128xf32>
    %add3A_1143 = arith.addf %add3A_1142, %mul3A_1140 : vector<512x128xf32>
    %mul3A_1144 = arith.mulf %sub3A_1128, %add3A_1143 : vector<512x128xf32>
    %mul3A_1145 = arith.constant 2.48015876E-5 : f32
    %mul3A_1146 = vector.broadcast %mul3A_1145 : f32 to vector<512x128xf32>
    %mul3A_1147 = arith.mulf %mul3A_1129, %mul3A_1146 : vector<512x128xf32>
    %add3A_1148 = arith.constant -0.00138888892 : f32
    %add3A_1149 = vector.broadcast %add3A_1148 : f32 to vector<512x128xf32>
    %add3A_1150 = arith.addf %add3A_1149, %mul3A_1147 : vector<512x128xf32>
    %mul3A_1151 = arith.mulf %mul3A_1129, %add3A_1150 : vector<512x128xf32>
    %add3A_1152 = arith.constant 0.0416666679 : f32
    %add3A_1153 = vector.broadcast %add3A_1152 : f32 to vector<512x128xf32>
    %add3A_1154 = arith.addf %add3A_1153, %mul3A_1151 : vector<512x128xf32>
    %mul3A_1155 = arith.mulf %mul3A_1129, %add3A_1154 : vector<512x128xf32>
    %add3A_1156 = arith.constant -5.000000e-01 : f32
    %add3A_1157 = vector.broadcast %add3A_1156 : f32 to vector<512x128xf32>
    %add3A_1158 = arith.addf %add3A_1157, %mul3A_1155 : vector<512x128xf32>
    %mul3A_1159 = arith.mulf %mul3A_1129, %add3A_1158 : vector<512x128xf32>
    %add3A_1160 = arith.constant 1.000000e+00 : f32
    %add3A_1161 = vector.broadcast %add3A_1160 : f32 to vector<512x128xf32>
    %add3A_1162 = arith.addf %add3A_1161, %mul3A_1159 : vector<512x128xf32>
    %and3A_1163 = arith.constant 1 : i32
    %and3A_1164 = vector.broadcast %and3A_1163 : i32 to vector<512x128xi32>
    %and3A_1165 = arith.andi %bitcast_convert_type3A_1117, %and3A_1164 : vector<512x128xi32>
    %eq3A_1166 = arith.constant 0 : i32
    %eq3A_1167 = vector.broadcast %eq3A_1166 : i32 to vector<512x128xi32>
    %eq3A_1168 = arith.cmpi eq, %and3A_1165, %eq3A_1167 : vector<512x128xi32>
    %select_n3A_1169 = arith.select %eq3A_1168, %mul3A_1144, %add3A_1162 : vector<512x128xi1>, vector<512x128xf32>
    %and3A_1170 = arith.constant 2 : i32
    %and3A_1171 = vector.broadcast %and3A_1170 : i32 to vector<512x128xi32>
    %and3A_1172 = arith.andi %bitcast_convert_type3A_1117, %and3A_1171 : vector<512x128xi32>
    %shift_left3A_1173 = arith.constant 30 : i32
    %shift_left3A_1174 = vector.broadcast %shift_left3A_1173 : i32 to vector<512x128xi32>
    %shift_left3A_1175 = arith.shli %and3A_1172, %shift_left3A_1174 : vector<512x128xi32>
    %bitcast_convert_type3A_1176 = tpu.bitcast %select_n3A_1169 : vector<512x128xf32> -> vector<512x128xi32>
    %xor3A_1177 = arith.xori %bitcast_convert_type3A_1176, %shift_left3A_1175 : vector<512x128xi32>
    %bitcast_convert_type3A_1178 = tpu.bitcast %xor3A_1177 : vector<512x128xi32> -> vector<512x128xf32>
    %broadcast_in_dim3A_1179 = vector.shape_cast %eq3A_1 : vector<1x128xi1> to vector<1x128xi1>
    %broadcast_in_dim3A_1180 = vector.broadcast %broadcast_in_dim3A_1179 : vector<1x128xi1> to vector<512x128xi1>
    %select_n3A_1181 = arith.select %broadcast_in_dim3A_1180, %add3A_1110, %bitcast_convert_type3A_1178 : vector<512x128xi1>, vector<512x128xf32>
    %swap3A_1182 = arith.constant 1536 : index
    %swap3A_1183 = arith.constant 256 : index
    %swap3A_1184 = vector.load %arg12[%swap3A_1182, %swap3A_1183] : memref<4096x512xf32, #tpu.memory_space<vmem>>, vector<512x128xf32>
    tpu.vector_store %arg12[%swap3A_1182, %swap3A_1183], %select_n3A_1181 {strides = array<i32>} : memref<4096x512xf32, #tpu.memory_space<vmem>>, vector<512x128xf32>,
    %get3A_1185 = arith.constant 4 : index
    %get3A_1186 = arith.constant 0 : index
    %get3A_1187 = vector.load %arg1[%get3A_1185, %get3A_1186] : memref<8x512xf32, #tpu.memory_space<vmem>>, vector<1x512xf32>
    %convert_element_type3A_1188 = arith.truncf %get3A_1187 : vector<1x512xf32> to vector<1x512xbf16>
    %convert_element_type3A_1189 = arith.extf %convert_element_type3A_1188 : vector<1x512xbf16> to vector<1x512xf32>
    %get3A_1190 = arith.constant 4 : index
    %get3A_1191 = arith.constant 0 : index
    %get3A_1192 = vector.load %arg2[%get3A_1190, %get3A_1191] : memref<8x512xf32, #tpu.memory_space<vmem>>, vector<1x512xf32>
    %convert_element_type3A_1193 = arith.truncf %get3A_1192 : vector<1x512xf32> to vector<1x512xbf16>
    %convert_element_type3A_1194 = arith.extf %convert_element_type3A_1193 : vector<1x512xbf16> to vector<1x512xf32>
    %get3A_1195 = arith.constant 0 : index
    %get3A_1196 = arith.constant 0 : index
    %get3A_1197 = vector.load %arg5[%get3A_1195, %get3A_1196] : memref<63x2xf32, #tpu.memory_space<vmem>>, vector<63x1xf32>
    %mul3A_1198 = vector.broadcast %get3A_1197 : vector<63x1xf32> to vector<63x512xf32>
    %mul3A_1199 = vector.broadcast %convert_element_type3A_1189 : vector<1x512xf32> to vector<63x512xf32>
    %mul3A_1200 = arith.mulf %mul3A_1198, %mul3A_1199 : vector<63x512xf32>
    %get3A_1201 = arith.constant 0 : index
    %get3A_1202 = arith.constant 1 : index
    %get3A_1203 = vector.load %arg5[%get3A_1201, %get3A_1202] : memref<63x2xf32, #tpu.memory_space<vmem>>, vector<63x1xf32>
    %mul3A_1204 = vector.broadcast %get3A_1203 : vector<63x1xf32> to vector<63x512xf32>
    %mul3A_1205 = vector.broadcast %convert_element_type3A_1194 : vector<1x512xf32> to vector<63x512xf32>
    %mul3A_1206 = arith.mulf %mul3A_1204, %mul3A_1205 : vector<63x512xf32>
    %add3A_1207 = arith.addf %mul3A_1200, %mul3A_1206 : vector<63x512xf32>
    %mul3A_1208 = arith.constant 0.636619746 : f32
    %mul3A_1209 = vector.broadcast %mul3A_1208 : f32 to vector<63x512xf32>
    %mul3A_1210 = arith.mulf %add3A_1207, %mul3A_1209 : vector<63x512xf32>
    %add3A_1211 = arith.constant 0x4B400000 : f32
    %add3A_1212 = vector.broadcast %add3A_1211 : f32 to vector<63x512xf32>
    %add3A_1213 = arith.addf %mul3A_1210, %add3A_1212 : vector<63x512xf32>
    %bitcast_convert_type3A_1214 = tpu.bitcast %add3A_1213 : vector<63x512xf32> -> vector<63x512xi32>
    %sub3A_1215 = arith.constant 0x4B400000 : f32
    %sub3A_1216 = vector.broadcast %sub3A_1215 : f32 to vector<63x512xf32>
    %sub3A_1217 = arith.subf %add3A_1213, %sub3A_1216 : vector<63x512xf32>
    %mul3A_1218 = arith.constant 1.5703125 : f32
    %mul3A_1219 = vector.broadcast %mul3A_1218 : f32 to vector<63x512xf32>
    %mul3A_1220 = arith.mulf %sub3A_1217, %mul3A_1219 : vector<63x512xf32>
    %sub3A_1221 = arith.subf %add3A_1207, %mul3A_1220 : vector<63x512xf32>
    %mul3A_1222 = arith.constant 4.83826792E-4 : f32
    %mul3A_1223 = vector.broadcast %mul3A_1222 : f32 to vector<63x512xf32>
    %mul3A_1224 = arith.mulf %sub3A_1217, %mul3A_1223 : vector<63x512xf32>
    %sub3A_1225 = arith.subf %sub3A_1221, %mul3A_1224 : vector<63x512xf32>
    %mul3A_1226 = arith.mulf %sub3A_1225, %sub3A_1225 : vector<63x512xf32>
    %mul3A_1227 = arith.constant -1.98412701E-4 : f32
    %mul3A_1228 = vector.broadcast %mul3A_1227 : f32 to vector<63x512xf32>
    %mul3A_1229 = arith.mulf %mul3A_1226, %mul3A_1228 : vector<63x512xf32>
    %add3A_1230 = arith.constant 0.00833333284 : f32
    %add3A_1231 = vector.broadcast %add3A_1230 : f32 to vector<63x512xf32>
    %add3A_1232 = arith.addf %add3A_1231, %mul3A_1229 : vector<63x512xf32>
    %mul3A_1233 = arith.mulf %mul3A_1226, %add3A_1232 : vector<63x512xf32>
    %add3A_1234 = arith.constant -0.166666672 : f32
    %add3A_1235 = vector.broadcast %add3A_1234 : f32 to vector<63x512xf32>
    %add3A_1236 = arith.addf %add3A_1235, %mul3A_1233 : vector<63x512xf32>
    %mul3A_1237 = arith.mulf %mul3A_1226, %add3A_1236 : vector<63x512xf32>
    %add3A_1238 = arith.constant 1.000000e+00 : f32
    %add3A_1239 = vector.broadcast %add3A_1238 : f32 to vector<63x512xf32>
    %add3A_1240 = arith.addf %add3A_1239, %mul3A_1237 : vector<63x512xf32>
    %mul3A_1241 = arith.mulf %sub3A_1225, %add3A_1240 : vector<63x512xf32>
    %mul3A_1242 = arith.constant 2.48015876E-5 : f32
    %mul3A_1243 = vector.broadcast %mul3A_1242 : f32 to vector<63x512xf32>
    %mul3A_1244 = arith.mulf %mul3A_1226, %mul3A_1243 : vector<63x512xf32>
    %add3A_1245 = arith.constant -0.00138888892 : f32
    %add3A_1246 = vector.broadcast %add3A_1245 : f32 to vector<63x512xf32>
    %add3A_1247 = arith.addf %add3A_1246, %mul3A_1244 : vector<63x512xf32>
    %mul3A_1248 = arith.mulf %mul3A_1226, %add3A_1247 : vector<63x512xf32>
    %add3A_1249 = arith.constant 0.0416666679 : f32
    %add3A_1250 = vector.broadcast %add3A_1249 : f32 to vector<63x512xf32>
    %add3A_1251 = arith.addf %add3A_1250, %mul3A_1248 : vector<63x512xf32>
    %mul3A_1252 = arith.mulf %mul3A_1226, %add3A_1251 : vector<63x512xf32>
    %add3A_1253 = arith.constant -5.000000e-01 : f32
    %add3A_1254 = vector.broadcast %add3A_1253 : f32 to vector<63x512xf32>
    %add3A_1255 = arith.addf %add3A_1254, %mul3A_1252 : vector<63x512xf32>
    %mul3A_1256 = arith.mulf %mul3A_1226, %add3A_1255 : vector<63x512xf32>
    %add3A_1257 = arith.constant 1.000000e+00 : f32
    %add3A_1258 = vector.broadcast %add3A_1257 : f32 to vector<63x512xf32>
    %add3A_1259 = arith.addf %add3A_1258, %mul3A_1256 : vector<63x512xf32>
    %and3A_1260 = arith.constant 1 : i32
    %and3A_1261 = vector.broadcast %and3A_1260 : i32 to vector<63x512xi32>
    %and3A_1262 = arith.andi %bitcast_convert_type3A_1214, %and3A_1261 : vector<63x512xi32>
    %eq3A_1263 = arith.constant 0 : i32
    %eq3A_1264 = vector.broadcast %eq3A_1263 : i32 to vector<63x512xi32>
    %eq3A_1265 = arith.cmpi eq, %and3A_1262, %eq3A_1264 : vector<63x512xi32>
    %select_n3A_1266 = arith.select %eq3A_1265, %mul3A_1241, %add3A_1259 : vector<63x512xi1>, vector<63x512xf32>
    %and3A_1267 = arith.constant 2 : i32
    %and3A_1268 = vector.broadcast %and3A_1267 : i32 to vector<63x512xi32>
    %and3A_1269 = arith.andi %bitcast_convert_type3A_1214, %and3A_1268 : vector<63x512xi32>
    %shift_left3A_1270 = arith.constant 30 : i32
    %shift_left3A_1271 = vector.broadcast %shift_left3A_1270 : i32 to vector<63x512xi32>
    %shift_left3A_1272 = arith.shli %and3A_1269, %shift_left3A_1271 : vector<63x512xi32>
    %bitcast_convert_type3A_1273 = tpu.bitcast %select_n3A_1266 : vector<63x512xf32> -> vector<63x512xi32>
    %xor3A_1274 = arith.xori %bitcast_convert_type3A_1273, %shift_left3A_1272 : vector<63x512xi32>
    %bitcast_convert_type3A_1275 = tpu.bitcast %xor3A_1274 : vector<63x512xi32> -> vector<63x512xf32>
    %select_n3A_1276 = arith.select %eq3A_1265, %add3A_1259, %mul3A_1241 : vector<63x512xi1>, vector<63x512xf32>
    %add3A_1277 = arith.constant 1 : i32
    %add3A_1278 = vector.broadcast %add3A_1277 : i32 to vector<63x512xi32>
    %add3A_1279 = arith.addi %bitcast_convert_type3A_1214, %add3A_1278 : vector<63x512xi32>
    %and3A_1280 = arith.constant 2 : i32
    %and3A_1281 = vector.broadcast %and3A_1280 : i32 to vector<63x512xi32>
    %and3A_1282 = arith.andi %add3A_1279, %and3A_1281 : vector<63x512xi32>
    %shift_left3A_1283 = arith.constant 30 : i32
    %shift_left3A_1284 = vector.broadcast %shift_left3A_1283 : i32 to vector<63x512xi32>
    %shift_left3A_1285 = arith.shli %and3A_1282, %shift_left3A_1284 : vector<63x512xi32>
    %bitcast_convert_type3A_1286 = tpu.bitcast %select_n3A_1276 : vector<63x512xf32> -> vector<63x512xi32>
    %xor3A_1287 = arith.xori %bitcast_convert_type3A_1286, %shift_left3A_1285 : vector<63x512xi32>
    %bitcast_convert_type3A_1288 = tpu.bitcast %xor3A_1287 : vector<63x512xi32> -> vector<63x512xf32>
    %convert_element_type3A_1289 = arith.truncf %bitcast_convert_type3A_1275 : vector<63x512xf32> to vector<63x512xbf16>
    %get3A_1290 = arith.constant 0 : index
    %get3A_1291 = arith.constant 0 : index
    %get3A_1292 = vector.load %arg6[%get3A_1290, %get3A_1291] : memref<63x128xbf16, #tpu.memory_space<vmem>>, vector<63x128xbf16>
    %dot_general3A_1293 = arith.constant dense<0.000000e+00> : vector<512x128xf32>
    %dot_general3A_1294 = tpu.matmul %convert_element_type3A_1289, %get3A_1292, %dot_general3A_1293 {dimension_numbers = #tpu.dot_dimension_numbers<[0], [0], [1], [1], [0, 1, 1, 1], [], []>, transpose_lhs_hint = false} : vector<63x512xbf16>, vector<63x128xbf16>, vector<512x128xf32> -> vector<512x128xf32>
    %convert_element_type3A_1295 = arith.truncf %bitcast_convert_type3A_1288 : vector<63x512xf32> to vector<63x512xbf16>
    %get3A_1296 = arith.constant 0 : index
    %get3A_1297 = arith.constant 0 : index
    %get3A_1298 = vector.load %arg7[%get3A_1296, %get3A_1297] : memref<63x128xbf16, #tpu.memory_space<vmem>>, vector<63x128xbf16>
    %dot_general3A_1299 = arith.constant dense<0.000000e+00> : vector<512x128xf32>
    %dot_general3A_1300 = tpu.matmul %convert_element_type3A_1295, %get3A_1298, %dot_general3A_1299 {dimension_numbers = #tpu.dot_dimension_numbers<[0], [0], [1], [1], [0, 1, 1, 1], [], []>, transpose_lhs_hint = false} : vector<63x512xbf16>, vector<63x128xbf16>, vector<512x128xf32> -> vector<512x128xf32>
    %add3A_1301 = arith.addf %dot_general3A_1294, %dot_general3A_1300 : vector<512x128xf32>
    %get3A_1302 = arith.constant 0 : index
    %get3A_1303 = arith.constant 0 : index
    %get3A_1304 = vector.load %arg8[%get3A_1302, %get3A_1303] : memref<1x128xf32, #tpu.memory_space<vmem>>, vector<1x128xf32>
    %add3A_1305 = vector.broadcast %get3A_1304 : vector<1x128xf32> to vector<512x128xf32>
    %add3A_1306 = arith.addf %add3A_1301, %add3A_1305 : vector<512x128xf32>
    %swap3A_1307 = arith.constant 2048 : index
    %swap3A_1308 = arith.constant 0 : index
    %swap3A_1309 = vector.load %arg12[%swap3A_1307, %swap3A_1308] : memref<4096x512xf32, #tpu.memory_space<vmem>>, vector<512x128xf32>
    tpu.vector_store %arg12[%swap3A_1307, %swap3A_1308], %add3A_1306 {strides = array<i32>} : memref<4096x512xf32, #tpu.memory_space<vmem>>, vector<512x128xf32>,
    %get3A_1310 = arith.constant 4 : index
    %get3A_1311 = arith.constant 0 : index
    %get3A_1312 = vector.load %arg3[%get3A_1310, %get3A_1311] : memref<8x512xf32, #tpu.memory_space<vmem>>, vector<1x512xf32>
    %get3A_1313 = arith.constant 0 : index
    %get3A_1314 = arith.constant 0 : index
    %get3A_1315 = vector.load %arg9[%get3A_1313, %get3A_1314] : memref<1x128xf32, #tpu.memory_space<vmem>>, vector<1x128xf32>
    %dot_general3A_1316 = arith.constant dense<0.000000e+00> : vector<512x128xf32>
    %dot_general3A_1317 = tpu.matmul %get3A_1312, %get3A_1315, %dot_general3A_1316 {dimension_numbers = #tpu.dot_dimension_numbers<[0], [0], [1], [1], [0, 1, 1, 1], [], []>, precision = #tpu.contract_precision<fp32>, transpose_lhs_hint = false} : vector<1x512xf32>, vector<1x128xf32>, vector<512x128xf32> -> vector<512x128xf32>
    %get3A_1318 = arith.constant 0 : index
    %get3A_1319 = arith.constant 0 : index
    %get3A_1320 = vector.load %arg10[%get3A_1318, %get3A_1319] : memref<1x128xf32, #tpu.memory_space<vmem>>, vector<1x128xf32>
    %add3A_1321 = vector.broadcast %get3A_1320 : vector<1x128xf32> to vector<512x128xf32>
    %add3A_1322 = arith.addf %dot_general3A_1317, %add3A_1321 : vector<512x128xf32>
    %mul3A_1323 = arith.constant 0.636619746 : f32
    %mul3A_1324 = vector.broadcast %mul3A_1323 : f32 to vector<512x128xf32>
    %mul3A_1325 = arith.mulf %add3A_1322, %mul3A_1324 : vector<512x128xf32>
    %add3A_1326 = arith.constant 0x4B400000 : f32
    %add3A_1327 = vector.broadcast %add3A_1326 : f32 to vector<512x128xf32>
    %add3A_1328 = arith.addf %mul3A_1325, %add3A_1327 : vector<512x128xf32>
    %bitcast_convert_type3A_1329 = tpu.bitcast %add3A_1328 : vector<512x128xf32> -> vector<512x128xi32>
    %sub3A_1330 = arith.constant 0x4B400000 : f32
    %sub3A_1331 = vector.broadcast %sub3A_1330 : f32 to vector<512x128xf32>
    %sub3A_1332 = arith.subf %add3A_1328, %sub3A_1331 : vector<512x128xf32>
    %mul3A_1333 = arith.constant 1.5703125 : f32
    %mul3A_1334 = vector.broadcast %mul3A_1333 : f32 to vector<512x128xf32>
    %mul3A_1335 = arith.mulf %sub3A_1332, %mul3A_1334 : vector<512x128xf32>
    %sub3A_1336 = arith.subf %add3A_1322, %mul3A_1335 : vector<512x128xf32>
    %mul3A_1337 = arith.constant 4.83826792E-4 : f32
    %mul3A_1338 = vector.broadcast %mul3A_1337 : f32 to vector<512x128xf32>
    %mul3A_1339 = arith.mulf %sub3A_1332, %mul3A_1338 : vector<512x128xf32>
    %sub3A_1340 = arith.subf %sub3A_1336, %mul3A_1339 : vector<512x128xf32>
    %mul3A_1341 = arith.mulf %sub3A_1340, %sub3A_1340 : vector<512x128xf32>
    %mul3A_1342 = arith.constant -1.98412701E-4 : f32
    %mul3A_1343 = vector.broadcast %mul3A_1342 : f32 to vector<512x128xf32>
    %mul3A_1344 = arith.mulf %mul3A_1341, %mul3A_1343 : vector<512x128xf32>
    %add3A_1345 = arith.constant 0.00833333284 : f32
    %add3A_1346 = vector.broadcast %add3A_1345 : f32 to vector<512x128xf32>
    %add3A_1347 = arith.addf %add3A_1346, %mul3A_1344 : vector<512x128xf32>
    %mul3A_1348 = arith.mulf %mul3A_1341, %add3A_1347 : vector<512x128xf32>
    %add3A_1349 = arith.constant -0.166666672 : f32
    %add3A_1350 = vector.broadcast %add3A_1349 : f32 to vector<512x128xf32>
    %add3A_1351 = arith.addf %add3A_1350, %mul3A_1348 : vector<512x128xf32>
    %mul3A_1352 = arith.mulf %mul3A_1341, %add3A_1351 : vector<512x128xf32>
    %add3A_1353 = arith.constant 1.000000e+00 : f32
    %add3A_1354 = vector.broadcast %add3A_1353 : f32 to vector<512x128xf32>
    %add3A_1355 = arith.addf %add3A_1354, %mul3A_1352 : vector<512x128xf32>
    %mul3A_1356 = arith.mulf %sub3A_1340, %add3A_1355 : vector<512x128xf32>
    %mul3A_1357 = arith.constant 2.48015876E-5 : f32
    %mul3A_1358 = vector.broadcast %mul3A_1357 : f32 to vector<512x128xf32>
    %mul3A_1359 = arith.mulf %mul3A_1341, %mul3A_1358 : vector<512x128xf32>
    %add3A_1360 = arith.constant -0.00138888892 : f32
    %add3A_1361 = vector.broadcast %add3A_1360 : f32 to vector<512x128xf32>
    %add3A_1362 = arith.addf %add3A_1361, %mul3A_1359 : vector<512x128xf32>
    %mul3A_1363 = arith.mulf %mul3A_1341, %add3A_1362 : vector<512x128xf32>
    %add3A_1364 = arith.constant 0.0416666679 : f32
    %add3A_1365 = vector.broadcast %add3A_1364 : f32 to vector<512x128xf32>
    %add3A_1366 = arith.addf %add3A_1365, %mul3A_1363 : vector<512x128xf32>
    %mul3A_1367 = arith.mulf %mul3A_1341, %add3A_1366 : vector<512x128xf32>
    %add3A_1368 = arith.constant -5.000000e-01 : f32
    %add3A_1369 = vector.broadcast %add3A_1368 : f32 to vector<512x128xf32>
    %add3A_1370 = arith.addf %add3A_1369, %mul3A_1367 : vector<512x128xf32>
    %mul3A_1371 = arith.mulf %mul3A_1341, %add3A_1370 : vector<512x128xf32>
    %add3A_1372 = arith.constant 1.000000e+00 : f32
    %add3A_1373 = vector.broadcast %add3A_1372 : f32 to vector<512x128xf32>
    %add3A_1374 = arith.addf %add3A_1373, %mul3A_1371 : vector<512x128xf32>
    %and3A_1375 = arith.constant 1 : i32
    %and3A_1376 = vector.broadcast %and3A_1375 : i32 to vector<512x128xi32>
    %and3A_1377 = arith.andi %bitcast_convert_type3A_1329, %and3A_1376 : vector<512x128xi32>
    %eq3A_1378 = arith.constant 0 : i32
    %eq3A_1379 = vector.broadcast %eq3A_1378 : i32 to vector<512x128xi32>
    %eq3A_1380 = arith.cmpi eq, %and3A_1377, %eq3A_1379 : vector<512x128xi32>
    %select_n3A_1381 = arith.select %eq3A_1380, %mul3A_1356, %add3A_1374 : vector<512x128xi1>, vector<512x128xf32>
    %and3A_1382 = arith.constant 2 : i32
    %and3A_1383 = vector.broadcast %and3A_1382 : i32 to vector<512x128xi32>
    %and3A_1384 = arith.andi %bitcast_convert_type3A_1329, %and3A_1383 : vector<512x128xi32>
    %shift_left3A_1385 = arith.constant 30 : i32
    %shift_left3A_1386 = vector.broadcast %shift_left3A_1385 : i32 to vector<512x128xi32>
    %shift_left3A_1387 = arith.shli %and3A_1384, %shift_left3A_1386 : vector<512x128xi32>
    %bitcast_convert_type3A_1388 = tpu.bitcast %select_n3A_1381 : vector<512x128xf32> -> vector<512x128xi32>
    %xor3A_1389 = arith.xori %bitcast_convert_type3A_1388, %shift_left3A_1387 : vector<512x128xi32>
    %bitcast_convert_type3A_1390 = tpu.bitcast %xor3A_1389 : vector<512x128xi32> -> vector<512x128xf32>
    %broadcast_in_dim3A_1391 = vector.shape_cast %eq3A_1 : vector<1x128xi1> to vector<1x128xi1>
    %broadcast_in_dim3A_1392 = vector.broadcast %broadcast_in_dim3A_1391 : vector<1x128xi1> to vector<512x128xi1>
    %select_n3A_1393 = arith.select %broadcast_in_dim3A_1392, %add3A_1322, %bitcast_convert_type3A_1390 : vector<512x128xi1>, vector<512x128xf32>
    %swap3A_1394 = arith.constant 2048 : index
    %swap3A_1395 = arith.constant 128 : index
    %swap3A_1396 = vector.load %arg12[%swap3A_1394, %swap3A_1395] : memref<4096x512xf32, #tpu.memory_space<vmem>>, vector<512x128xf32>
    tpu.vector_store %arg12[%swap3A_1394, %swap3A_1395], %select_n3A_1393 {strides = array<i32>} : memref<4096x512xf32, #tpu.memory_space<vmem>>, vector<512x128xf32>,
    %get3A_1397 = arith.constant 4 : index
    %get3A_1398 = arith.constant 0 : index
    %get3A_1399 = vector.load %arg4[%get3A_1397, %get3A_1398] : memref<8x512xf32, #tpu.memory_space<vmem>>, vector<1x512xf32>
    %get3A_1400 = arith.constant 0 : index
    %get3A_1401 = arith.constant 0 : index
    %get3A_1402 = vector.load %arg9[%get3A_1400, %get3A_1401] : memref<1x128xf32, #tpu.memory_space<vmem>>, vector<1x128xf32>
    %dot_general3A_1403 = arith.constant dense<0.000000e+00> : vector<512x128xf32>
    %dot_general3A_1404 = tpu.matmul %get3A_1399, %get3A_1402, %dot_general3A_1403 {dimension_numbers = #tpu.dot_dimension_numbers<[0], [0], [1], [1], [0, 1, 1, 1], [], []>, precision = #tpu.contract_precision<fp32>, transpose_lhs_hint = false} : vector<1x512xf32>, vector<1x128xf32>, vector<512x128xf32> -> vector<512x128xf32>
    %get3A_1405 = arith.constant 0 : index
    %get3A_1406 = arith.constant 0 : index
    %get3A_1407 = vector.load %arg10[%get3A_1405, %get3A_1406] : memref<1x128xf32, #tpu.memory_space<vmem>>, vector<1x128xf32>
    %add3A_1408 = vector.broadcast %get3A_1407 : vector<1x128xf32> to vector<512x128xf32>
    %add3A_1409 = arith.addf %dot_general3A_1404, %add3A_1408 : vector<512x128xf32>
    %mul3A_1410 = arith.constant 0.636619746 : f32
    %mul3A_1411 = vector.broadcast %mul3A_1410 : f32 to vector<512x128xf32>
    %mul3A_1412 = arith.mulf %add3A_1409, %mul3A_1411 : vector<512x128xf32>
    %add3A_1413 = arith.constant 0x4B400000 : f32
    %add3A_1414 = vector.broadcast %add3A_1413 : f32 to vector<512x128xf32>
    %add3A_1415 = arith.addf %mul3A_1412, %add3A_1414 : vector<512x128xf32>
    %bitcast_convert_type3A_1416 = tpu.bitcast %add3A_1415 : vector<512x128xf32> -> vector<512x128xi32>
    %sub3A_1417 = arith.constant 0x4B400000 : f32
    %sub3A_1418 = vector.broadcast %sub3A_1417 : f32 to vector<512x128xf32>
    %sub3A_1419 = arith.subf %add3A_1415, %sub3A_1418 : vector<512x128xf32>
    %mul3A_1420 = arith.constant 1.5703125 : f32
    %mul3A_1421 = vector.broadcast %mul3A_1420 : f32 to vector<512x128xf32>
    %mul3A_1422 = arith.mulf %sub3A_1419, %mul3A_1421 : vector<512x128xf32>
    %sub3A_1423 = arith.subf %add3A_1409, %mul3A_1422 : vector<512x128xf32>
    %mul3A_1424 = arith.constant 4.83826792E-4 : f32
    %mul3A_1425 = vector.broadcast %mul3A_1424 : f32 to vector<512x128xf32>
    %mul3A_1426 = arith.mulf %sub3A_1419, %mul3A_1425 : vector<512x128xf32>
    %sub3A_1427 = arith.subf %sub3A_1423, %mul3A_1426 : vector<512x128xf32>
    %mul3A_1428 = arith.mulf %sub3A_1427, %sub3A_1427 : vector<512x128xf32>
    %mul3A_1429 = arith.constant -1.98412701E-4 : f32
    %mul3A_1430 = vector.broadcast %mul3A_1429 : f32 to vector<512x128xf32>
    %mul3A_1431 = arith.mulf %mul3A_1428, %mul3A_1430 : vector<512x128xf32>
    %add3A_1432 = arith.constant 0.00833333284 : f32
    %add3A_1433 = vector.broadcast %add3A_1432 : f32 to vector<512x128xf32>
    %add3A_1434 = arith.addf %add3A_1433, %mul3A_1431 : vector<512x128xf32>
    %mul3A_1435 = arith.mulf %mul3A_1428, %add3A_1434 : vector<512x128xf32>
    %add3A_1436 = arith.constant -0.166666672 : f32
    %add3A_1437 = vector.broadcast %add3A_1436 : f32 to vector<512x128xf32>
    %add3A_1438 = arith.addf %add3A_1437, %mul3A_1435 : vector<512x128xf32>
    %mul3A_1439 = arith.mulf %mul3A_1428, %add3A_1438 : vector<512x128xf32>
    %add3A_1440 = arith.constant 1.000000e+00 : f32
    %add3A_1441 = vector.broadcast %add3A_1440 : f32 to vector<512x128xf32>
    %add3A_1442 = arith.addf %add3A_1441, %mul3A_1439 : vector<512x128xf32>
    %mul3A_1443 = arith.mulf %sub3A_1427, %add3A_1442 : vector<512x128xf32>
    %mul3A_1444 = arith.constant 2.48015876E-5 : f32
    %mul3A_1445 = vector.broadcast %mul3A_1444 : f32 to vector<512x128xf32>
    %mul3A_1446 = arith.mulf %mul3A_1428, %mul3A_1445 : vector<512x128xf32>
    %add3A_1447 = arith.constant -0.00138888892 : f32
    %add3A_1448 = vector.broadcast %add3A_1447 : f32 to vector<512x128xf32>
    %add3A_1449 = arith.addf %add3A_1448, %mul3A_1446 : vector<512x128xf32>
    %mul3A_1450 = arith.mulf %mul3A_1428, %add3A_1449 : vector<512x128xf32>
    %add3A_1451 = arith.constant 0.0416666679 : f32
    %add3A_1452 = vector.broadcast %add3A_1451 : f32 to vector<512x128xf32>
    %add3A_1453 = arith.addf %add3A_1452, %mul3A_1450 : vector<512x128xf32>
    %mul3A_1454 = arith.mulf %mul3A_1428, %add3A_1453 : vector<512x128xf32>
    %add3A_1455 = arith.constant -5.000000e-01 : f32
    %add3A_1456 = vector.broadcast %add3A_1455 : f32 to vector<512x128xf32>
    %add3A_1457 = arith.addf %add3A_1456, %mul3A_1454 : vector<512x128xf32>
    %mul3A_1458 = arith.mulf %mul3A_1428, %add3A_1457 : vector<512x128xf32>
    %add3A_1459 = arith.constant 1.000000e+00 : f32
    %add3A_1460 = vector.broadcast %add3A_1459 : f32 to vector<512x128xf32>
    %add3A_1461 = arith.addf %add3A_1460, %mul3A_1458 : vector<512x128xf32>
    %and3A_1462 = arith.constant 1 : i32
    %and3A_1463 = vector.broadcast %and3A_1462 : i32 to vector<512x128xi32>
    %and3A_1464 = arith.andi %bitcast_convert_type3A_1416, %and3A_1463 : vector<512x128xi32>
    %eq3A_1465 = arith.constant 0 : i32
    %eq3A_1466 = vector.broadcast %eq3A_1465 : i32 to vector<512x128xi32>
    %eq3A_1467 = arith.cmpi eq, %and3A_1464, %eq3A_1466 : vector<512x128xi32>
    %select_n3A_1468 = arith.select %eq3A_1467, %mul3A_1443, %add3A_1461 : vector<512x128xi1>, vector<512x128xf32>
    %and3A_1469 = arith.constant 2 : i32
    %and3A_1470 = vector.broadcast %and3A_1469 : i32 to vector<512x128xi32>
    %and3A_1471 = arith.andi %bitcast_convert_type3A_1416, %and3A_1470 : vector<512x128xi32>
    %shift_left3A_1472 = arith.constant 30 : i32
    %shift_left3A_1473 = vector.broadcast %shift_left3A_1472 : i32 to vector<512x128xi32>
    %shift_left3A_1474 = arith.shli %and3A_1471, %shift_left3A_1473 : vector<512x128xi32>
    %bitcast_convert_type3A_1475 = tpu.bitcast %select_n3A_1468 : vector<512x128xf32> -> vector<512x128xi32>
    %xor3A_1476 = arith.xori %bitcast_convert_type3A_1475, %shift_left3A_1474 : vector<512x128xi32>
    %bitcast_convert_type3A_1477 = tpu.bitcast %xor3A_1476 : vector<512x128xi32> -> vector<512x128xf32>
    %broadcast_in_dim3A_1478 = vector.shape_cast %eq3A_1 : vector<1x128xi1> to vector<1x128xi1>
    %broadcast_in_dim3A_1479 = vector.broadcast %broadcast_in_dim3A_1478 : vector<1x128xi1> to vector<512x128xi1>
    %select_n3A_1480 = arith.select %broadcast_in_dim3A_1479, %add3A_1409, %bitcast_convert_type3A_1477 : vector<512x128xi1>, vector<512x128xf32>
    %swap3A_1481 = arith.constant 2048 : index
    %swap3A_1482 = arith.constant 256 : index
    %swap3A_1483 = vector.load %arg12[%swap3A_1481, %swap3A_1482] : memref<4096x512xf32, #tpu.memory_space<vmem>>, vector<512x128xf32>
    tpu.vector_store %arg12[%swap3A_1481, %swap3A_1482], %select_n3A_1480 {strides = array<i32>} : memref<4096x512xf32, #tpu.memory_space<vmem>>, vector<512x128xf32>,
    %get3A_1484 = arith.constant 5 : index
    %get3A_1485 = arith.constant 0 : index
    %get3A_1486 = vector.load %arg1[%get3A_1484, %get3A_1485] : memref<8x512xf32, #tpu.memory_space<vmem>>, vector<1x512xf32>
    %convert_element_type3A_1487 = arith.truncf %get3A_1486 : vector<1x512xf32> to vector<1x512xbf16>
    %convert_element_type3A_1488 = arith.extf %convert_element_type3A_1487 : vector<1x512xbf16> to vector<1x512xf32>
    %get3A_1489 = arith.constant 5 : index
    %get3A_1490 = arith.constant 0 : index
    %get3A_1491 = vector.load %arg2[%get3A_1489, %get3A_1490] : memref<8x512xf32, #tpu.memory_space<vmem>>, vector<1x512xf32>
    %convert_element_type3A_1492 = arith.truncf %get3A_1491 : vector<1x512xf32> to vector<1x512xbf16>
    %convert_element_type3A_1493 = arith.extf %convert_element_type3A_1492 : vector<1x512xbf16> to vector<1x512xf32>
    %get3A_1494 = arith.constant 0 : index
    %get3A_1495 = arith.constant 0 : index
    %get3A_1496 = vector.load %arg5[%get3A_1494, %get3A_1495] : memref<63x2xf32, #tpu.memory_space<vmem>>, vector<63x1xf32>
    %mul3A_1497 = vector.broadcast %get3A_1496 : vector<63x1xf32> to vector<63x512xf32>
    %mul3A_1498 = vector.broadcast %convert_element_type3A_1488 : vector<1x512xf32> to vector<63x512xf32>
    %mul3A_1499 = arith.mulf %mul3A_1497, %mul3A_1498 : vector<63x512xf32>
    %get3A_1500 = arith.constant 0 : index
    %get3A_1501 = arith.constant 1 : index
    %get3A_1502 = vector.load %arg5[%get3A_1500, %get3A_1501] : memref<63x2xf32, #tpu.memory_space<vmem>>, vector<63x1xf32>
    %mul3A_1503 = vector.broadcast %get3A_1502 : vector<63x1xf32> to vector<63x512xf32>
    %mul3A_1504 = vector.broadcast %convert_element_type3A_1493 : vector<1x512xf32> to vector<63x512xf32>
    %mul3A_1505 = arith.mulf %mul3A_1503, %mul3A_1504 : vector<63x512xf32>
    %add3A_1506 = arith.addf %mul3A_1499, %mul3A_1505 : vector<63x512xf32>
    %mul3A_1507 = arith.constant 0.636619746 : f32
    %mul3A_1508 = vector.broadcast %mul3A_1507 : f32 to vector<63x512xf32>
    %mul3A_1509 = arith.mulf %add3A_1506, %mul3A_1508 : vector<63x512xf32>
    %add3A_1510 = arith.constant 0x4B400000 : f32
    %add3A_1511 = vector.broadcast %add3A_1510 : f32 to vector<63x512xf32>
    %add3A_1512 = arith.addf %mul3A_1509, %add3A_1511 : vector<63x512xf32>
    %bitcast_convert_type3A_1513 = tpu.bitcast %add3A_1512 : vector<63x512xf32> -> vector<63x512xi32>
    %sub3A_1514 = arith.constant 0x4B400000 : f32
    %sub3A_1515 = vector.broadcast %sub3A_1514 : f32 to vector<63x512xf32>
    %sub3A_1516 = arith.subf %add3A_1512, %sub3A_1515 : vector<63x512xf32>
    %mul3A_1517 = arith.constant 1.5703125 : f32
    %mul3A_1518 = vector.broadcast %mul3A_1517 : f32 to vector<63x512xf32>
    %mul3A_1519 = arith.mulf %sub3A_1516, %mul3A_1518 : vector<63x512xf32>
    %sub3A_1520 = arith.subf %add3A_1506, %mul3A_1519 : vector<63x512xf32>
    %mul3A_1521 = arith.constant 4.83826792E-4 : f32
    %mul3A_1522 = vector.broadcast %mul3A_1521 : f32 to vector<63x512xf32>
    %mul3A_1523 = arith.mulf %sub3A_1516, %mul3A_1522 : vector<63x512xf32>
    %sub3A_1524 = arith.subf %sub3A_1520, %mul3A_1523 : vector<63x512xf32>
    %mul3A_1525 = arith.mulf %sub3A_1524, %sub3A_1524 : vector<63x512xf32>
    %mul3A_1526 = arith.constant -1.98412701E-4 : f32
    %mul3A_1527 = vector.broadcast %mul3A_1526 : f32 to vector<63x512xf32>
    %mul3A_1528 = arith.mulf %mul3A_1525, %mul3A_1527 : vector<63x512xf32>
    %add3A_1529 = arith.constant 0.00833333284 : f32
    %add3A_1530 = vector.broadcast %add3A_1529 : f32 to vector<63x512xf32>
    %add3A_1531 = arith.addf %add3A_1530, %mul3A_1528 : vector<63x512xf32>
    %mul3A_1532 = arith.mulf %mul3A_1525, %add3A_1531 : vector<63x512xf32>
    %add3A_1533 = arith.constant -0.166666672 : f32
    %add3A_1534 = vector.broadcast %add3A_1533 : f32 to vector<63x512xf32>
    %add3A_1535 = arith.addf %add3A_1534, %mul3A_1532 : vector<63x512xf32>
    %mul3A_1536 = arith.mulf %mul3A_1525, %add3A_1535 : vector<63x512xf32>
    %add3A_1537 = arith.constant 1.000000e+00 : f32
    %add3A_1538 = vector.broadcast %add3A_1537 : f32 to vector<63x512xf32>
    %add3A_1539 = arith.addf %add3A_1538, %mul3A_1536 : vector<63x512xf32>
    %mul3A_1540 = arith.mulf %sub3A_1524, %add3A_1539 : vector<63x512xf32>
    %mul3A_1541 = arith.constant 2.48015876E-5 : f32
    %mul3A_1542 = vector.broadcast %mul3A_1541 : f32 to vector<63x512xf32>
    %mul3A_1543 = arith.mulf %mul3A_1525, %mul3A_1542 : vector<63x512xf32>
    %add3A_1544 = arith.constant -0.00138888892 : f32
    %add3A_1545 = vector.broadcast %add3A_1544 : f32 to vector<63x512xf32>
    %add3A_1546 = arith.addf %add3A_1545, %mul3A_1543 : vector<63x512xf32>
    %mul3A_1547 = arith.mulf %mul3A_1525, %add3A_1546 : vector<63x512xf32>
    %add3A_1548 = arith.constant 0.0416666679 : f32
    %add3A_1549 = vector.broadcast %add3A_1548 : f32 to vector<63x512xf32>
    %add3A_1550 = arith.addf %add3A_1549, %mul3A_1547 : vector<63x512xf32>
    %mul3A_1551 = arith.mulf %mul3A_1525, %add3A_1550 : vector<63x512xf32>
    %add3A_1552 = arith.constant -5.000000e-01 : f32
    %add3A_1553 = vector.broadcast %add3A_1552 : f32 to vector<63x512xf32>
    %add3A_1554 = arith.addf %add3A_1553, %mul3A_1551 : vector<63x512xf32>
    %mul3A_1555 = arith.mulf %mul3A_1525, %add3A_1554 : vector<63x512xf32>
    %add3A_1556 = arith.constant 1.000000e+00 : f32
    %add3A_1557 = vector.broadcast %add3A_1556 : f32 to vector<63x512xf32>
    %add3A_1558 = arith.addf %add3A_1557, %mul3A_1555 : vector<63x512xf32>
    %and3A_1559 = arith.constant 1 : i32
    %and3A_1560 = vector.broadcast %and3A_1559 : i32 to vector<63x512xi32>
    %and3A_1561 = arith.andi %bitcast_convert_type3A_1513, %and3A_1560 : vector<63x512xi32>
    %eq3A_1562 = arith.constant 0 : i32
    %eq3A_1563 = vector.broadcast %eq3A_1562 : i32 to vector<63x512xi32>
    %eq3A_1564 = arith.cmpi eq, %and3A_1561, %eq3A_1563 : vector<63x512xi32>
    %select_n3A_1565 = arith.select %eq3A_1564, %mul3A_1540, %add3A_1558 : vector<63x512xi1>, vector<63x512xf32>
    %and3A_1566 = arith.constant 2 : i32
    %and3A_1567 = vector.broadcast %and3A_1566 : i32 to vector<63x512xi32>
    %and3A_1568 = arith.andi %bitcast_convert_type3A_1513, %and3A_1567 : vector<63x512xi32>
    %shift_left3A_1569 = arith.constant 30 : i32
    %shift_left3A_1570 = vector.broadcast %shift_left3A_1569 : i32 to vector<63x512xi32>
    %shift_left3A_1571 = arith.shli %and3A_1568, %shift_left3A_1570 : vector<63x512xi32>
    %bitcast_convert_type3A_1572 = tpu.bitcast %select_n3A_1565 : vector<63x512xf32> -> vector<63x512xi32>
    %xor3A_1573 = arith.xori %bitcast_convert_type3A_1572, %shift_left3A_1571 : vector<63x512xi32>
    %bitcast_convert_type3A_1574 = tpu.bitcast %xor3A_1573 : vector<63x512xi32> -> vector<63x512xf32>
    %select_n3A_1575 = arith.select %eq3A_1564, %add3A_1558, %mul3A_1540 : vector<63x512xi1>, vector<63x512xf32>
    %add3A_1576 = arith.constant 1 : i32
    %add3A_1577 = vector.broadcast %add3A_1576 : i32 to vector<63x512xi32>
    %add3A_1578 = arith.addi %bitcast_convert_type3A_1513, %add3A_1577 : vector<63x512xi32>
    %and3A_1579 = arith.constant 2 : i32
    %and3A_1580 = vector.broadcast %and3A_1579 : i32 to vector<63x512xi32>
    %and3A_1581 = arith.andi %add3A_1578, %and3A_1580 : vector<63x512xi32>
    %shift_left3A_1582 = arith.constant 30 : i32
    %shift_left3A_1583 = vector.broadcast %shift_left3A_1582 : i32 to vector<63x512xi32>
    %shift_left3A_1584 = arith.shli %and3A_1581, %shift_left3A_1583 : vector<63x512xi32>
    %bitcast_convert_type3A_1585 = tpu.bitcast %select_n3A_1575 : vector<63x512xf32> -> vector<63x512xi32>
    %xor3A_1586 = arith.xori %bitcast_convert_type3A_1585, %shift_left3A_1584 : vector<63x512xi32>
    %bitcast_convert_type3A_1587 = tpu.bitcast %xor3A_1586 : vector<63x512xi32> -> vector<63x512xf32>
    %convert_element_type3A_1588 = arith.truncf %bitcast_convert_type3A_1574 : vector<63x512xf32> to vector<63x512xbf16>
    %get3A_1589 = arith.constant 0 : index
    %get3A_1590 = arith.constant 0 : index
    %get3A_1591 = vector.load %arg6[%get3A_1589, %get3A_1590] : memref<63x128xbf16, #tpu.memory_space<vmem>>, vector<63x128xbf16>
    %dot_general3A_1592 = arith.constant dense<0.000000e+00> : vector<512x128xf32>
    %dot_general3A_1593 = tpu.matmul %convert_element_type3A_1588, %get3A_1591, %dot_general3A_1592 {dimension_numbers = #tpu.dot_dimension_numbers<[0], [0], [1], [1], [0, 1, 1, 1], [], []>, transpose_lhs_hint = false} : vector<63x512xbf16>, vector<63x128xbf16>, vector<512x128xf32> -> vector<512x128xf32>
    %convert_element_type3A_1594 = arith.truncf %bitcast_convert_type3A_1587 : vector<63x512xf32> to vector<63x512xbf16>
    %get3A_1595 = arith.constant 0 : index
    %get3A_1596 = arith.constant 0 : index
    %get3A_1597 = vector.load %arg7[%get3A_1595, %get3A_1596] : memref<63x128xbf16, #tpu.memory_space<vmem>>, vector<63x128xbf16>
    %dot_general3A_1598 = arith.constant dense<0.000000e+00> : vector<512x128xf32>
    %dot_general3A_1599 = tpu.matmul %convert_element_type3A_1594, %get3A_1597, %dot_general3A_1598 {dimension_numbers = #tpu.dot_dimension_numbers<[0], [0], [1], [1], [0, 1, 1, 1], [], []>, transpose_lhs_hint = false} : vector<63x512xbf16>, vector<63x128xbf16>, vector<512x128xf32> -> vector<512x128xf32>
    %add3A_1600 = arith.addf %dot_general3A_1593, %dot_general3A_1599 : vector<512x128xf32>
    %get3A_1601 = arith.constant 0 : index
    %get3A_1602 = arith.constant 0 : index
    %get3A_1603 = vector.load %arg8[%get3A_1601, %get3A_1602] : memref<1x128xf32, #tpu.memory_space<vmem>>, vector<1x128xf32>
    %add3A_1604 = vector.broadcast %get3A_1603 : vector<1x128xf32> to vector<512x128xf32>
    %add3A_1605 = arith.addf %add3A_1600, %add3A_1604 : vector<512x128xf32>
    %swap3A_1606 = arith.constant 2560 : index
    %swap3A_1607 = arith.constant 0 : index
    %swap3A_1608 = vector.load %arg12[%swap3A_1606, %swap3A_1607] : memref<4096x512xf32, #tpu.memory_space<vmem>>, vector<512x128xf32>
    tpu.vector_store %arg12[%swap3A_1606, %swap3A_1607], %add3A_1605 {strides = array<i32>} : memref<4096x512xf32, #tpu.memory_space<vmem>>, vector<512x128xf32>,
    %get3A_1609 = arith.constant 5 : index
    %get3A_1610 = arith.constant 0 : index
    %get3A_1611 = vector.load %arg3[%get3A_1609, %get3A_1610] : memref<8x512xf32, #tpu.memory_space<vmem>>, vector<1x512xf32>
    %get3A_1612 = arith.constant 0 : index
    %get3A_1613 = arith.constant 0 : index
    %get3A_1614 = vector.load %arg9[%get3A_1612, %get3A_1613] : memref<1x128xf32, #tpu.memory_space<vmem>>, vector<1x128xf32>
    %dot_general3A_1615 = arith.constant dense<0.000000e+00> : vector<512x128xf32>
    %dot_general3A_1616 = tpu.matmul %get3A_1611, %get3A_1614, %dot_general3A_1615 {dimension_numbers = #tpu.dot_dimension_numbers<[0], [0], [1], [1], [0, 1, 1, 1], [], []>, precision = #tpu.contract_precision<fp32>, transpose_lhs_hint = false} : vector<1x512xf32>, vector<1x128xf32>, vector<512x128xf32> -> vector<512x128xf32>
    %get3A_1617 = arith.constant 0 : index
    %get3A_1618 = arith.constant 0 : index
    %get3A_1619 = vector.load %arg10[%get3A_1617, %get3A_1618] : memref<1x128xf32, #tpu.memory_space<vmem>>, vector<1x128xf32>
    %add3A_1620 = vector.broadcast %get3A_1619 : vector<1x128xf32> to vector<512x128xf32>
    %add3A_1621 = arith.addf %dot_general3A_1616, %add3A_1620 : vector<512x128xf32>
    %mul3A_1622 = arith.constant 0.636619746 : f32
    %mul3A_1623 = vector.broadcast %mul3A_1622 : f32 to vector<512x128xf32>
    %mul3A_1624 = arith.mulf %add3A_1621, %mul3A_1623 : vector<512x128xf32>
    %add3A_1625 = arith.constant 0x4B400000 : f32
    %add3A_1626 = vector.broadcast %add3A_1625 : f32 to vector<512x128xf32>
    %add3A_1627 = arith.addf %mul3A_1624, %add3A_1626 : vector<512x128xf32>
    %bitcast_convert_type3A_1628 = tpu.bitcast %add3A_1627 : vector<512x128xf32> -> vector<512x128xi32>
    %sub3A_1629 = arith.constant 0x4B400000 : f32
    %sub3A_1630 = vector.broadcast %sub3A_1629 : f32 to vector<512x128xf32>
    %sub3A_1631 = arith.subf %add3A_1627, %sub3A_1630 : vector<512x128xf32>
    %mul3A_1632 = arith.constant 1.5703125 : f32
    %mul3A_1633 = vector.broadcast %mul3A_1632 : f32 to vector<512x128xf32>
    %mul3A_1634 = arith.mulf %sub3A_1631, %mul3A_1633 : vector<512x128xf32>
    %sub3A_1635 = arith.subf %add3A_1621, %mul3A_1634 : vector<512x128xf32>
    %mul3A_1636 = arith.constant 4.83826792E-4 : f32
    %mul3A_1637 = vector.broadcast %mul3A_1636 : f32 to vector<512x128xf32>
    %mul3A_1638 = arith.mulf %sub3A_1631, %mul3A_1637 : vector<512x128xf32>
    %sub3A_1639 = arith.subf %sub3A_1635, %mul3A_1638 : vector<512x128xf32>
    %mul3A_1640 = arith.mulf %sub3A_1639, %sub3A_1639 : vector<512x128xf32>
    %mul3A_1641 = arith.constant -1.98412701E-4 : f32
    %mul3A_1642 = vector.broadcast %mul3A_1641 : f32 to vector<512x128xf32>
    %mul3A_1643 = arith.mulf %mul3A_1640, %mul3A_1642 : vector<512x128xf32>
    %add3A_1644 = arith.constant 0.00833333284 : f32
    %add3A_1645 = vector.broadcast %add3A_1644 : f32 to vector<512x128xf32>
    %add3A_1646 = arith.addf %add3A_1645, %mul3A_1643 : vector<512x128xf32>
    %mul3A_1647 = arith.mulf %mul3A_1640, %add3A_1646 : vector<512x128xf32>
    %add3A_1648 = arith.constant -0.166666672 : f32
    %add3A_1649 = vector.broadcast %add3A_1648 : f32 to vector<512x128xf32>
    %add3A_1650 = arith.addf %add3A_1649, %mul3A_1647 : vector<512x128xf32>
    %mul3A_1651 = arith.mulf %mul3A_1640, %add3A_1650 : vector<512x128xf32>
    %add3A_1652 = arith.constant 1.000000e+00 : f32
    %add3A_1653 = vector.broadcast %add3A_1652 : f32 to vector<512x128xf32>
    %add3A_1654 = arith.addf %add3A_1653, %mul3A_1651 : vector<512x128xf32>
    %mul3A_1655 = arith.mulf %sub3A_1639, %add3A_1654 : vector<512x128xf32>
    %mul3A_1656 = arith.constant 2.48015876E-5 : f32
    %mul3A_1657 = vector.broadcast %mul3A_1656 : f32 to vector<512x128xf32>
    %mul3A_1658 = arith.mulf %mul3A_1640, %mul3A_1657 : vector<512x128xf32>
    %add3A_1659 = arith.constant -0.00138888892 : f32
    %add3A_1660 = vector.broadcast %add3A_1659 : f32 to vector<512x128xf32>
    %add3A_1661 = arith.addf %add3A_1660, %mul3A_1658 : vector<512x128xf32>
    %mul3A_1662 = arith.mulf %mul3A_1640, %add3A_1661 : vector<512x128xf32>
    %add3A_1663 = arith.constant 0.0416666679 : f32
    %add3A_1664 = vector.broadcast %add3A_1663 : f32 to vector<512x128xf32>
    %add3A_1665 = arith.addf %add3A_1664, %mul3A_1662 : vector<512x128xf32>
    %mul3A_1666 = arith.mulf %mul3A_1640, %add3A_1665 : vector<512x128xf32>
    %add3A_1667 = arith.constant -5.000000e-01 : f32
    %add3A_1668 = vector.broadcast %add3A_1667 : f32 to vector<512x128xf32>
    %add3A_1669 = arith.addf %add3A_1668, %mul3A_1666 : vector<512x128xf32>
    %mul3A_1670 = arith.mulf %mul3A_1640, %add3A_1669 : vector<512x128xf32>
    %add3A_1671 = arith.constant 1.000000e+00 : f32
    %add3A_1672 = vector.broadcast %add3A_1671 : f32 to vector<512x128xf32>
    %add3A_1673 = arith.addf %add3A_1672, %mul3A_1670 : vector<512x128xf32>
    %and3A_1674 = arith.constant 1 : i32
    %and3A_1675 = vector.broadcast %and3A_1674 : i32 to vector<512x128xi32>
    %and3A_1676 = arith.andi %bitcast_convert_type3A_1628, %and3A_1675 : vector<512x128xi32>
    %eq3A_1677 = arith.constant 0 : i32
    %eq3A_1678 = vector.broadcast %eq3A_1677 : i32 to vector<512x128xi32>
    %eq3A_1679 = arith.cmpi eq, %and3A_1676, %eq3A_1678 : vector<512x128xi32>
    %select_n3A_1680 = arith.select %eq3A_1679, %mul3A_1655, %add3A_1673 : vector<512x128xi1>, vector<512x128xf32>
    %and3A_1681 = arith.constant 2 : i32
    %and3A_1682 = vector.broadcast %and3A_1681 : i32 to vector<512x128xi32>
    %and3A_1683 = arith.andi %bitcast_convert_type3A_1628, %and3A_1682 : vector<512x128xi32>
    %shift_left3A_1684 = arith.constant 30 : i32
    %shift_left3A_1685 = vector.broadcast %shift_left3A_1684 : i32 to vector<512x128xi32>
    %shift_left3A_1686 = arith.shli %and3A_1683, %shift_left3A_1685 : vector<512x128xi32>
    %bitcast_convert_type3A_1687 = tpu.bitcast %select_n3A_1680 : vector<512x128xf32> -> vector<512x128xi32>
    %xor3A_1688 = arith.xori %bitcast_convert_type3A_1687, %shift_left3A_1686 : vector<512x128xi32>
    %bitcast_convert_type3A_1689 = tpu.bitcast %xor3A_1688 : vector<512x128xi32> -> vector<512x128xf32>
    %broadcast_in_dim3A_1690 = vector.shape_cast %eq3A_1 : vector<1x128xi1> to vector<1x128xi1>
    %broadcast_in_dim3A_1691 = vector.broadcast %broadcast_in_dim3A_1690 : vector<1x128xi1> to vector<512x128xi1>
    %select_n3A_1692 = arith.select %broadcast_in_dim3A_1691, %add3A_1621, %bitcast_convert_type3A_1689 : vector<512x128xi1>, vector<512x128xf32>
    %swap3A_1693 = arith.constant 2560 : index
    %swap3A_1694 = arith.constant 128 : index
    %swap3A_1695 = vector.load %arg12[%swap3A_1693, %swap3A_1694] : memref<4096x512xf32, #tpu.memory_space<vmem>>, vector<512x128xf32>
    tpu.vector_store %arg12[%swap3A_1693, %swap3A_1694], %select_n3A_1692 {strides = array<i32>} : memref<4096x512xf32, #tpu.memory_space<vmem>>, vector<512x128xf32>,
    %get3A_1696 = arith.constant 5 : index
    %get3A_1697 = arith.constant 0 : index
    %get3A_1698 = vector.load %arg4[%get3A_1696, %get3A_1697] : memref<8x512xf32, #tpu.memory_space<vmem>>, vector<1x512xf32>
    %get3A_1699 = arith.constant 0 : index
    %get3A_1700 = arith.constant 0 : index
    %get3A_1701 = vector.load %arg9[%get3A_1699, %get3A_1700] : memref<1x128xf32, #tpu.memory_space<vmem>>, vector<1x128xf32>
    %dot_general3A_1702 = arith.constant dense<0.000000e+00> : vector<512x128xf32>
    %dot_general3A_1703 = tpu.matmul %get3A_1698, %get3A_1701, %dot_general3A_1702 {dimension_numbers = #tpu.dot_dimension_numbers<[0], [0], [1], [1], [0, 1, 1, 1], [], []>, precision = #tpu.contract_precision<fp32>, transpose_lhs_hint = false} : vector<1x512xf32>, vector<1x128xf32>, vector<512x128xf32> -> vector<512x128xf32>
    %get3A_1704 = arith.constant 0 : index
    %get3A_1705 = arith.constant 0 : index
    %get3A_1706 = vector.load %arg10[%get3A_1704, %get3A_1705] : memref<1x128xf32, #tpu.memory_space<vmem>>, vector<1x128xf32>
    %add3A_1707 = vector.broadcast %get3A_1706 : vector<1x128xf32> to vector<512x128xf32>
    %add3A_1708 = arith.addf %dot_general3A_1703, %add3A_1707 : vector<512x128xf32>
    %mul3A_1709 = arith.constant 0.636619746 : f32
    %mul3A_1710 = vector.broadcast %mul3A_1709 : f32 to vector<512x128xf32>
    %mul3A_1711 = arith.mulf %add3A_1708, %mul3A_1710 : vector<512x128xf32>
    %add3A_1712 = arith.constant 0x4B400000 : f32
    %add3A_1713 = vector.broadcast %add3A_1712 : f32 to vector<512x128xf32>
    %add3A_1714 = arith.addf %mul3A_1711, %add3A_1713 : vector<512x128xf32>
    %bitcast_convert_type3A_1715 = tpu.bitcast %add3A_1714 : vector<512x128xf32> -> vector<512x128xi32>
    %sub3A_1716 = arith.constant 0x4B400000 : f32
    %sub3A_1717 = vector.broadcast %sub3A_1716 : f32 to vector<512x128xf32>
    %sub3A_1718 = arith.subf %add3A_1714, %sub3A_1717 : vector<512x128xf32>
    %mul3A_1719 = arith.constant 1.5703125 : f32
    %mul3A_1720 = vector.broadcast %mul3A_1719 : f32 to vector<512x128xf32>
    %mul3A_1721 = arith.mulf %sub3A_1718, %mul3A_1720 : vector<512x128xf32>
    %sub3A_1722 = arith.subf %add3A_1708, %mul3A_1721 : vector<512x128xf32>
    %mul3A_1723 = arith.constant 4.83826792E-4 : f32
    %mul3A_1724 = vector.broadcast %mul3A_1723 : f32 to vector<512x128xf32>
    %mul3A_1725 = arith.mulf %sub3A_1718, %mul3A_1724 : vector<512x128xf32>
    %sub3A_1726 = arith.subf %sub3A_1722, %mul3A_1725 : vector<512x128xf32>
    %mul3A_1727 = arith.mulf %sub3A_1726, %sub3A_1726 : vector<512x128xf32>
    %mul3A_1728 = arith.constant -1.98412701E-4 : f32
    %mul3A_1729 = vector.broadcast %mul3A_1728 : f32 to vector<512x128xf32>
    %mul3A_1730 = arith.mulf %mul3A_1727, %mul3A_1729 : vector<512x128xf32>
    %add3A_1731 = arith.constant 0.00833333284 : f32
    %add3A_1732 = vector.broadcast %add3A_1731 : f32 to vector<512x128xf32>
    %add3A_1733 = arith.addf %add3A_1732, %mul3A_1730 : vector<512x128xf32>
    %mul3A_1734 = arith.mulf %mul3A_1727, %add3A_1733 : vector<512x128xf32>
    %add3A_1735 = arith.constant -0.166666672 : f32
    %add3A_1736 = vector.broadcast %add3A_1735 : f32 to vector<512x128xf32>
    %add3A_1737 = arith.addf %add3A_1736, %mul3A_1734 : vector<512x128xf32>
    %mul3A_1738 = arith.mulf %mul3A_1727, %add3A_1737 : vector<512x128xf32>
    %add3A_1739 = arith.constant 1.000000e+00 : f32
    %add3A_1740 = vector.broadcast %add3A_1739 : f32 to vector<512x128xf32>
    %add3A_1741 = arith.addf %add3A_1740, %mul3A_1738 : vector<512x128xf32>
    %mul3A_1742 = arith.mulf %sub3A_1726, %add3A_1741 : vector<512x128xf32>
    %mul3A_1743 = arith.constant 2.48015876E-5 : f32
    %mul3A_1744 = vector.broadcast %mul3A_1743 : f32 to vector<512x128xf32>
    %mul3A_1745 = arith.mulf %mul3A_1727, %mul3A_1744 : vector<512x128xf32>
    %add3A_1746 = arith.constant -0.00138888892 : f32
    %add3A_1747 = vector.broadcast %add3A_1746 : f32 to vector<512x128xf32>
    %add3A_1748 = arith.addf %add3A_1747, %mul3A_1745 : vector<512x128xf32>
    %mul3A_1749 = arith.mulf %mul3A_1727, %add3A_1748 : vector<512x128xf32>
    %add3A_1750 = arith.constant 0.0416666679 : f32
    %add3A_1751 = vector.broadcast %add3A_1750 : f32 to vector<512x128xf32>
    %add3A_1752 = arith.addf %add3A_1751, %mul3A_1749 : vector<512x128xf32>
    %mul3A_1753 = arith.mulf %mul3A_1727, %add3A_1752 : vector<512x128xf32>
    %add3A_1754 = arith.constant -5.000000e-01 : f32
    %add3A_1755 = vector.broadcast %add3A_1754 : f32 to vector<512x128xf32>
    %add3A_1756 = arith.addf %add3A_1755, %mul3A_1753 : vector<512x128xf32>
    %mul3A_1757 = arith.mulf %mul3A_1727, %add3A_1756 : vector<512x128xf32>
    %add3A_1758 = arith.constant 1.000000e+00 : f32
    %add3A_1759 = vector.broadcast %add3A_1758 : f32 to vector<512x128xf32>
    %add3A_1760 = arith.addf %add3A_1759, %mul3A_1757 : vector<512x128xf32>
    %and3A_1761 = arith.constant 1 : i32
    %and3A_1762 = vector.broadcast %and3A_1761 : i32 to vector<512x128xi32>
    %and3A_1763 = arith.andi %bitcast_convert_type3A_1715, %and3A_1762 : vector<512x128xi32>
    %eq3A_1764 = arith.constant 0 : i32
    %eq3A_1765 = vector.broadcast %eq3A_1764 : i32 to vector<512x128xi32>
    %eq3A_1766 = arith.cmpi eq, %and3A_1763, %eq3A_1765 : vector<512x128xi32>
    %select_n3A_1767 = arith.select %eq3A_1766, %mul3A_1742, %add3A_1760 : vector<512x128xi1>, vector<512x128xf32>
    %and3A_1768 = arith.constant 2 : i32
    %and3A_1769 = vector.broadcast %and3A_1768 : i32 to vector<512x128xi32>
    %and3A_1770 = arith.andi %bitcast_convert_type3A_1715, %and3A_1769 : vector<512x128xi32>
    %shift_left3A_1771 = arith.constant 30 : i32
    %shift_left3A_1772 = vector.broadcast %shift_left3A_1771 : i32 to vector<512x128xi32>
    %shift_left3A_1773 = arith.shli %and3A_1770, %shift_left3A_1772 : vector<512x128xi32>
    %bitcast_convert_type3A_1774 = tpu.bitcast %select_n3A_1767 : vector<512x128xf32> -> vector<512x128xi32>
    %xor3A_1775 = arith.xori %bitcast_convert_type3A_1774, %shift_left3A_1773 : vector<512x128xi32>
    %bitcast_convert_type3A_1776 = tpu.bitcast %xor3A_1775 : vector<512x128xi32> -> vector<512x128xf32>
    %broadcast_in_dim3A_1777 = vector.shape_cast %eq3A_1 : vector<1x128xi1> to vector<1x128xi1>
    %broadcast_in_dim3A_1778 = vector.broadcast %broadcast_in_dim3A_1777 : vector<1x128xi1> to vector<512x128xi1>
    %select_n3A_1779 = arith.select %broadcast_in_dim3A_1778, %add3A_1708, %bitcast_convert_type3A_1776 : vector<512x128xi1>, vector<512x128xf32>
    %swap3A_1780 = arith.constant 2560 : index
    %swap3A_1781 = arith.constant 256 : index
    %swap3A_1782 = vector.load %arg12[%swap3A_1780, %swap3A_1781] : memref<4096x512xf32, #tpu.memory_space<vmem>>, vector<512x128xf32>
    tpu.vector_store %arg12[%swap3A_1780, %swap3A_1781], %select_n3A_1779 {strides = array<i32>} : memref<4096x512xf32, #tpu.memory_space<vmem>>, vector<512x128xf32>,
    %get3A_1783 = arith.constant 6 : index
    %get3A_1784 = arith.constant 0 : index
    %get3A_1785 = vector.load %arg1[%get3A_1783, %get3A_1784] : memref<8x512xf32, #tpu.memory_space<vmem>>, vector<1x512xf32>
    %convert_element_type3A_1786 = arith.truncf %get3A_1785 : vector<1x512xf32> to vector<1x512xbf16>
    %convert_element_type3A_1787 = arith.extf %convert_element_type3A_1786 : vector<1x512xbf16> to vector<1x512xf32>
    %get3A_1788 = arith.constant 6 : index
    %get3A_1789 = arith.constant 0 : index
    %get3A_1790 = vector.load %arg2[%get3A_1788, %get3A_1789] : memref<8x512xf32, #tpu.memory_space<vmem>>, vector<1x512xf32>
    %convert_element_type3A_1791 = arith.truncf %get3A_1790 : vector<1x512xf32> to vector<1x512xbf16>
    %convert_element_type3A_1792 = arith.extf %convert_element_type3A_1791 : vector<1x512xbf16> to vector<1x512xf32>
    %get3A_1793 = arith.constant 0 : index
    %get3A_1794 = arith.constant 0 : index
    %get3A_1795 = vector.load %arg5[%get3A_1793, %get3A_1794] : memref<63x2xf32, #tpu.memory_space<vmem>>, vector<63x1xf32>
    %mul3A_1796 = vector.broadcast %get3A_1795 : vector<63x1xf32> to vector<63x512xf32>
    %mul3A_1797 = vector.broadcast %convert_element_type3A_1787 : vector<1x512xf32> to vector<63x512xf32>
    %mul3A_1798 = arith.mulf %mul3A_1796, %mul3A_1797 : vector<63x512xf32>
    %get3A_1799 = arith.constant 0 : index
    %get3A_1800 = arith.constant 1 : index
    %get3A_1801 = vector.load %arg5[%get3A_1799, %get3A_1800] : memref<63x2xf32, #tpu.memory_space<vmem>>, vector<63x1xf32>
    %mul3A_1802 = vector.broadcast %get3A_1801 : vector<63x1xf32> to vector<63x512xf32>
    %mul3A_1803 = vector.broadcast %convert_element_type3A_1792 : vector<1x512xf32> to vector<63x512xf32>
    %mul3A_1804 = arith.mulf %mul3A_1802, %mul3A_1803 : vector<63x512xf32>
    %add3A_1805 = arith.addf %mul3A_1798, %mul3A_1804 : vector<63x512xf32>
    %mul3A_1806 = arith.constant 0.636619746 : f32
    %mul3A_1807 = vector.broadcast %mul3A_1806 : f32 to vector<63x512xf32>
    %mul3A_1808 = arith.mulf %add3A_1805, %mul3A_1807 : vector<63x512xf32>
    %add3A_1809 = arith.constant 0x4B400000 : f32
    %add3A_1810 = vector.broadcast %add3A_1809 : f32 to vector<63x512xf32>
    %add3A_1811 = arith.addf %mul3A_1808, %add3A_1810 : vector<63x512xf32>
    %bitcast_convert_type3A_1812 = tpu.bitcast %add3A_1811 : vector<63x512xf32> -> vector<63x512xi32>
    %sub3A_1813 = arith.constant 0x4B400000 : f32
    %sub3A_1814 = vector.broadcast %sub3A_1813 : f32 to vector<63x512xf32>
    %sub3A_1815 = arith.subf %add3A_1811, %sub3A_1814 : vector<63x512xf32>
    %mul3A_1816 = arith.constant 1.5703125 : f32
    %mul3A_1817 = vector.broadcast %mul3A_1816 : f32 to vector<63x512xf32>
    %mul3A_1818 = arith.mulf %sub3A_1815, %mul3A_1817 : vector<63x512xf32>
    %sub3A_1819 = arith.subf %add3A_1805, %mul3A_1818 : vector<63x512xf32>
    %mul3A_1820 = arith.constant 4.83826792E-4 : f32
    %mul3A_1821 = vector.broadcast %mul3A_1820 : f32 to vector<63x512xf32>
    %mul3A_1822 = arith.mulf %sub3A_1815, %mul3A_1821 : vector<63x512xf32>
    %sub3A_1823 = arith.subf %sub3A_1819, %mul3A_1822 : vector<63x512xf32>
    %mul3A_1824 = arith.mulf %sub3A_1823, %sub3A_1823 : vector<63x512xf32>
    %mul3A_1825 = arith.constant -1.98412701E-4 : f32
    %mul3A_1826 = vector.broadcast %mul3A_1825 : f32 to vector<63x512xf32>
    %mul3A_1827 = arith.mulf %mul3A_1824, %mul3A_1826 : vector<63x512xf32>
    %add3A_1828 = arith.constant 0.00833333284 : f32
    %add3A_1829 = vector.broadcast %add3A_1828 : f32 to vector<63x512xf32>
    %add3A_1830 = arith.addf %add3A_1829, %mul3A_1827 : vector<63x512xf32>
    %mul3A_1831 = arith.mulf %mul3A_1824, %add3A_1830 : vector<63x512xf32>
    %add3A_1832 = arith.constant -0.166666672 : f32
    %add3A_1833 = vector.broadcast %add3A_1832 : f32 to vector<63x512xf32>
    %add3A_1834 = arith.addf %add3A_1833, %mul3A_1831 : vector<63x512xf32>
    %mul3A_1835 = arith.mulf %mul3A_1824, %add3A_1834 : vector<63x512xf32>
    %add3A_1836 = arith.constant 1.000000e+00 : f32
    %add3A_1837 = vector.broadcast %add3A_1836 : f32 to vector<63x512xf32>
    %add3A_1838 = arith.addf %add3A_1837, %mul3A_1835 : vector<63x512xf32>
    %mul3A_1839 = arith.mulf %sub3A_1823, %add3A_1838 : vector<63x512xf32>
    %mul3A_1840 = arith.constant 2.48015876E-5 : f32
    %mul3A_1841 = vector.broadcast %mul3A_1840 : f32 to vector<63x512xf32>
    %mul3A_1842 = arith.mulf %mul3A_1824, %mul3A_1841 : vector<63x512xf32>
    %add3A_1843 = arith.constant -0.00138888892 : f32
    %add3A_1844 = vector.broadcast %add3A_1843 : f32 to vector<63x512xf32>
    %add3A_1845 = arith.addf %add3A_1844, %mul3A_1842 : vector<63x512xf32>
    %mul3A_1846 = arith.mulf %mul3A_1824, %add3A_1845 : vector<63x512xf32>
    %add3A_1847 = arith.constant 0.0416666679 : f32
    %add3A_1848 = vector.broadcast %add3A_1847 : f32 to vector<63x512xf32>
    %add3A_1849 = arith.addf %add3A_1848, %mul3A_1846 : vector<63x512xf32>
    %mul3A_1850 = arith.mulf %mul3A_1824, %add3A_1849 : vector<63x512xf32>
    %add3A_1851 = arith.constant -5.000000e-01 : f32
    %add3A_1852 = vector.broadcast %add3A_1851 : f32 to vector<63x512xf32>
    %add3A_1853 = arith.addf %add3A_1852, %mul3A_1850 : vector<63x512xf32>
    %mul3A_1854 = arith.mulf %mul3A_1824, %add3A_1853 : vector<63x512xf32>
    %add3A_1855 = arith.constant 1.000000e+00 : f32
    %add3A_1856 = vector.broadcast %add3A_1855 : f32 to vector<63x512xf32>
    %add3A_1857 = arith.addf %add3A_1856, %mul3A_1854 : vector<63x512xf32>
    %and3A_1858 = arith.constant 1 : i32
    %and3A_1859 = vector.broadcast %and3A_1858 : i32 to vector<63x512xi32>
    %and3A_1860 = arith.andi %bitcast_convert_type3A_1812, %and3A_1859 : vector<63x512xi32>
    %eq3A_1861 = arith.constant 0 : i32
    %eq3A_1862 = vector.broadcast %eq3A_1861 : i32 to vector<63x512xi32>
    %eq3A_1863 = arith.cmpi eq, %and3A_1860, %eq3A_1862 : vector<63x512xi32>
    %select_n3A_1864 = arith.select %eq3A_1863, %mul3A_1839, %add3A_1857 : vector<63x512xi1>, vector<63x512xf32>
    %and3A_1865 = arith.constant 2 : i32
    %and3A_1866 = vector.broadcast %and3A_1865 : i32 to vector<63x512xi32>
    %and3A_1867 = arith.andi %bitcast_convert_type3A_1812, %and3A_1866 : vector<63x512xi32>
    %shift_left3A_1868 = arith.constant 30 : i32
    %shift_left3A_1869 = vector.broadcast %shift_left3A_1868 : i32 to vector<63x512xi32>
    %shift_left3A_1870 = arith.shli %and3A_1867, %shift_left3A_1869 : vector<63x512xi32>
    %bitcast_convert_type3A_1871 = tpu.bitcast %select_n3A_1864 : vector<63x512xf32> -> vector<63x512xi32>
    %xor3A_1872 = arith.xori %bitcast_convert_type3A_1871, %shift_left3A_1870 : vector<63x512xi32>
    %bitcast_convert_type3A_1873 = tpu.bitcast %xor3A_1872 : vector<63x512xi32> -> vector<63x512xf32>
    %select_n3A_1874 = arith.select %eq3A_1863, %add3A_1857, %mul3A_1839 : vector<63x512xi1>, vector<63x512xf32>
    %add3A_1875 = arith.constant 1 : i32
    %add3A_1876 = vector.broadcast %add3A_1875 : i32 to vector<63x512xi32>
    %add3A_1877 = arith.addi %bitcast_convert_type3A_1812, %add3A_1876 : vector<63x512xi32>
    %and3A_1878 = arith.constant 2 : i32
    %and3A_1879 = vector.broadcast %and3A_1878 : i32 to vector<63x512xi32>
    %and3A_1880 = arith.andi %add3A_1877, %and3A_1879 : vector<63x512xi32>
    %shift_left3A_1881 = arith.constant 30 : i32
    %shift_left3A_1882 = vector.broadcast %shift_left3A_1881 : i32 to vector<63x512xi32>
    %shift_left3A_1883 = arith.shli %and3A_1880, %shift_left3A_1882 : vector<63x512xi32>
    %bitcast_convert_type3A_1884 = tpu.bitcast %select_n3A_1874 : vector<63x512xf32> -> vector<63x512xi32>
    %xor3A_1885 = arith.xori %bitcast_convert_type3A_1884, %shift_left3A_1883 : vector<63x512xi32>
    %bitcast_convert_type3A_1886 = tpu.bitcast %xor3A_1885 : vector<63x512xi32> -> vector<63x512xf32>
    %convert_element_type3A_1887 = arith.truncf %bitcast_convert_type3A_1873 : vector<63x512xf32> to vector<63x512xbf16>
    %get3A_1888 = arith.constant 0 : index
    %get3A_1889 = arith.constant 0 : index
    %get3A_1890 = vector.load %arg6[%get3A_1888, %get3A_1889] : memref<63x128xbf16, #tpu.memory_space<vmem>>, vector<63x128xbf16>
    %dot_general3A_1891 = arith.constant dense<0.000000e+00> : vector<512x128xf32>
    %dot_general3A_1892 = tpu.matmul %convert_element_type3A_1887, %get3A_1890, %dot_general3A_1891 {dimension_numbers = #tpu.dot_dimension_numbers<[0], [0], [1], [1], [0, 1, 1, 1], [], []>, transpose_lhs_hint = false} : vector<63x512xbf16>, vector<63x128xbf16>, vector<512x128xf32> -> vector<512x128xf32>
    %convert_element_type3A_1893 = arith.truncf %bitcast_convert_type3A_1886 : vector<63x512xf32> to vector<63x512xbf16>
    %get3A_1894 = arith.constant 0 : index
    %get3A_1895 = arith.constant 0 : index
    %get3A_1896 = vector.load %arg7[%get3A_1894, %get3A_1895] : memref<63x128xbf16, #tpu.memory_space<vmem>>, vector<63x128xbf16>
    %dot_general3A_1897 = arith.constant dense<0.000000e+00> : vector<512x128xf32>
    %dot_general3A_1898 = tpu.matmul %convert_element_type3A_1893, %get3A_1896, %dot_general3A_1897 {dimension_numbers = #tpu.dot_dimension_numbers<[0], [0], [1], [1], [0, 1, 1, 1], [], []>, transpose_lhs_hint = false} : vector<63x512xbf16>, vector<63x128xbf16>, vector<512x128xf32> -> vector<512x128xf32>
    %add3A_1899 = arith.addf %dot_general3A_1892, %dot_general3A_1898 : vector<512x128xf32>
    %get3A_1900 = arith.constant 0 : index
    %get3A_1901 = arith.constant 0 : index
    %get3A_1902 = vector.load %arg8[%get3A_1900, %get3A_1901] : memref<1x128xf32, #tpu.memory_space<vmem>>, vector<1x128xf32>
    %add3A_1903 = vector.broadcast %get3A_1902 : vector<1x128xf32> to vector<512x128xf32>
    %add3A_1904 = arith.addf %add3A_1899, %add3A_1903 : vector<512x128xf32>
    %swap3A_1905 = arith.constant 3072 : index
    %swap3A_1906 = arith.constant 0 : index
    %swap3A_1907 = vector.load %arg12[%swap3A_1905, %swap3A_1906] : memref<4096x512xf32, #tpu.memory_space<vmem>>, vector<512x128xf32>
    tpu.vector_store %arg12[%swap3A_1905, %swap3A_1906], %add3A_1904 {strides = array<i32>} : memref<4096x512xf32, #tpu.memory_space<vmem>>, vector<512x128xf32>,
    %get3A_1908 = arith.constant 6 : index
    %get3A_1909 = arith.constant 0 : index
    %get3A_1910 = vector.load %arg3[%get3A_1908, %get3A_1909] : memref<8x512xf32, #tpu.memory_space<vmem>>, vector<1x512xf32>
    %get3A_1911 = arith.constant 0 : index
    %get3A_1912 = arith.constant 0 : index
    %get3A_1913 = vector.load %arg9[%get3A_1911, %get3A_1912] : memref<1x128xf32, #tpu.memory_space<vmem>>, vector<1x128xf32>
    %dot_general3A_1914 = arith.constant dense<0.000000e+00> : vector<512x128xf32>
    %dot_general3A_1915 = tpu.matmul %get3A_1910, %get3A_1913, %dot_general3A_1914 {dimension_numbers = #tpu.dot_dimension_numbers<[0], [0], [1], [1], [0, 1, 1, 1], [], []>, precision = #tpu.contract_precision<fp32>, transpose_lhs_hint = false} : vector<1x512xf32>, vector<1x128xf32>, vector<512x128xf32> -> vector<512x128xf32>
    %get3A_1916 = arith.constant 0 : index
    %get3A_1917 = arith.constant 0 : index
    %get3A_1918 = vector.load %arg10[%get3A_1916, %get3A_1917] : memref<1x128xf32, #tpu.memory_space<vmem>>, vector<1x128xf32>
    %add3A_1919 = vector.broadcast %get3A_1918 : vector<1x128xf32> to vector<512x128xf32>
    %add3A_1920 = arith.addf %dot_general3A_1915, %add3A_1919 : vector<512x128xf32>
    %mul3A_1921 = arith.constant 0.636619746 : f32
    %mul3A_1922 = vector.broadcast %mul3A_1921 : f32 to vector<512x128xf32>
    %mul3A_1923 = arith.mulf %add3A_1920, %mul3A_1922 : vector<512x128xf32>
    %add3A_1924 = arith.constant 0x4B400000 : f32
    %add3A_1925 = vector.broadcast %add3A_1924 : f32 to vector<512x128xf32>
    %add3A_1926 = arith.addf %mul3A_1923, %add3A_1925 : vector<512x128xf32>
    %bitcast_convert_type3A_1927 = tpu.bitcast %add3A_1926 : vector<512x128xf32> -> vector<512x128xi32>
    %sub3A_1928 = arith.constant 0x4B400000 : f32
    %sub3A_1929 = vector.broadcast %sub3A_1928 : f32 to vector<512x128xf32>
    %sub3A_1930 = arith.subf %add3A_1926, %sub3A_1929 : vector<512x128xf32>
    %mul3A_1931 = arith.constant 1.5703125 : f32
    %mul3A_1932 = vector.broadcast %mul3A_1931 : f32 to vector<512x128xf32>
    %mul3A_1933 = arith.mulf %sub3A_1930, %mul3A_1932 : vector<512x128xf32>
    %sub3A_1934 = arith.subf %add3A_1920, %mul3A_1933 : vector<512x128xf32>
    %mul3A_1935 = arith.constant 4.83826792E-4 : f32
    %mul3A_1936 = vector.broadcast %mul3A_1935 : f32 to vector<512x128xf32>
    %mul3A_1937 = arith.mulf %sub3A_1930, %mul3A_1936 : vector<512x128xf32>
    %sub3A_1938 = arith.subf %sub3A_1934, %mul3A_1937 : vector<512x128xf32>
    %mul3A_1939 = arith.mulf %sub3A_1938, %sub3A_1938 : vector<512x128xf32>
    %mul3A_1940 = arith.constant -1.98412701E-4 : f32
    %mul3A_1941 = vector.broadcast %mul3A_1940 : f32 to vector<512x128xf32>
    %mul3A_1942 = arith.mulf %mul3A_1939, %mul3A_1941 : vector<512x128xf32>
    %add3A_1943 = arith.constant 0.00833333284 : f32
    %add3A_1944 = vector.broadcast %add3A_1943 : f32 to vector<512x128xf32>
    %add3A_1945 = arith.addf %add3A_1944, %mul3A_1942 : vector<512x128xf32>
    %mul3A_1946 = arith.mulf %mul3A_1939, %add3A_1945 : vector<512x128xf32>
    %add3A_1947 = arith.constant -0.166666672 : f32
    %add3A_1948 = vector.broadcast %add3A_1947 : f32 to vector<512x128xf32>
    %add3A_1949 = arith.addf %add3A_1948, %mul3A_1946 : vector<512x128xf32>
    %mul3A_1950 = arith.mulf %mul3A_1939, %add3A_1949 : vector<512x128xf32>
    %add3A_1951 = arith.constant 1.000000e+00 : f32
    %add3A_1952 = vector.broadcast %add3A_1951 : f32 to vector<512x128xf32>
    %add3A_1953 = arith.addf %add3A_1952, %mul3A_1950 : vector<512x128xf32>
    %mul3A_1954 = arith.mulf %sub3A_1938, %add3A_1953 : vector<512x128xf32>
    %mul3A_1955 = arith.constant 2.48015876E-5 : f32
    %mul3A_1956 = vector.broadcast %mul3A_1955 : f32 to vector<512x128xf32>
    %mul3A_1957 = arith.mulf %mul3A_1939, %mul3A_1956 : vector<512x128xf32>
    %add3A_1958 = arith.constant -0.00138888892 : f32
    %add3A_1959 = vector.broadcast %add3A_1958 : f32 to vector<512x128xf32>
    %add3A_1960 = arith.addf %add3A_1959, %mul3A_1957 : vector<512x128xf32>
    %mul3A_1961 = arith.mulf %mul3A_1939, %add3A_1960 : vector<512x128xf32>
    %add3A_1962 = arith.constant 0.0416666679 : f32
    %add3A_1963 = vector.broadcast %add3A_1962 : f32 to vector<512x128xf32>
    %add3A_1964 = arith.addf %add3A_1963, %mul3A_1961 : vector<512x128xf32>
    %mul3A_1965 = arith.mulf %mul3A_1939, %add3A_1964 : vector<512x128xf32>
    %add3A_1966 = arith.constant -5.000000e-01 : f32
    %add3A_1967 = vector.broadcast %add3A_1966 : f32 to vector<512x128xf32>
    %add3A_1968 = arith.addf %add3A_1967, %mul3A_1965 : vector<512x128xf32>
    %mul3A_1969 = arith.mulf %mul3A_1939, %add3A_1968 : vector<512x128xf32>
    %add3A_1970 = arith.constant 1.000000e+00 : f32
    %add3A_1971 = vector.broadcast %add3A_1970 : f32 to vector<512x128xf32>
    %add3A_1972 = arith.addf %add3A_1971, %mul3A_1969 : vector<512x128xf32>
    %and3A_1973 = arith.constant 1 : i32
    %and3A_1974 = vector.broadcast %and3A_1973 : i32 to vector<512x128xi32>
    %and3A_1975 = arith.andi %bitcast_convert_type3A_1927, %and3A_1974 : vector<512x128xi32>
    %eq3A_1976 = arith.constant 0 : i32
    %eq3A_1977 = vector.broadcast %eq3A_1976 : i32 to vector<512x128xi32>
    %eq3A_1978 = arith.cmpi eq, %and3A_1975, %eq3A_1977 : vector<512x128xi32>
    %select_n3A_1979 = arith.select %eq3A_1978, %mul3A_1954, %add3A_1972 : vector<512x128xi1>, vector<512x128xf32>
    %and3A_1980 = arith.constant 2 : i32
    %and3A_1981 = vector.broadcast %and3A_1980 : i32 to vector<512x128xi32>
    %and3A_1982 = arith.andi %bitcast_convert_type3A_1927, %and3A_1981 : vector<512x128xi32>
    %shift_left3A_1983 = arith.constant 30 : i32
    %shift_left3A_1984 = vector.broadcast %shift_left3A_1983 : i32 to vector<512x128xi32>
    %shift_left3A_1985 = arith.shli %and3A_1982, %shift_left3A_1984 : vector<512x128xi32>
    %bitcast_convert_type3A_1986 = tpu.bitcast %select_n3A_1979 : vector<512x128xf32> -> vector<512x128xi32>
    %xor3A_1987 = arith.xori %bitcast_convert_type3A_1986, %shift_left3A_1985 : vector<512x128xi32>
    %bitcast_convert_type3A_1988 = tpu.bitcast %xor3A_1987 : vector<512x128xi32> -> vector<512x128xf32>
    %broadcast_in_dim3A_1989 = vector.shape_cast %eq3A_1 : vector<1x128xi1> to vector<1x128xi1>
    %broadcast_in_dim3A_1990 = vector.broadcast %broadcast_in_dim3A_1989 : vector<1x128xi1> to vector<512x128xi1>
    %select_n3A_1991 = arith.select %broadcast_in_dim3A_1990, %add3A_1920, %bitcast_convert_type3A_1988 : vector<512x128xi1>, vector<512x128xf32>
    %swap3A_1992 = arith.constant 3072 : index
    %swap3A_1993 = arith.constant 128 : index
    %swap3A_1994 = vector.load %arg12[%swap3A_1992, %swap3A_1993] : memref<4096x512xf32, #tpu.memory_space<vmem>>, vector<512x128xf32>
    tpu.vector_store %arg12[%swap3A_1992, %swap3A_1993], %select_n3A_1991 {strides = array<i32>} : memref<4096x512xf32, #tpu.memory_space<vmem>>, vector<512x128xf32>,
    %get3A_1995 = arith.constant 6 : index
    %get3A_1996 = arith.constant 0 : index
    %get3A_1997 = vector.load %arg4[%get3A_1995, %get3A_1996] : memref<8x512xf32, #tpu.memory_space<vmem>>, vector<1x512xf32>
    %get3A_1998 = arith.constant 0 : index
    %get3A_1999 = arith.constant 0 : index
    %get3A_2000 = vector.load %arg9[%get3A_1998, %get3A_1999] : memref<1x128xf32, #tpu.memory_space<vmem>>, vector<1x128xf32>
    %dot_general3A_2001 = arith.constant dense<0.000000e+00> : vector<512x128xf32>
    %dot_general3A_2002 = tpu.matmul %get3A_1997, %get3A_2000, %dot_general3A_2001 {dimension_numbers = #tpu.dot_dimension_numbers<[0], [0], [1], [1], [0, 1, 1, 1], [], []>, precision = #tpu.contract_precision<fp32>, transpose_lhs_hint = false} : vector<1x512xf32>, vector<1x128xf32>, vector<512x128xf32> -> vector<512x128xf32>
    %get3A_2003 = arith.constant 0 : index
    %get3A_2004 = arith.constant 0 : index
    %get3A_2005 = vector.load %arg10[%get3A_2003, %get3A_2004] : memref<1x128xf32, #tpu.memory_space<vmem>>, vector<1x128xf32>
    %add3A_2006 = vector.broadcast %get3A_2005 : vector<1x128xf32> to vector<512x128xf32>
    %add3A_2007 = arith.addf %dot_general3A_2002, %add3A_2006 : vector<512x128xf32>
    %mul3A_2008 = arith.constant 0.636619746 : f32
    %mul3A_2009 = vector.broadcast %mul3A_2008 : f32 to vector<512x128xf32>
    %mul3A_2010 = arith.mulf %add3A_2007, %mul3A_2009 : vector<512x128xf32>
    %add3A_2011 = arith.constant 0x4B400000 : f32
    %add3A_2012 = vector.broadcast %add3A_2011 : f32 to vector<512x128xf32>
    %add3A_2013 = arith.addf %mul3A_2010, %add3A_2012 : vector<512x128xf32>
    %bitcast_convert_type3A_2014 = tpu.bitcast %add3A_2013 : vector<512x128xf32> -> vector<512x128xi32>
    %sub3A_2015 = arith.constant 0x4B400000 : f32
    %sub3A_2016 = vector.broadcast %sub3A_2015 : f32 to vector<512x128xf32>
    %sub3A_2017 = arith.subf %add3A_2013, %sub3A_2016 : vector<512x128xf32>
    %mul3A_2018 = arith.constant 1.5703125 : f32
    %mul3A_2019 = vector.broadcast %mul3A_2018 : f32 to vector<512x128xf32>
    %mul3A_2020 = arith.mulf %sub3A_2017, %mul3A_2019 : vector<512x128xf32>
    %sub3A_2021 = arith.subf %add3A_2007, %mul3A_2020 : vector<512x128xf32>
    %mul3A_2022 = arith.constant 4.83826792E-4 : f32
    %mul3A_2023 = vector.broadcast %mul3A_2022 : f32 to vector<512x128xf32>
    %mul3A_2024 = arith.mulf %sub3A_2017, %mul3A_2023 : vector<512x128xf32>
    %sub3A_2025 = arith.subf %sub3A_2021, %mul3A_2024 : vector<512x128xf32>
    %mul3A_2026 = arith.mulf %sub3A_2025, %sub3A_2025 : vector<512x128xf32>
    %mul3A_2027 = arith.constant -1.98412701E-4 : f32
    %mul3A_2028 = vector.broadcast %mul3A_2027 : f32 to vector<512x128xf32>
    %mul3A_2029 = arith.mulf %mul3A_2026, %mul3A_2028 : vector<512x128xf32>
    %add3A_2030 = arith.constant 0.00833333284 : f32
    %add3A_2031 = vector.broadcast %add3A_2030 : f32 to vector<512x128xf32>
    %add3A_2032 = arith.addf %add3A_2031, %mul3A_2029 : vector<512x128xf32>
    %mul3A_2033 = arith.mulf %mul3A_2026, %add3A_2032 : vector<512x128xf32>
    %add3A_2034 = arith.constant -0.166666672 : f32
    %add3A_2035 = vector.broadcast %add3A_2034 : f32 to vector<512x128xf32>
    %add3A_2036 = arith.addf %add3A_2035, %mul3A_2033 : vector<512x128xf32>
    %mul3A_2037 = arith.mulf %mul3A_2026, %add3A_2036 : vector<512x128xf32>
    %add3A_2038 = arith.constant 1.000000e+00 : f32
    %add3A_2039 = vector.broadcast %add3A_2038 : f32 to vector<512x128xf32>
    %add3A_2040 = arith.addf %add3A_2039, %mul3A_2037 : vector<512x128xf32>
    %mul3A_2041 = arith.mulf %sub3A_2025, %add3A_2040 : vector<512x128xf32>
    %mul3A_2042 = arith.constant 2.48015876E-5 : f32
    %mul3A_2043 = vector.broadcast %mul3A_2042 : f32 to vector<512x128xf32>
    %mul3A_2044 = arith.mulf %mul3A_2026, %mul3A_2043 : vector<512x128xf32>
    %add3A_2045 = arith.constant -0.00138888892 : f32
    %add3A_2046 = vector.broadcast %add3A_2045 : f32 to vector<512x128xf32>
    %add3A_2047 = arith.addf %add3A_2046, %mul3A_2044 : vector<512x128xf32>
    %mul3A_2048 = arith.mulf %mul3A_2026, %add3A_2047 : vector<512x128xf32>
    %add3A_2049 = arith.constant 0.0416666679 : f32
    %add3A_2050 = vector.broadcast %add3A_2049 : f32 to vector<512x128xf32>
    %add3A_2051 = arith.addf %add3A_2050, %mul3A_2048 : vector<512x128xf32>
    %mul3A_2052 = arith.mulf %mul3A_2026, %add3A_2051 : vector<512x128xf32>
    %add3A_2053 = arith.constant -5.000000e-01 : f32
    %add3A_2054 = vector.broadcast %add3A_2053 : f32 to vector<512x128xf32>
    %add3A_2055 = arith.addf %add3A_2054, %mul3A_2052 : vector<512x128xf32>
    %mul3A_2056 = arith.mulf %mul3A_2026, %add3A_2055 : vector<512x128xf32>
    %add3A_2057 = arith.constant 1.000000e+00 : f32
    %add3A_2058 = vector.broadcast %add3A_2057 : f32 to vector<512x128xf32>
    %add3A_2059 = arith.addf %add3A_2058, %mul3A_2056 : vector<512x128xf32>
    %and3A_2060 = arith.constant 1 : i32
    %and3A_2061 = vector.broadcast %and3A_2060 : i32 to vector<512x128xi32>
    %and3A_2062 = arith.andi %bitcast_convert_type3A_2014, %and3A_2061 : vector<512x128xi32>
    %eq3A_2063 = arith.constant 0 : i32
    %eq3A_2064 = vector.broadcast %eq3A_2063 : i32 to vector<512x128xi32>
    %eq3A_2065 = arith.cmpi eq, %and3A_2062, %eq3A_2064 : vector<512x128xi32>
    %select_n3A_2066 = arith.select %eq3A_2065, %mul3A_2041, %add3A_2059 : vector<512x128xi1>, vector<512x128xf32>
    %and3A_2067 = arith.constant 2 : i32
    %and3A_2068 = vector.broadcast %and3A_2067 : i32 to vector<512x128xi32>
    %and3A_2069 = arith.andi %bitcast_convert_type3A_2014, %and3A_2068 : vector<512x128xi32>
    %shift_left3A_2070 = arith.constant 30 : i32
    %shift_left3A_2071 = vector.broadcast %shift_left3A_2070 : i32 to vector<512x128xi32>
    %shift_left3A_2072 = arith.shli %and3A_2069, %shift_left3A_2071 : vector<512x128xi32>
    %bitcast_convert_type3A_2073 = tpu.bitcast %select_n3A_2066 : vector<512x128xf32> -> vector<512x128xi32>
    %xor3A_2074 = arith.xori %bitcast_convert_type3A_2073, %shift_left3A_2072 : vector<512x128xi32>
    %bitcast_convert_type3A_2075 = tpu.bitcast %xor3A_2074 : vector<512x128xi32> -> vector<512x128xf32>
    %broadcast_in_dim3A_2076 = vector.shape_cast %eq3A_1 : vector<1x128xi1> to vector<1x128xi1>
    %broadcast_in_dim3A_2077 = vector.broadcast %broadcast_in_dim3A_2076 : vector<1x128xi1> to vector<512x128xi1>
    %select_n3A_2078 = arith.select %broadcast_in_dim3A_2077, %add3A_2007, %bitcast_convert_type3A_2075 : vector<512x128xi1>, vector<512x128xf32>
    %swap3A_2079 = arith.constant 3072 : index
    %swap3A_2080 = arith.constant 256 : index
    %swap3A_2081 = vector.load %arg12[%swap3A_2079, %swap3A_2080] : memref<4096x512xf32, #tpu.memory_space<vmem>>, vector<512x128xf32>
    tpu.vector_store %arg12[%swap3A_2079, %swap3A_2080], %select_n3A_2078 {strides = array<i32>} : memref<4096x512xf32, #tpu.memory_space<vmem>>, vector<512x128xf32>,
    %get3A_2082 = arith.constant 7 : index
    %get3A_2083 = arith.constant 0 : index
    %get3A_2084 = vector.load %arg1[%get3A_2082, %get3A_2083] : memref<8x512xf32, #tpu.memory_space<vmem>>, vector<1x512xf32>
    %convert_element_type3A_2085 = arith.truncf %get3A_2084 : vector<1x512xf32> to vector<1x512xbf16>
    %convert_element_type3A_2086 = arith.extf %convert_element_type3A_2085 : vector<1x512xbf16> to vector<1x512xf32>
    %get3A_2087 = arith.constant 7 : index
    %get3A_2088 = arith.constant 0 : index
    %get3A_2089 = vector.load %arg2[%get3A_2087, %get3A_2088] : memref<8x512xf32, #tpu.memory_space<vmem>>, vector<1x512xf32>
    %convert_element_type3A_2090 = arith.truncf %get3A_2089 : vector<1x512xf32> to vector<1x512xbf16>
    %convert_element_type3A_2091 = arith.extf %convert_element_type3A_2090 : vector<1x512xbf16> to vector<1x512xf32>
    %get3A_2092 = arith.constant 0 : index
    %get3A_2093 = arith.constant 0 : index
    %get3A_2094 = vector.load %arg5[%get3A_2092, %get3A_2093] : memref<63x2xf32, #tpu.memory_space<vmem>>, vector<63x1xf32>
    %mul3A_2095 = vector.broadcast %get3A_2094 : vector<63x1xf32> to vector<63x512xf32>
    %mul3A_2096 = vector.broadcast %convert_element_type3A_2086 : vector<1x512xf32> to vector<63x512xf32>
    %mul3A_2097 = arith.mulf %mul3A_2095, %mul3A_2096 : vector<63x512xf32>
    %get3A_2098 = arith.constant 0 : index
    %get3A_2099 = arith.constant 1 : index
    %get3A_2100 = vector.load %arg5[%get3A_2098, %get3A_2099] : memref<63x2xf32, #tpu.memory_space<vmem>>, vector<63x1xf32>
    %mul3A_2101 = vector.broadcast %get3A_2100 : vector<63x1xf32> to vector<63x512xf32>
    %mul3A_2102 = vector.broadcast %convert_element_type3A_2091 : vector<1x512xf32> to vector<63x512xf32>
    %mul3A_2103 = arith.mulf %mul3A_2101, %mul3A_2102 : vector<63x512xf32>
    %add3A_2104 = arith.addf %mul3A_2097, %mul3A_2103 : vector<63x512xf32>
    %mul3A_2105 = arith.constant 0.636619746 : f32
    %mul3A_2106 = vector.broadcast %mul3A_2105 : f32 to vector<63x512xf32>
    %mul3A_2107 = arith.mulf %add3A_2104, %mul3A_2106 : vector<63x512xf32>
    %add3A_2108 = arith.constant 0x4B400000 : f32
    %add3A_2109 = vector.broadcast %add3A_2108 : f32 to vector<63x512xf32>
    %add3A_2110 = arith.addf %mul3A_2107, %add3A_2109 : vector<63x512xf32>
    %bitcast_convert_type3A_2111 = tpu.bitcast %add3A_2110 : vector<63x512xf32> -> vector<63x512xi32>
    %sub3A_2112 = arith.constant 0x4B400000 : f32
    %sub3A_2113 = vector.broadcast %sub3A_2112 : f32 to vector<63x512xf32>
    %sub3A_2114 = arith.subf %add3A_2110, %sub3A_2113 : vector<63x512xf32>
    %mul3A_2115 = arith.constant 1.5703125 : f32
    %mul3A_2116 = vector.broadcast %mul3A_2115 : f32 to vector<63x512xf32>
    %mul3A_2117 = arith.mulf %sub3A_2114, %mul3A_2116 : vector<63x512xf32>
    %sub3A_2118 = arith.subf %add3A_2104, %mul3A_2117 : vector<63x512xf32>
    %mul3A_2119 = arith.constant 4.83826792E-4 : f32
    %mul3A_2120 = vector.broadcast %mul3A_2119 : f32 to vector<63x512xf32>
    %mul3A_2121 = arith.mulf %sub3A_2114, %mul3A_2120 : vector<63x512xf32>
    %sub3A_2122 = arith.subf %sub3A_2118, %mul3A_2121 : vector<63x512xf32>
    %mul3A_2123 = arith.mulf %sub3A_2122, %sub3A_2122 : vector<63x512xf32>
    %mul3A_2124 = arith.constant -1.98412701E-4 : f32
    %mul3A_2125 = vector.broadcast %mul3A_2124 : f32 to vector<63x512xf32>
    %mul3A_2126 = arith.mulf %mul3A_2123, %mul3A_2125 : vector<63x512xf32>
    %add3A_2127 = arith.constant 0.00833333284 : f32
    %add3A_2128 = vector.broadcast %add3A_2127 : f32 to vector<63x512xf32>
    %add3A_2129 = arith.addf %add3A_2128, %mul3A_2126 : vector<63x512xf32>
    %mul3A_2130 = arith.mulf %mul3A_2123, %add3A_2129 : vector<63x512xf32>
    %add3A_2131 = arith.constant -0.166666672 : f32
    %add3A_2132 = vector.broadcast %add3A_2131 : f32 to vector<63x512xf32>
    %add3A_2133 = arith.addf %add3A_2132, %mul3A_2130 : vector<63x512xf32>
    %mul3A_2134 = arith.mulf %mul3A_2123, %add3A_2133 : vector<63x512xf32>
    %add3A_2135 = arith.constant 1.000000e+00 : f32
    %add3A_2136 = vector.broadcast %add3A_2135 : f32 to vector<63x512xf32>
    %add3A_2137 = arith.addf %add3A_2136, %mul3A_2134 : vector<63x512xf32>
    %mul3A_2138 = arith.mulf %sub3A_2122, %add3A_2137 : vector<63x512xf32>
    %mul3A_2139 = arith.constant 2.48015876E-5 : f32
    %mul3A_2140 = vector.broadcast %mul3A_2139 : f32 to vector<63x512xf32>
    %mul3A_2141 = arith.mulf %mul3A_2123, %mul3A_2140 : vector<63x512xf32>
    %add3A_2142 = arith.constant -0.00138888892 : f32
    %add3A_2143 = vector.broadcast %add3A_2142 : f32 to vector<63x512xf32>
    %add3A_2144 = arith.addf %add3A_2143, %mul3A_2141 : vector<63x512xf32>
    %mul3A_2145 = arith.mulf %mul3A_2123, %add3A_2144 : vector<63x512xf32>
    %add3A_2146 = arith.constant 0.0416666679 : f32
    %add3A_2147 = vector.broadcast %add3A_2146 : f32 to vector<63x512xf32>
    %add3A_2148 = arith.addf %add3A_2147, %mul3A_2145 : vector<63x512xf32>
    %mul3A_2149 = arith.mulf %mul3A_2123, %add3A_2148 : vector<63x512xf32>
    %add3A_2150 = arith.constant -5.000000e-01 : f32
    %add3A_2151 = vector.broadcast %add3A_2150 : f32 to vector<63x512xf32>
    %add3A_2152 = arith.addf %add3A_2151, %mul3A_2149 : vector<63x512xf32>
    %mul3A_2153 = arith.mulf %mul3A_2123, %add3A_2152 : vector<63x512xf32>
    %add3A_2154 = arith.constant 1.000000e+00 : f32
    %add3A_2155 = vector.broadcast %add3A_2154 : f32 to vector<63x512xf32>
    %add3A_2156 = arith.addf %add3A_2155, %mul3A_2153 : vector<63x512xf32>
    %and3A_2157 = arith.constant 1 : i32
    %and3A_2158 = vector.broadcast %and3A_2157 : i32 to vector<63x512xi32>
    %and3A_2159 = arith.andi %bitcast_convert_type3A_2111, %and3A_2158 : vector<63x512xi32>
    %eq3A_2160 = arith.constant 0 : i32
    %eq3A_2161 = vector.broadcast %eq3A_2160 : i32 to vector<63x512xi32>
    %eq3A_2162 = arith.cmpi eq, %and3A_2159, %eq3A_2161 : vector<63x512xi32>
    %select_n3A_2163 = arith.select %eq3A_2162, %mul3A_2138, %add3A_2156 : vector<63x512xi1>, vector<63x512xf32>
    %and3A_2164 = arith.constant 2 : i32
    %and3A_2165 = vector.broadcast %and3A_2164 : i32 to vector<63x512xi32>
    %and3A_2166 = arith.andi %bitcast_convert_type3A_2111, %and3A_2165 : vector<63x512xi32>
    %shift_left3A_2167 = arith.constant 30 : i32
    %shift_left3A_2168 = vector.broadcast %shift_left3A_2167 : i32 to vector<63x512xi32>
    %shift_left3A_2169 = arith.shli %and3A_2166, %shift_left3A_2168 : vector<63x512xi32>
    %bitcast_convert_type3A_2170 = tpu.bitcast %select_n3A_2163 : vector<63x512xf32> -> vector<63x512xi32>
    %xor3A_2171 = arith.xori %bitcast_convert_type3A_2170, %shift_left3A_2169 : vector<63x512xi32>
    %bitcast_convert_type3A_2172 = tpu.bitcast %xor3A_2171 : vector<63x512xi32> -> vector<63x512xf32>
    %select_n3A_2173 = arith.select %eq3A_2162, %add3A_2156, %mul3A_2138 : vector<63x512xi1>, vector<63x512xf32>
    %add3A_2174 = arith.constant 1 : i32
    %add3A_2175 = vector.broadcast %add3A_2174 : i32 to vector<63x512xi32>
    %add3A_2176 = arith.addi %bitcast_convert_type3A_2111, %add3A_2175 : vector<63x512xi32>
    %and3A_2177 = arith.constant 2 : i32
    %and3A_2178 = vector.broadcast %and3A_2177 : i32 to vector<63x512xi32>
    %and3A_2179 = arith.andi %add3A_2176, %and3A_2178 : vector<63x512xi32>
    %shift_left3A_2180 = arith.constant 30 : i32
    %shift_left3A_2181 = vector.broadcast %shift_left3A_2180 : i32 to vector<63x512xi32>
    %shift_left3A_2182 = arith.shli %and3A_2179, %shift_left3A_2181 : vector<63x512xi32>
    %bitcast_convert_type3A_2183 = tpu.bitcast %select_n3A_2173 : vector<63x512xf32> -> vector<63x512xi32>
    %xor3A_2184 = arith.xori %bitcast_convert_type3A_2183, %shift_left3A_2182 : vector<63x512xi32>
    %bitcast_convert_type3A_2185 = tpu.bitcast %xor3A_2184 : vector<63x512xi32> -> vector<63x512xf32>
    %convert_element_type3A_2186 = arith.truncf %bitcast_convert_type3A_2172 : vector<63x512xf32> to vector<63x512xbf16>
    %get3A_2187 = arith.constant 0 : index
    %get3A_2188 = arith.constant 0 : index
    %get3A_2189 = vector.load %arg6[%get3A_2187, %get3A_2188] : memref<63x128xbf16, #tpu.memory_space<vmem>>, vector<63x128xbf16>
    %dot_general3A_2190 = arith.constant dense<0.000000e+00> : vector<512x128xf32>
    %dot_general3A_2191 = tpu.matmul %convert_element_type3A_2186, %get3A_2189, %dot_general3A_2190 {dimension_numbers = #tpu.dot_dimension_numbers<[0], [0], [1], [1], [0, 1, 1, 1], [], []>, transpose_lhs_hint = false} : vector<63x512xbf16>, vector<63x128xbf16>, vector<512x128xf32> -> vector<512x128xf32>
    %convert_element_type3A_2192 = arith.truncf %bitcast_convert_type3A_2185 : vector<63x512xf32> to vector<63x512xbf16>
    %get3A_2193 = arith.constant 0 : index
    %get3A_2194 = arith.constant 0 : index
    %get3A_2195 = vector.load %arg7[%get3A_2193, %get3A_2194] : memref<63x128xbf16, #tpu.memory_space<vmem>>, vector<63x128xbf16>
    %dot_general3A_2196 = arith.constant dense<0.000000e+00> : vector<512x128xf32>
    %dot_general3A_2197 = tpu.matmul %convert_element_type3A_2192, %get3A_2195, %dot_general3A_2196 {dimension_numbers = #tpu.dot_dimension_numbers<[0], [0], [1], [1], [0, 1, 1, 1], [], []>, transpose_lhs_hint = false} : vector<63x512xbf16>, vector<63x128xbf16>, vector<512x128xf32> -> vector<512x128xf32>
    %add3A_2198 = arith.addf %dot_general3A_2191, %dot_general3A_2197 : vector<512x128xf32>
    %get3A_2199 = arith.constant 0 : index
    %get3A_2200 = arith.constant 0 : index
    %get3A_2201 = vector.load %arg8[%get3A_2199, %get3A_2200] : memref<1x128xf32, #tpu.memory_space<vmem>>, vector<1x128xf32>
    %add3A_2202 = vector.broadcast %get3A_2201 : vector<1x128xf32> to vector<512x128xf32>
    %add3A_2203 = arith.addf %add3A_2198, %add3A_2202 : vector<512x128xf32>
    %swap3A_2204 = arith.constant 3584 : index
    %swap3A_2205 = arith.constant 0 : index
    %swap3A_2206 = vector.load %arg12[%swap3A_2204, %swap3A_2205] : memref<4096x512xf32, #tpu.memory_space<vmem>>, vector<512x128xf32>
    tpu.vector_store %arg12[%swap3A_2204, %swap3A_2205], %add3A_2203 {strides = array<i32>} : memref<4096x512xf32, #tpu.memory_space<vmem>>, vector<512x128xf32>,
    %get3A_2207 = arith.constant 7 : index
    %get3A_2208 = arith.constant 0 : index
    %get3A_2209 = vector.load %arg3[%get3A_2207, %get3A_2208] : memref<8x512xf32, #tpu.memory_space<vmem>>, vector<1x512xf32>
    %get3A_2210 = arith.constant 0 : index
    %get3A_2211 = arith.constant 0 : index
    %get3A_2212 = vector.load %arg9[%get3A_2210, %get3A_2211] : memref<1x128xf32, #tpu.memory_space<vmem>>, vector<1x128xf32>
    %dot_general3A_2213 = arith.constant dense<0.000000e+00> : vector<512x128xf32>
    %dot_general3A_2214 = tpu.matmul %get3A_2209, %get3A_2212, %dot_general3A_2213 {dimension_numbers = #tpu.dot_dimension_numbers<[0], [0], [1], [1], [0, 1, 1, 1], [], []>, precision = #tpu.contract_precision<fp32>, transpose_lhs_hint = false} : vector<1x512xf32>, vector<1x128xf32>, vector<512x128xf32> -> vector<512x128xf32>
    %get3A_2215 = arith.constant 0 : index
    %get3A_2216 = arith.constant 0 : index
    %get3A_2217 = vector.load %arg10[%get3A_2215, %get3A_2216] : memref<1x128xf32, #tpu.memory_space<vmem>>, vector<1x128xf32>
    %add3A_2218 = vector.broadcast %get3A_2217 : vector<1x128xf32> to vector<512x128xf32>
    %add3A_2219 = arith.addf %dot_general3A_2214, %add3A_2218 : vector<512x128xf32>
    %mul3A_2220 = arith.constant 0.636619746 : f32
    %mul3A_2221 = vector.broadcast %mul3A_2220 : f32 to vector<512x128xf32>
    %mul3A_2222 = arith.mulf %add3A_2219, %mul3A_2221 : vector<512x128xf32>
    %add3A_2223 = arith.constant 0x4B400000 : f32
    %add3A_2224 = vector.broadcast %add3A_2223 : f32 to vector<512x128xf32>
    %add3A_2225 = arith.addf %mul3A_2222, %add3A_2224 : vector<512x128xf32>
    %bitcast_convert_type3A_2226 = tpu.bitcast %add3A_2225 : vector<512x128xf32> -> vector<512x128xi32>
    %sub3A_2227 = arith.constant 0x4B400000 : f32
    %sub3A_2228 = vector.broadcast %sub3A_2227 : f32 to vector<512x128xf32>
    %sub3A_2229 = arith.subf %add3A_2225, %sub3A_2228 : vector<512x128xf32>
    %mul3A_2230 = arith.constant 1.5703125 : f32
    %mul3A_2231 = vector.broadcast %mul3A_2230 : f32 to vector<512x128xf32>
    %mul3A_2232 = arith.mulf %sub3A_2229, %mul3A_2231 : vector<512x128xf32>
    %sub3A_2233 = arith.subf %add3A_2219, %mul3A_2232 : vector<512x128xf32>
    %mul3A_2234 = arith.constant 4.83826792E-4 : f32
    %mul3A_2235 = vector.broadcast %mul3A_2234 : f32 to vector<512x128xf32>
    %mul3A_2236 = arith.mulf %sub3A_2229, %mul3A_2235 : vector<512x128xf32>
    %sub3A_2237 = arith.subf %sub3A_2233, %mul3A_2236 : vector<512x128xf32>
    %mul3A_2238 = arith.mulf %sub3A_2237, %sub3A_2237 : vector<512x128xf32>
    %mul3A_2239 = arith.constant -1.98412701E-4 : f32
    %mul3A_2240 = vector.broadcast %mul3A_2239 : f32 to vector<512x128xf32>
    %mul3A_2241 = arith.mulf %mul3A_2238, %mul3A_2240 : vector<512x128xf32>
    %add3A_2242 = arith.constant 0.00833333284 : f32
    %add3A_2243 = vector.broadcast %add3A_2242 : f32 to vector<512x128xf32>
    %add3A_2244 = arith.addf %add3A_2243, %mul3A_2241 : vector<512x128xf32>
    %mul3A_2245 = arith.mulf %mul3A_2238, %add3A_2244 : vector<512x128xf32>
    %add3A_2246 = arith.constant -0.166666672 : f32
    %add3A_2247 = vector.broadcast %add3A_2246 : f32 to vector<512x128xf32>
    %add3A_2248 = arith.addf %add3A_2247, %mul3A_2245 : vector<512x128xf32>
    %mul3A_2249 = arith.mulf %mul3A_2238, %add3A_2248 : vector<512x128xf32>
    %add3A_2250 = arith.constant 1.000000e+00 : f32
    %add3A_2251 = vector.broadcast %add3A_2250 : f32 to vector<512x128xf32>
    %add3A_2252 = arith.addf %add3A_2251, %mul3A_2249 : vector<512x128xf32>
    %mul3A_2253 = arith.mulf %sub3A_2237, %add3A_2252 : vector<512x128xf32>
    %mul3A_2254 = arith.constant 2.48015876E-5 : f32
    %mul3A_2255 = vector.broadcast %mul3A_2254 : f32 to vector<512x128xf32>
    %mul3A_2256 = arith.mulf %mul3A_2238, %mul3A_2255 : vector<512x128xf32>
    %add3A_2257 = arith.constant -0.00138888892 : f32
    %add3A_2258 = vector.broadcast %add3A_2257 : f32 to vector<512x128xf32>
    %add3A_2259 = arith.addf %add3A_2258, %mul3A_2256 : vector<512x128xf32>
    %mul3A_2260 = arith.mulf %mul3A_2238, %add3A_2259 : vector<512x128xf32>
    %add3A_2261 = arith.constant 0.0416666679 : f32
    %add3A_2262 = vector.broadcast %add3A_2261 : f32 to vector<512x128xf32>
    %add3A_2263 = arith.addf %add3A_2262, %mul3A_2260 : vector<512x128xf32>
    %mul3A_2264 = arith.mulf %mul3A_2238, %add3A_2263 : vector<512x128xf32>
    %add3A_2265 = arith.constant -5.000000e-01 : f32
    %add3A_2266 = vector.broadcast %add3A_2265 : f32 to vector<512x128xf32>
    %add3A_2267 = arith.addf %add3A_2266, %mul3A_2264 : vector<512x128xf32>
    %mul3A_2268 = arith.mulf %mul3A_2238, %add3A_2267 : vector<512x128xf32>
    %add3A_2269 = arith.constant 1.000000e+00 : f32
    %add3A_2270 = vector.broadcast %add3A_2269 : f32 to vector<512x128xf32>
    %add3A_2271 = arith.addf %add3A_2270, %mul3A_2268 : vector<512x128xf32>
    %and3A_2272 = arith.constant 1 : i32
    %and3A_2273 = vector.broadcast %and3A_2272 : i32 to vector<512x128xi32>
    %and3A_2274 = arith.andi %bitcast_convert_type3A_2226, %and3A_2273 : vector<512x128xi32>
    %eq3A_2275 = arith.constant 0 : i32
    %eq3A_2276 = vector.broadcast %eq3A_2275 : i32 to vector<512x128xi32>
    %eq3A_2277 = arith.cmpi eq, %and3A_2274, %eq3A_2276 : vector<512x128xi32>
    %select_n3A_2278 = arith.select %eq3A_2277, %mul3A_2253, %add3A_2271 : vector<512x128xi1>, vector<512x128xf32>
    %and3A_2279 = arith.constant 2 : i32
    %and3A_2280 = vector.broadcast %and3A_2279 : i32 to vector<512x128xi32>
    %and3A_2281 = arith.andi %bitcast_convert_type3A_2226, %and3A_2280 : vector<512x128xi32>
    %shift_left3A_2282 = arith.constant 30 : i32
    %shift_left3A_2283 = vector.broadcast %shift_left3A_2282 : i32 to vector<512x128xi32>
    %shift_left3A_2284 = arith.shli %and3A_2281, %shift_left3A_2283 : vector<512x128xi32>
    %bitcast_convert_type3A_2285 = tpu.bitcast %select_n3A_2278 : vector<512x128xf32> -> vector<512x128xi32>
    %xor3A_2286 = arith.xori %bitcast_convert_type3A_2285, %shift_left3A_2284 : vector<512x128xi32>
    %bitcast_convert_type3A_2287 = tpu.bitcast %xor3A_2286 : vector<512x128xi32> -> vector<512x128xf32>
    %broadcast_in_dim3A_2288 = vector.shape_cast %eq3A_1 : vector<1x128xi1> to vector<1x128xi1>
    %broadcast_in_dim3A_2289 = vector.broadcast %broadcast_in_dim3A_2288 : vector<1x128xi1> to vector<512x128xi1>
    %select_n3A_2290 = arith.select %broadcast_in_dim3A_2289, %add3A_2219, %bitcast_convert_type3A_2287 : vector<512x128xi1>, vector<512x128xf32>
    %swap3A_2291 = arith.constant 3584 : index
    %swap3A_2292 = arith.constant 128 : index
    %swap3A_2293 = vector.load %arg12[%swap3A_2291, %swap3A_2292] : memref<4096x512xf32, #tpu.memory_space<vmem>>, vector<512x128xf32>
    tpu.vector_store %arg12[%swap3A_2291, %swap3A_2292], %select_n3A_2290 {strides = array<i32>} : memref<4096x512xf32, #tpu.memory_space<vmem>>, vector<512x128xf32>,
    %get3A_2294 = arith.constant 7 : index
    %get3A_2295 = arith.constant 0 : index
    %get3A_2296 = vector.load %arg4[%get3A_2294, %get3A_2295] : memref<8x512xf32, #tpu.memory_space<vmem>>, vector<1x512xf32>
    %get3A_2297 = arith.constant 0 : index
    %get3A_2298 = arith.constant 0 : index
    %get3A_2299 = vector.load %arg9[%get3A_2297, %get3A_2298] : memref<1x128xf32, #tpu.memory_space<vmem>>, vector<1x128xf32>
    %dot_general3A_2300 = arith.constant dense<0.000000e+00> : vector<512x128xf32>
    %dot_general3A_2301 = tpu.matmul %get3A_2296, %get3A_2299, %dot_general3A_2300 {dimension_numbers = #tpu.dot_dimension_numbers<[0], [0], [1], [1], [0, 1, 1, 1], [], []>, precision = #tpu.contract_precision<fp32>, transpose_lhs_hint = false} : vector<1x512xf32>, vector<1x128xf32>, vector<512x128xf32> -> vector<512x128xf32>
    %get3A_2302 = arith.constant 0 : index
    %get3A_2303 = arith.constant 0 : index
    %get3A_2304 = vector.load %arg10[%get3A_2302, %get3A_2303] : memref<1x128xf32, #tpu.memory_space<vmem>>, vector<1x128xf32>
    %add3A_2305 = vector.broadcast %get3A_2304 : vector<1x128xf32> to vector<512x128xf32>
    %add3A_2306 = arith.addf %dot_general3A_2301, %add3A_2305 : vector<512x128xf32>
    %mul3A_2307 = arith.constant 0.636619746 : f32
    %mul3A_2308 = vector.broadcast %mul3A_2307 : f32 to vector<512x128xf32>
    %mul3A_2309 = arith.mulf %add3A_2306, %mul3A_2308 : vector<512x128xf32>
    %add3A_2310 = arith.constant 0x4B400000 : f32
    %add3A_2311 = vector.broadcast %add3A_2310 : f32 to vector<512x128xf32>
    %add3A_2312 = arith.addf %mul3A_2309, %add3A_2311 : vector<512x128xf32>
    %bitcast_convert_type3A_2313 = tpu.bitcast %add3A_2312 : vector<512x128xf32> -> vector<512x128xi32>
    %sub3A_2314 = arith.constant 0x4B400000 : f32
    %sub3A_2315 = vector.broadcast %sub3A_2314 : f32 to vector<512x128xf32>
    %sub3A_2316 = arith.subf %add3A_2312, %sub3A_2315 : vector<512x128xf32>
    %mul3A_2317 = arith.constant 1.5703125 : f32
    %mul3A_2318 = vector.broadcast %mul3A_2317 : f32 to vector<512x128xf32>
    %mul3A_2319 = arith.mulf %sub3A_2316, %mul3A_2318 : vector<512x128xf32>
    %sub3A_2320 = arith.subf %add3A_2306, %mul3A_2319 : vector<512x128xf32>
    %mul3A_2321 = arith.constant 4.83826792E-4 : f32
    %mul3A_2322 = vector.broadcast %mul3A_2321 : f32 to vector<512x128xf32>
    %mul3A_2323 = arith.mulf %sub3A_2316, %mul3A_2322 : vector<512x128xf32>
    %sub3A_2324 = arith.subf %sub3A_2320, %mul3A_2323 : vector<512x128xf32>
    %mul3A_2325 = arith.mulf %sub3A_2324, %sub3A_2324 : vector<512x128xf32>
    %mul3A_2326 = arith.constant -1.98412701E-4 : f32
    %mul3A_2327 = vector.broadcast %mul3A_2326 : f32 to vector<512x128xf32>
    %mul3A_2328 = arith.mulf %mul3A_2325, %mul3A_2327 : vector<512x128xf32>
    %add3A_2329 = arith.constant 0.00833333284 : f32
    %add3A_2330 = vector.broadcast %add3A_2329 : f32 to vector<512x128xf32>
    %add3A_2331 = arith.addf %add3A_2330, %mul3A_2328 : vector<512x128xf32>
    %mul3A_2332 = arith.mulf %mul3A_2325, %add3A_2331 : vector<512x128xf32>
    %add3A_2333 = arith.constant -0.166666672 : f32
    %add3A_2334 = vector.broadcast %add3A_2333 : f32 to vector<512x128xf32>
    %add3A_2335 = arith.addf %add3A_2334, %mul3A_2332 : vector<512x128xf32>
    %mul3A_2336 = arith.mulf %mul3A_2325, %add3A_2335 : vector<512x128xf32>
    %add3A_2337 = arith.constant 1.000000e+00 : f32
    %add3A_2338 = vector.broadcast %add3A_2337 : f32 to vector<512x128xf32>
    %add3A_2339 = arith.addf %add3A_2338, %mul3A_2336 : vector<512x128xf32>
    %mul3A_2340 = arith.mulf %sub3A_2324, %add3A_2339 : vector<512x128xf32>
    %mul3A_2341 = arith.constant 2.48015876E-5 : f32
    %mul3A_2342 = vector.broadcast %mul3A_2341 : f32 to vector<512x128xf32>
    %mul3A_2343 = arith.mulf %mul3A_2325, %mul3A_2342 : vector<512x128xf32>
    %add3A_2344 = arith.constant -0.00138888892 : f32
    %add3A_2345 = vector.broadcast %add3A_2344 : f32 to vector<512x128xf32>
    %add3A_2346 = arith.addf %add3A_2345, %mul3A_2343 : vector<512x128xf32>
    %mul3A_2347 = arith.mulf %mul3A_2325, %add3A_2346 : vector<512x128xf32>
    %add3A_2348 = arith.constant 0.0416666679 : f32
    %add3A_2349 = vector.broadcast %add3A_2348 : f32 to vector<512x128xf32>
    %add3A_2350 = arith.addf %add3A_2349, %mul3A_2347 : vector<512x128xf32>
    %mul3A_2351 = arith.mulf %mul3A_2325, %add3A_2350 : vector<512x128xf32>
    %add3A_2352 = arith.constant -5.000000e-01 : f32
    %add3A_2353 = vector.broadcast %add3A_2352 : f32 to vector<512x128xf32>
    %add3A_2354 = arith.addf %add3A_2353, %mul3A_2351 : vector<512x128xf32>
    %mul3A_2355 = arith.mulf %mul3A_2325, %add3A_2354 : vector<512x128xf32>
    %add3A_2356 = arith.constant 1.000000e+00 : f32
    %add3A_2357 = vector.broadcast %add3A_2356 : f32 to vector<512x128xf32>
    %add3A_2358 = arith.addf %add3A_2357, %mul3A_2355 : vector<512x128xf32>
    %and3A_2359 = arith.constant 1 : i32
    %and3A_2360 = vector.broadcast %and3A_2359 : i32 to vector<512x128xi32>
    %and3A_2361 = arith.andi %bitcast_convert_type3A_2313, %and3A_2360 : vector<512x128xi32>
    %eq3A_2362 = arith.constant 0 : i32
    %eq3A_2363 = vector.broadcast %eq3A_2362 : i32 to vector<512x128xi32>
    %eq3A_2364 = arith.cmpi eq, %and3A_2361, %eq3A_2363 : vector<512x128xi32>
    %select_n3A_2365 = arith.select %eq3A_2364, %mul3A_2340, %add3A_2358 : vector<512x128xi1>, vector<512x128xf32>
    %and3A_2366 = arith.constant 2 : i32
    %and3A_2367 = vector.broadcast %and3A_2366 : i32 to vector<512x128xi32>
    %and3A_2368 = arith.andi %bitcast_convert_type3A_2313, %and3A_2367 : vector<512x128xi32>
    %shift_left3A_2369 = arith.constant 30 : i32
    %shift_left3A_2370 = vector.broadcast %shift_left3A_2369 : i32 to vector<512x128xi32>
    %shift_left3A_2371 = arith.shli %and3A_2368, %shift_left3A_2370 : vector<512x128xi32>
    %bitcast_convert_type3A_2372 = tpu.bitcast %select_n3A_2365 : vector<512x128xf32> -> vector<512x128xi32>
    %xor3A_2373 = arith.xori %bitcast_convert_type3A_2372, %shift_left3A_2371 : vector<512x128xi32>
    %bitcast_convert_type3A_2374 = tpu.bitcast %xor3A_2373 : vector<512x128xi32> -> vector<512x128xf32>
    %broadcast_in_dim3A_2375 = vector.shape_cast %eq3A_1 : vector<1x128xi1> to vector<1x128xi1>
    %broadcast_in_dim3A_2376 = vector.broadcast %broadcast_in_dim3A_2375 : vector<1x128xi1> to vector<512x128xi1>
    %select_n3A_2377 = arith.select %broadcast_in_dim3A_2376, %add3A_2306, %bitcast_convert_type3A_2374 : vector<512x128xi1>, vector<512x128xf32>
    %swap3A_2378 = arith.constant 3584 : index
    %swap3A_2379 = arith.constant 256 : index
    %swap3A_2380 = vector.load %arg12[%swap3A_2378, %swap3A_2379] : memref<4096x512xf32, #tpu.memory_space<vmem>>, vector<512x128xf32>
    tpu.vector_store %arg12[%swap3A_2378, %swap3A_2379], %select_n3A_2377 {strides = array<i32>} : memref<4096x512xf32, #tpu.memory_space<vmem>>, vector<512x128xf32>,
    %get3A_2381 = arith.constant 0 : index
    %get3A_2382 = arith.constant 0 : index
    %get3A_2383 = vector.load %arg11[%get3A_2381, %get3A_2382] : memref<4096x128xf32, #tpu.memory_space<vmem>>, vector<4096x128xf32>
    %swap3A_2384 = arith.constant 0 : index
    %swap3A_2385 = arith.constant 384 : index
    %swap3A_2386 = vector.load %arg12[%swap3A_2384, %swap3A_2385] : memref<4096x512xf32, #tpu.memory_space<vmem>>, vector<4096x128xf32>
    tpu.vector_store %arg12[%swap3A_2384, %swap3A_2385], %get3A_2383 {strides = array<i32>} : memref<4096x512xf32, #tpu.memory_space<vmem>>, vector<4096x128xf32>,
    return
  }
  func.func @transform_0(%arg0: i32) -> (i32, i32) {
    %c0_i32 = arith.constant 0 : i32
    %c0_i32_0 = arith.constant 0 : i32
    return %arg0, %c0_i32 : i32, i32
  }
  func.func @transform_1(%arg0: i32) -> (i32, i32) {
    %c0_i32 = arith.constant 0 : i32
    %c0_i32_0 = arith.constant 0 : i32
    return %arg0, %c0_i32 : i32, i32
  }
  func.func @transform_2(%arg0: i32) -> (i32, i32) {
    %c0_i32 = arith.constant 0 : i32
    %c0_i32_0 = arith.constant 0 : i32
    return %arg0, %c0_i32 : i32, i32
  }
  func.func @transform_3(%arg0: i32) -> (i32, i32) {
    %c0_i32 = arith.constant 0 : i32
    %c0_i32_0 = arith.constant 0 : i32
    return %arg0, %c0_i32 : i32, i32
  }
  func.func @transform_4(%arg0: i32) -> (i32, i32) {
    %c0_i32 = arith.constant 0 : i32
    %c0_i32_0 = arith.constant 0 : i32
    %c0_i32_1 = arith.constant 0 : i32
    return %c0_i32, %c0_i32_0 : i32, i32
  }
  func.func @transform_5(%arg0: i32) -> (i32, i32) {
    %c0_i32 = arith.constant 0 : i32
    %c0_i32_0 = arith.constant 0 : i32
    %c0_i32_1 = arith.constant 0 : i32
    return %c0_i32, %c0_i32_0 : i32, i32
  }
  func.func @transform_6(%arg0: i32) -> (i32, i32) {
    %c0_i32 = arith.constant 0 : i32
    %c0_i32_0 = arith.constant 0 : i32
    %c0_i32_1 = arith.constant 0 : i32
    return %c0_i32, %c0_i32_0 : i32, i32
  }
  func.func @transform_7(%arg0: i32) -> (i32, i32) {
    %c0_i32 = arith.constant 0 : i32
    %c0_i32_0 = arith.constant 0 : i32
    %c0_i32_1 = arith.constant 0 : i32
    return %c0_i32, %c0_i32_0 : i32, i32
  }
  func.func @transform_8(%arg0: i32) -> (i32, i32) {
    %c0_i32 = arith.constant 0 : i32
    %c0_i32_0 = arith.constant 0 : i32
    %c0_i32_1 = arith.constant 0 : i32
    return %c0_i32, %c0_i32_0 : i32, i32
  }
  func.func @transform_9(%arg0: i32) -> (i32, i32) {
    %c0_i32 = arith.constant 0 : i32
    %c0_i32_0 = arith.constant 0 : i32
    %c0_i32_1 = arith.constant 0 : i32
    return %c0_i32, %c0_i32_0 : i32, i32
  }
  func.func @transform_10(%arg0: i32) -> (i32, i32) {
    %c0_i32 = arith.constant 0 : i32
    %c0_i32_0 = arith.constant 0 : i32
    return %arg0, %c0_i32 : i32, i32
  }
  func.func @transform_11(%arg0: i32) -> (i32, i32) {
    %c0_i32 = arith.constant 0 : i32
    %c0_i32_0 = arith.constant 0 : i32
    return %arg0, %c0_i32 : i32, i32
  }
}

</mosaic_0001>

<sc_bundles>
// kernel: kernel.4.cloned.1.call-start
scs
__scs_entry_jumppad:
0x0: {  	(pc) =	sbr.rel $0x88, $3  }
0x1: {  	(tag) =	ssettag $0x0;
	lr =	simm.s32 $0x1  }
0x2: {  	[smem:$0x3F95] =	sst lr;
	_ =	strace $0xD0000000  }
0x3: {  	_ = 	snop  }
0x4: {  	_ = 	snop  }
0x5: {  	_ = 	snop  }
0x6: {  	_ = 	snop  }
0x7: {  	_ = 	snop  }
__scs_overlays_trampoline_lowered:
0x8: {  	[smem:$0x3FA4] =	sst s0  }
0x9: {  	[smem:$0x3FA5] =	sst s1  }
0xa: {  	[smem:$0x3FA6] =	sst s2  }
0xb: {  	[smem:$0x3FA7] =	sst s3  }
0xc: {  	[smem:$0x3FA8] =	sst s4  }
0xd: {  	[smem:$0x3FA9] =	sst s5  }
0xe: {  	[smem:$0x3FAA] =	sst s6  }
0xf: {  	[smem:$0x3FAB] =	sst s7  }
0x10: {  	[smem:$0x3FAC] =	sst s8  }
0x11: {  	[smem:$0x3FAD] =	sst s9;
	s0 =	simm.s32 @!p0 $0x0  }
0x12: {  	s1 =	sld [smem:$0x3F93];
	s0 =	simm.s32 @p0 $0x1  }
0x13: {  	[smem:$0x3FAE] =	sst s0;
	s0 =	simm.s32 @!p1 $0x0  }
0x14: {  	s2 =	sld [smem:$0x3F92];
	s0 =	simm.s32 @p1 $0x1  }
0x15: {  	[smem:$0x3FAF] =	sst s0;
	s0 =	simm.s32 @!p2 $0x0  }
0x16: {  	s3 =	sld [smem:$0x3FDB];
	s0 =	simm.s32 @p2 $0x1  }
0x17: {  	s4 =	simm.s32 $0x1BF5;
	[smem:$0x3FB1] =	sst s0  }
0x18: {  	s0 =	sld [smem:$0x3F94];
	_ =	swait.ge [sflag:s4], $0x0  }
0x19: {  	s7 =	sld [smem:$0x3F95]  }
0x1a: {  	s8 =	sadd.s32 $0xFFFFE003, lr  }
0x1b: {  	s9 =	sadd.s32 $0xFFFFFEF7, lr;
	s5 =	simm.s32 $0xFFFFFFFF;
	p2 =	slt.u32 s8, $0xFFFFF086  }
0x1c: {  	p1 =	slt.u32 s9, $0xF7A;
	s5 =	simm.s32 @!p2 $0x0  }
0x1d: {  	s5 =	simm.s32 @p1 $0x1;
	p0 =	seq.s32 s7, s2  }
0x1e: {  	s7 =	smul.u32 @!p0 $0xF7A, s2;
	p2 =	seq.s32 @!p0 s5, $0x0  }
0x1f: {  	s9 =	smul.u32 $0xF7A, s1;
	s8 =	simm.s32 @!p0 $0x1BF5;
	p2 =	por !p2, p0  }
0x20: {  	[sflag:s8] =	ssyncset.s32 @!p0 $0xFFFFF086;
	s6 =	sadd.s32 @!p0 s3, s7;
	s7 =	simm.s32 @!p0 $0x108  }
0x21: {  	s3 =	sadd.s32 s3, s9;
	s6 =	sadd.s32 @!p0 $0x88, s6;
	s7 =	simm.s32 @p2 $0x1082  }
0x22: {  	[simem:s7], [sflag:s8] =	dma.local @!p0 [hbm:s6], $0xF7A  }
0x23: {  	s9 =	sor.u32 $0xD0000000, s2;
	s6 =	simm.s32 $0x108;
	_ =	swait.ge @!p0 [sflag:s8], $0x0  }
0x24: {  	s3 =	sadd.s32 $0x88, s3;
	s6 =	simm.s32 @!p1 $0x1082;
	[sflag:s4] =	ssyncset.s32 $0xFFFFF086  }
0x25: {  	[simem:s6], [sflag:s4] =	dma.local [hbm:s3], $0xF7A  }
0x26: {  	[smem:$0x3F95] =	sst s1;
	(tag) =	ssettag s2;
	_ =	strace s9  }
0x27: {  	s1 =	sld [smem:$0x3FA5]  }
0x28: {  	s2 =	sld [smem:$0x3FA6]  }
0x29: {  	s4 =	sld [smem:$0x3FA8]  }
0x2a: {  	p0 =	seq.s32 s5, $0x0;
	s5 =	sld [smem:$0x3FA9]  }
0x2b: {  	s6 =	sld [smem:$0x3FAA]  }
0x2c: {  	s7 =	sld [smem:$0x3FAB]  }
0x2d: {  	s3 =	simm.s32 $0x108;
	s8 =	sld [smem:$0x3FAC]  }
0x2e: {  	s3 =	simm.s32 @!p0 $0x1082;
	s9 =	sld [smem:$0x3FAD]  }
0x2f: {  	lr =	sadd.s32 s0, s3;
	s0 =	sld [smem:$0x3FA4]  }
0x30: {  	s3 =	sld [smem:$0x3FA7]  }
0x31: {  	[smem:$0x3FB0] =	sst s10  }
0x32: {  	s10 =	sld [smem:$0x3FAE];
	_ =	sdelay $0x3  }
0x33: {  	p0 =	seq.s32 s10, $0x1;
	s10 =	sld [smem:$0x3FB0];
	_ =	sdelay $0x3  }
0x34: {  	[smem:$0x3FB0] =	sst s10  }
0x35: {  	s10 =	sld [smem:$0x3FAF];
	_ =	sdelay $0x3  }
0x36: {  	p1 =	seq.s32 s10, $0x1;
	s10 =	sld [smem:$0x3FB0];
	_ =	sdelay $0x3  }
0x37: {  	[smem:$0x3FB0] =	sst s10  }
0x38: {  	s10 =	sld [smem:$0x3FB1]  }
0x39: {  	_ = 	snop;
	(pc) =	sbr.ind lr, $3  }
0x3a: {  	_ = 	snop  }
0x3b: {  	_ = 	snop  }
0x3c: {  	p2 =	seq.s32 s10, $0x1;
	s10 =	sld [smem:$0x3FB0]  }
0x3d: {  	_ =	shalt  }
0x3e: {  	_ =	shalt  }
0x3f: {  	_ =	shalt  }
0x40: {  	_ =	shalt  }
0x41: {  	_ =	shalt  }
0x42: {  	_ =	shalt  }
0x43: {  	_ =	shalt  }
0x44: {  	_ =	shalt  }
0x45: {  	_ =	shalt  }
0x46: {  	_ =	shalt  }
0x47: {  	_ =	shalt  }
0x48: {  	_ =	shalt  }
0x49: {  	_ =	shalt  }
0x4a: {  	_ =	shalt  }
0x4b: {  	_ =	shalt  }
0x4c: {  	_ =	shalt  }
0x4d: {  	_ =	shalt  }
0x4e: {  	_ =	shalt  }
0x4f: {  	_ =	shalt  }
0x50: {  	_ =	shalt  }
0x51: {  	_ =	shalt  }
0x52: {  	_ =	shalt  }
0x53: {  	_ =	shalt  }
0x54: {  	_ =	shalt  }
0x55: {  	_ =	shalt  }
0x56: {  	_ =	shalt  }
0x57: {  	_ =	shalt  }
0x58: {  	_ =	shalt  }
0x59: {  	_ =	shalt  }
0x5a: {  	_ =	shalt  }
0x5b: {  	_ =	shalt  }
0x5c: {  	_ =	shalt  }
0x5d: {  	_ =	shalt  }
0x5e: {  	_ =	shalt  }
0x5f: {  	_ =	shalt  }
0x60: {  	_ =	shalt  }
0x61: {  	_ =	shalt  }
0x62: {  	_ =	shalt  }
0x63: {  	_ =	shalt  }
0x64: {  	_ =	shalt  }
0x65: {  	_ =	shalt  }
0x66: {  	_ =	shalt  }
0x67: {  	_ =	shalt  }
0x68: {  	_ =	shalt  }
0x69: {  	_ =	shalt  }
0x6a: {  	_ =	shalt  }
0x6b: {  	_ =	shalt  }
0x6c: {  	_ =	shalt  }
0x6d: {  	_ =	shalt  }
0x6e: {  	_ =	shalt  }
0x6f: {  	_ =	shalt  }
0x70: {  	_ =	shalt  }
0x71: {  	_ =	shalt  }
0x72: {  	_ =	shalt  }
0x73: {  	_ =	shalt  }
0x74: {  	_ =	shalt  }
0x75: {  	_ =	shalt  }
0x76: {  	_ =	shalt  }
0x77: {  	_ =	shalt  }
0x78: {  	_ =	shalt  }
0x79: {  	_ =	shalt  }
0x7a: {  	_ =	shalt  }
0x7b: {  	_ =	shalt  }
0x7c: {  	_ =	shalt  }
0x7d: {  	_ =	shalt  }
0x7e: {  	_ =	shalt  }
0x7f: {  	_ =	shalt  }
0x80: {  	_ =	shalt  }
0x81: {  	_ =	shalt  }
0x82: {  	_ =	shalt  }
0x83: {  	_ =	shalt  }
0x84: {  	_ =	shalt  }
0x85: {  	_ =	shalt  }
0x86: {  	_ =	shalt  }
0x87: {  	_ =	shalt  }
.Lfunc_end0:
.L_simem_size_0:
called_computation_lowered:
.L_overlay_start_0:
0x88: {  	s2 =	sld [smem:$0x3FD9]  }
0x89: {  	s3 =	sld [smem:$0x3FFE];
	_ =	sdelay $0x1  }
0x8a: {  	s1 =	srdreg.scid  }
0x8b: {  	s0 =	sand.u32 $0x1, s1  }
0x8c: {  	s17 =	sshll.u32 s0, $0xA;
	s2 =	sadd.s32 s3, s2  }
0x8d: {  	s2 =	sadd.s32 s2, s17  }
0x8e: {  	[smem:$0x3FBC] =	sst s2  }
0x8f: {  	_ = 	snop  }
0x90: {  	s2 =	sld [smem:$0x3FC4]  }
0x91: {  	s18 =	sld [smem:$0x3FD0];
	(tm) =	ssettm $0x1  }
0x92: {  	s4 =	sld [smem:$0x3FFB];
	_ =	sdelay $0x3  }
0x93: {  	_ =	strace s4  }
0x94: {  	s4 =	sld [smem:$0x3FFC];
	_ =	sdelay $0x3  }
0x95: {  	_ =	strace s4  }
0x96: {  	s4 =	sld [smem:$0x3FFD];
	_ =	sdelay $0x3  }
0x97: {  	_ =	strace s4  }
0x98: {  	_ =	strace $0x8FFFFFFF  }
0x99: {  	s19 =	sld [smem:$0x3FDB];
	_ =	sdelay $0x1  }
0x9a: {  	s5 =	simm.s32 $_scs_section_size  }
0x9b: {  	s6 =	simm.s32 $_size__tile_overlayer_lowered;
	s7 =	simm.s32 $_tile_overlayer_lowered  }
0x9c: {  	s22 =	simm.s32 $0x1BFF;
	s21 =	sshll.u32 s7, $0x1;
	s4 =	sadd.s32 s5, s19  }
0x9d: {  	s8 =	simm.s32 $0x0;
	s20 =	sshll.u32 s6, $0x1;
	s6 =	sadd.s32 s21, s4  }
0x9e: {  	[timem:s8], [sflag:s22] =	dma.local [hbm:s6], s20  }
0x9f: {  	_ =	swait.ge [sflag:s22], s20  }
0xa0: {  	s5 =	ssub.s32 $0x0, s20;
	[sflag:s22] =	ssyncset.done $0x0  }
0xa1: {  	[sflag:s22] =	ssyncadd.s32 s5;
	_ =	sdelay $0x1  }
0xa2: {  	s23 =	simm.s32 $0x1B8B  }
0xa3: {  	_ =	swait.ge [sflag:s23], $0x1  }
0xa4: {  	[sflag:s23] =	ssyncset.done $0x0  }
0xa5: {  	s25 =	simm.s32 $0x1B8E;
	s24 =	sld [smem:$0x3FFE];
	[sflag:s23] =	ssyncadd.s32 $0xFFFFFFFF  }
0xa6: {  	s26 =	simm.s32 $execute0_lowered;
	[smem:$0x3FD2] =	sst s25  }
0xa7: {  	s6 =	sshll.u32 s26, $0x1;
	_ =	strace $0x80000046;
	[dreg:$0x1] =	wrdreg $0xFFFFFFFF  }
0xa8: {  	s28 =	simm.s32 $_size_execute0_lowered;
	s4 =	sadd.s32 s4, s6;
	[dreg:$0x0] =	wrdreg $0x0  }
0xa9: {  	s6 =	sshll.u32 s28, $0x1;
	[dreg:$0x2] =	wrdreg s4  }
0xaa: {  	[dreg:$0x3] =	wrdreg s6  }
0xab: {  	[dreg:$0x4] =	wrdreg $0xC0  }
0xac: {  	_ =	task [dreg:s8], $0x5FFFF  }
0xad: {  	[dreg:$0x1] =	wrdreg $0xFFFFFFFF  }
0xae: {  	[dreg:$0x0] =	wrdreg $0x60  }
0xaf: {  	[dreg:$0x2] =	wrdreg s18  }
0xb0: {  	[dreg:$0x3] =	wrdreg s2  }
0xb1: {  	[dreg:$0x4] =	wrdreg s24  }
0xb2: {  	[dreg:$0x5] =	wrdreg $0x9  }
0xb3: {  	_ =	task.clear_ibuf [dreg:s8], $0x6FFFF;
	_ =	strace $0x90000046  }
0xb4: {  	s29 =	simm.s32 $0x9;
	_ =	strace $0x80000048  }
0xb5: {  	_ =	swait.ge [sflag:s29], $0x1  }
0xb6: {  	[sflag:s29] =	ssyncadd.s32 $0xFFFFFFFF  }
0xb7: {  	_ =	strace $0x90000048  }
0xb8: {  	_ =	sfence  }
0xb9: {  	s30 =	sld [smem:$0x0];
	_ =	sdelay $0x2  }
0xba: {  	s31 =	sshll.u32 s1, $0xD;
	s1 =	sshrl.u32 s1, $0x2  }
0xbb: {  	s3 =	sand.u32 $0x4000, s31;
	s1 =	sadd.s32 s1, s30  }
0xbc: {  	s0 =	sor.u32 s3, s0;
	s1 =	sshll.u32 s1, $0x11  }
0xbd: {  	s0 =	sor.u32 s1, s0  }
0xbe: {  	s0 =	sadd.s32 $0x8F2B, s0  }
0xbf: {  	[sflag:s0] =	ssyncadd.remote.s32 $0x1  }
0xc0: {  	_ =	sfence.sel $0xFFFF  }
0xc1: {  	[dreg:$0x0] =	wrdreg $0xFFFFFFFF;
	(pc) =	sbr.abs _section_cstart, $3  }
0xc2: {  	[dreg:$0x1] =	wrdreg $0xFFFFFFFF  }
0xc3: {  	_ =	task.clear_ibuf [dreg:s8], $0x2FFFF;
	_ =	strace $0x9FFFFFFF  }
0xc4: {  	(tm) =	ssettm $0x7FFFFFFF  }
0xc5: {  	_ =	shalt  }
tec
execute0_lowered:
.L_overlay_start_1:
0x0: {  	(tag) =	ssettag $0x1  }
0x1: {  	s6 =	rddreg [dreg:$0x0]  }
0x2: {  	s2 =	rddreg [dreg:$0x1]  }
0x3: {  	s4 =	rddreg [dreg:$0x2]  }
0x4: {  	s0 =	rddreg [dreg:$0x3]  }
0x5: {  	s1 =	stileid.u32;
	s7 =	srdreg.scid  }
0x6: {  	s3 =	simm.s32 $0x0;
	s11 =	simm.s32 $0x100;
	s12 =	simm.s32 $0x8280  }
0x7: {  	s13 =	simm.s32 $0x180;
	s14 =	simm.s32 $0xC280;
	s15 =	simm.s32 $0x200  }
0x8: {  	s16 =	simm.s32 $0x10280;
	s17 =	simm.s32 $0x1;
	s5 =	smul.u32 $0x32000, s1  }
0x9: {  	s18 =	simm.s32 $0x0;
	s7 =	sand.u32 $0x1, s7;
	s8 =	smul.u32 $0x3200, s1  }
0xa: {  	[smem:$0x7FF] =	sst s3;
	s9 =	smul.u32 $0x1900, s7;
	s10 =	ssub.s32 $0x2, s7  }
0xb: {  	_ =	strace $0x80000047;
	s7 =	smul.u32 $0x19000, s7;
	s31 =	sshrl.u32 s10, $0x1  }
0xc: {  	s4 =	sadd.s32 s5, s4;
	s8 =	sadd.s32 s9, s8;
	s5 =	ssub.s32 s10, s31  }
0xd: {  	s7 =	sadd.s32 s7, s4;
	s9 =	simm.s32 $0x280;
	s10 =	simm.s32 $0x4280  }
0xe: {  	s8 =	sshrl.u32 s8, $0x3;
	s4 =	smax.u32 s5, $0x1;
	s5 =	sadd.s32 $0x1A00, s7  }
0xf: {  	s7 =	simm.s32 $0x2;
	s6 =	sadd.s32 s8, s6;
	s8 =	simm.s32 $0x80  }
.LBB2_1:
0x10: {  	[tilespmem:s3], [sflag:$0x2] =	stream.linear.gather [hbm4b:s6+s3], $0x280, $0x38;
	[tilespmem:$0x14280] =	vst v63  }
0x11: {  	_ =	swait.ge [sflag:s7], $0x280  }
0x12: {  	[sflag:s7] =	ssyncset.done $0x0  }
0x13: {  	[sflag:s7] =	ssyncadd.s32 $0xFFFFFD80  }
0x14: {  	[tilespmem:s9], [sflag:$0x1] =	stream.indirect.gather [hbm4b:s2+s8], $0x80, s3, s8, $0xb8;
	[tilespmem:$0x14280] =	vst v63  }
0x15: {  	_ = 	snop  }
0x16: {  	[tilespmem:s10], [sflag:$0x1] =	stream.indirect.gather [hbm4b:s2+s8], $0x80, s8, s8, $0xb8;
	[tilespmem:$0x14280] =	vst v63  }
0x17: {  	_ = 	snop  }
0x18: {  	[tilespmem:s12], [sflag:$0x1] =	stream.indirect.gather [hbm4b:s2+s8], $0x80, s11, s8, $0xb8;
	[tilespmem:$0x14280] =	vst v63  }
0x19: {  	_ = 	snop  }
0x1a: {  	[tilespmem:s14], [sflag:$0x1] =	stream.indirect.gather [hbm4b:s2+s8], $0x80, s13, s8, $0xb8;
	[tilespmem:$0x14280] =	vst v63  }
0x1b: {  	_ = 	snop  }
0x1c: {  	[tilespmem:s16], [sflag:$0x1] =	stream.indirect.gather [hbm4b:s2+s8], $0x80, s15, s8, $0xb8;
	[tilespmem:$0x14280] =	vst v63  }
0x1d: {  	_ =	swait.ge [sflag:s17], $0x4000  }
0x1e: {  	[sflag:s17] =	ssyncset.done $0x0  }
0x1f: {  	s19 =	sadd.s32 $0x0, s5;
	[sflag:s17] =	ssyncadd.s32 $0xFFFFC000  }
0x20: {  	[hbm4b:s19+s3] =	stream.linear.scatter [tilespmem:s9], [sflag:$0x2], $0x4000, $0x38;
	[tilespmem:$0x14280] =	vst v63  }
0x21: {  	_ =	swait.ge [sflag:s7], $0x4000  }
0x22: {  	[sflag:s7] =	ssyncset.done $0x0  }
0x23: {  	[sflag:s7] =	ssyncadd.s32 $0xFFFFC000  }
0x24: {  	_ =	swait.ge [sflag:s17], $0x4000  }
0x25: {  	[sflag:s17] =	ssyncset.done $0x0  }
0x26: {  	s20 =	sadd.s32 $0x800, s19;
	[sflag:s17] =	ssyncadd.s32 $0xFFFFC000  }
0x27: {  	[hbm4b:s20+s3] =	stream.linear.scatter [tilespmem:s10], [sflag:$0x2], $0x4000, $0x38;
	[tilespmem:$0x14280] =	vst v63  }
0x28: {  	_ =	swait.ge [sflag:s7], $0x4000  }
0x29: {  	[sflag:s7] =	ssyncset.done $0x0  }
0x2a: {  	[sflag:s7] =	ssyncadd.s32 $0xFFFFC000  }
0x2b: {  	_ =	swait.ge [sflag:s17], $0x4000  }
0x2c: {  	[sflag:s17] =	ssyncset.done $0x0  }
0x2d: {  	s30 =	sadd.s32 $0x1000, s19;
	[sflag:s17] =	ssyncadd.s32 $0xFFFFC000  }
0x2e: {  	[hbm4b:s30+s3] =	stream.linear.scatter [tilespmem:s12], [sflag:$0x2], $0x4000, $0x38;
	[tilespmem:$0x14280] =	vst v63  }
0x2f: {  	_ =	swait.ge [sflag:s7], $0x4000  }
0x30: {  	[sflag:s7] =	ssyncset.done $0x0  }
0x31: {  	[sflag:s7] =	ssyncadd.s32 $0xFFFFC000  }
0x32: {  	_ =	swait.ge [sflag:s17], $0x4000  }
0x33: {  	[sflag:s17] =	ssyncset.done $0x0  }
0x34: {  	s31 =	sadd.s32 $0x1800, s19;
	[sflag:s17] =	ssyncadd.s32 $0xFFFFC000  }
0x35: {  	[hbm4b:s31+s3] =	stream.linear.scatter [tilespmem:s14], [sflag:$0x2], $0x4000, $0x38;
	[tilespmem:$0x14280] =	vst v63  }
0x36: {  	_ =	swait.ge [sflag:s7], $0x4000  }
0x37: {  	[sflag:s7] =	ssyncset.done $0x0  }
0x38: {  	[sflag:s7] =	ssyncadd.s32 $0xFFFFC000  }
0x39: {  	_ =	swait.ge [sflag:s17], $0x4000  }
0x3a: {  	[sflag:s17] =	ssyncset.done $0x0  }
0x3b: {  	s19 =	sadd.s32 $0x2000, s19;
	[sflag:s17] =	ssyncadd.s32 $0xFFFFC000  }
0x3c: {  	[hbm4b:s19+s3] =	stream.linear.scatter [tilespmem:s16], [sflag:$0x2], $0x4000, $0x38;
	[tilespmem:$0x14280] =	vst v63  }
0x3d: {  	_ =	swait.ge [sflag:s7], $0x4000  }
0x3e: {  	s20 =	smov.u32 s6;
	s19 =	simm.s32 $0x2800;
	[sflag:s7] =	ssyncset.done $0x0  }
.LBB2_2:
0x3f: {  	p0 =	sne.s32 s19, $0x16800;
	[sflag:s7] =	ssyncadd.s32 $0xFFFFC000;
	s20 =	sadd.s32 $0x50, s20  }
0x40: {  	[tilespmem:s3], [sflag:$0x2] =	stream.linear.gather [hbm4b:s20+s3], $0x280, $0x38;
	[tilespmem:$0x14280] =	vst v63  }
0x41: {  	s21 =	smov.u32 s19;
	s19 =	sadd.s32 $0x2800, s19;
	_ =	swait.ge [sflag:s7], $0x280  }
0x42: {  	[sflag:s7] =	ssyncset.done $0x0  }
0x43: {  	[sflag:s7] =	ssyncadd.s32 $0xFFFFFD80  }
0x44: {  	[tilespmem:s9], [sflag:$0x1] =	stream.indirect.gather [hbm4b:s2+s8], $0x80, s3, s8, $0xb8;
	[tilespmem:$0x14280] =	vst v63  }
0x45: {  	_ = 	snop  }
0x46: {  	[tilespmem:s10], [sflag:$0x1] =	stream.indirect.gather [hbm4b:s2+s8], $0x80, s8, s8, $0xb8;
	[tilespmem:$0x14280] =	vst v63  }
0x47: {  	_ = 	snop  }
0x48: {  	[tilespmem:s12], [sflag:$0x1] =	stream.indirect.gather [hbm4b:s2+s8], $0x80, s11, s8, $0xb8;
	[tilespmem:$0x14280] =	vst v63  }
0x49: {  	_ = 	snop  }
0x4a: {  	[tilespmem:s14], [sflag:$0x1] =	stream.indirect.gather [hbm4b:s2+s8], $0x80, s13, s8, $0xb8;
	[tilespmem:$0x14280] =	vst v63  }
0x4b: {  	_ = 	snop  }
0x4c: {  	[tilespmem:s16], [sflag:$0x1] =	stream.indirect.gather [hbm4b:s2+s8], $0x80, s15, s8, $0xb8;
	[tilespmem:$0x14280] =	vst v63  }
0x4d: {  	_ =	swait.ge [sflag:s17], $0x4000  }
0x4e: {  	[sflag:s17] =	ssyncset.done $0x0  }
0x4f: {  	s21 =	sadd.s32 s21, s5;
	[sflag:s17] =	ssyncadd.s32 $0xFFFFC000  }
0x50: {  	[hbm4b:s21+s3] =	stream.linear.scatter [tilespmem:s9], [sflag:$0x2], $0x4000, $0x38;
	[tilespmem:$0x14280] =	vst v63  }
0x51: {  	_ =	swait.ge [sflag:s7], $0x4000  }
0x52: {  	[sflag:s7] =	ssyncset.done $0x0  }
0x53: {  	[sflag:s7] =	ssyncadd.s32 $0xFFFFC000  }
0x54: {  	_ =	swait.ge [sflag:s17], $0x4000  }
0x55: {  	[sflag:s17] =	ssyncset.done $0x0  }
0x56: {  	s22 =	sadd.s32 $0x800, s21;
	[sflag:s17] =	ssyncadd.s32 $0xFFFFC000  }
0x57: {  	[hbm4b:s22+s3] =	stream.linear.scatter [tilespmem:s10], [sflag:$0x2], $0x4000, $0x38;
	[tilespmem:$0x14280] =	vst v63  }
0x58: {  	_ =	swait.ge [sflag:s7], $0x4000  }
0x59: {  	[sflag:s7] =	ssyncset.done $0x0  }
0x5a: {  	[sflag:s7] =	ssyncadd.s32 $0xFFFFC000  }
0x5b: {  	_ =	swait.ge [sflag:s17], $0x4000  }
0x5c: {  	[sflag:s17] =	ssyncset.done $0x0  }
0x5d: {  	s22 =	sadd.s32 $0x1000, s21;
	[sflag:s17] =	ssyncadd.s32 $0xFFFFC000  }
0x5e: {  	[hbm4b:s22+s3] =	stream.linear.scatter [tilespmem:s12], [sflag:$0x2], $0x4000, $0x38;
	[tilespmem:$0x14280] =	vst v63  }
0x5f: {  	_ =	swait.ge [sflag:s7], $0x4000  }
0x60: {  	[sflag:s7] =	ssyncset.done $0x0  }
0x61: {  	[sflag:s7] =	ssyncadd.s32 $0xFFFFC000  }
0x62: {  	_ =	swait.ge [sflag:s17], $0x4000  }
0x63: {  	[sflag:s17] =	ssyncset.done $0x0  }
0x64: {  	s22 =	sadd.s32 $0x1800, s21;
	[sflag:s17] =	ssyncadd.s32 $0xFFFFC000  }
0x65: {  	[hbm4b:s22+s3] =	stream.linear.scatter [tilespmem:s14], [sflag:$0x2], $0x4000, $0x38;
	[tilespmem:$0x14280] =	vst v63  }
0x66: {  	_ =	swait.ge [sflag:s7], $0x4000  }
0x67: {  	[sflag:s7] =	ssyncset.done $0x0  }
0x68: {  	[sflag:s7] =	ssyncadd.s32 $0xFFFFC000  }
0x69: {  	_ =	swait.ge [sflag:s17], $0x4000  }
.Ltmp0:
0x6a: {  	[sflag:s17] =	ssyncset.done $0x0;
	(pc) =	sbr.rel @p0 .LBB2_2-.Ltmp0, $4  }
0x6b: {  	s21 =	sadd.s32 $0x2000, s21;
	[sflag:s17] =	ssyncadd.s32 $0xFFFFC000  }
0x6c: {  	[hbm4b:s21+s3] =	stream.linear.scatter [tilespmem:s16], [sflag:$0x2], $0x4000, $0x38;
	[tilespmem:$0x14280] =	vst v63  }
0x6d: {  	_ =	swait.ge [sflag:s7], $0x4000  }
0x6e: {  	[sflag:s7] =	ssyncset.done $0x0  }
0x6f: {  	s18 =	sadd.s32 $0x1, s18  }
0x70: {  	p0 =	sne.s32 s18, s4  }
.Ltmp1:
0x71: {  	_ = 	snop;
	(pc) =	sbr.rel @p0 .LBB2_1-.Ltmp1, $2  }
0x72: {  	_ =	sdelay $0x2  }
0x73: {  	[sflag:s7] =	ssyncadd.s32 $0xFFFFC000  }
0x74: {  	_ =	sfence.sel $0x180000  }
0x75: {  	[bflag:$0x0] =	sbarrier.arrive $0xFFFF  }
0x76: {  	p0 =	sne.s32 s1, $0x0;
	_ =	strace $0x90000047  }
0x77: {  	s0 =	sadd.s32 @!p0 $0x100000, s0;
	[bflag:$0x2] =	sbarrier.arrive $0xFFFF  }
0x78: {  	[sflag:s0] =	ssyncadd.tile.s32 @!p0 $0x1;
	_ =	shalt  }
.Lfunc_end2:
_tile_overlayer_lowered:
.L_overlay_start_2:
0x79: {  	(tag) =	ssettag $0x2  }
0x7a: {  	s0 =	rddreg [dreg:$0x0];
	s2 =	stileid.u32  }
0x7b: {  	s1 =	rddreg [dreg:$0x1];
	p0 =	sne.s32 s2, $0x0  }
0x7c: {  	s3 =	rddreg [dreg:$0x2];
	[bflag:$0x3] =	sbarrier.arrive $0xFFFF;
	s2 =	simm.s32 @!p0 $0x1C02  }
0x7d: {  	[timem:s3], [sflag:s2] =	dma.local @!p0 [hbm:s0], s1  }
0x7e: {  	s0 =	simm.s32 @!p0 $0x2  }
0x7f: {  	_ =	swait.ge @!p0 [sflag:s0], s1  }
0x80: {  	s1 =	ssub.s32 @!p0 $0x0, s1;
	[sflag:s0] =	ssyncset.done @!p0 $0x0  }
0x81: {  	[sflag:s0] =	ssyncadd.s32 @!p0 s1  }
0x82: {  	[bflag:$0x3] =	sbarrier.arrive $0xFFFF  }
0x83: {  	_ =	shalt  }

</sc_bundles>
